<compile_context>
chip_gen: v7x
topology: tpu7x:2x2x1
jax: 0.10.2.dev20260603
libtpu: 0.0.44.dev20260713+nightly
codegen_flags: <defaults>
</compile_context>

<pallas_src>
import functools

import jax
import jax.numpy as jnp
from jax import lax
from jax.experimental import pallas as pl
from jax.experimental.pallas import tpu as pltpu
from jax.experimental.pallas import tpu_sc as plsc

N_NODES = 10000
N_EDGES = 320000

_NCORES = 2
_NSUB = 16
_CHUNK = 80


def _make_segsum(n, e, d, nbuf, tc_tiling):
    nw = _NCORES * _NSUB
    epw = e // nw
    nch = epw // _CHUNK
    rps = (n // _NSUB) // 8 * 8
    tail = n - rps * _NSUB
    assert tail % 8 == 0

    mesh = plsc.VectorSubcoreMesh(core_axis_name="c", subcore_axis_name="s")

    @functools.partial(
        pl.kernel,
        out_type=jax.ShapeDtypeStruct((_NCORES * n, d), jnp.float32),
        mesh=mesh,
        compiler_params=pltpu.CompilerParams(use_tc_tiling_on_sc=tc_tiling),
        scratch_types=[
            pltpu.VMEM((epw,), jnp.int32),
            pltpu.VMEM((epw,), jnp.int32),
            pltpu.VMEM((nbuf, _CHUNK, d), jnp.float32),
            pltpu.VMEM_SHARED((n, d), jnp.float32),
            pltpu.SemaphoreType.DMA((nbuf,)),
        ],
    )
    def segsum(x_hbm, edges_hbm, zeros_hbm, out_hbm,
               srcbuf, dstbuf, rows, acc, sems):
        c = lax.axis_index("c")
        s = lax.axis_index("s")
        w = c * _NSUB + s
        pltpu.sync_copy(zeros_hbm.at[pl.ds(0, rps)],
                        acc.at[pl.ds(s * rps, rps)])

        @pl.when(s == 0)
        def _():
            pltpu.sync_copy(zeros_hbm.at[pl.ds(0, tail)],
                            acc.at[pl.ds(rps * _NSUB, tail)])

        base = pl.multiple_of(w * epw, 8)
        pltpu.sync_copy(edges_hbm.at[0, pl.ds(base, epw)], srcbuf)
        pltpu.sync_copy(edges_hbm.at[1, pl.ds(base, epw)], dstbuf)
        plsc.subcore_barrier()

        def src_idx(g):
            return srcbuf.at[pl.ds(pl.multiple_of(g * _CHUNK, 8), _CHUNK)]

        def dst_idx(g):
            return dstbuf.at[pl.ds(pl.multiple_of(g * _CHUNK, 8), _CHUNK)]

        for b in range(nbuf):
            pltpu.async_copy(x_hbm.at[src_idx(b)], rows.at[b], sems.at[b])

        @pl.loop(0, nch, step=nbuf)
        def _(g0):
            for b in range(nbuf):
                g = g0 + b

                @pl.when(g < nch)
                def _():
                    pltpu.make_async_copy(x_hbm.at[src_idx(g)], rows.at[b],
                                          sems.at[b]).wait()
                    pltpu.sync_copy(rows.at[b], acc.at[dst_idx(g)],
                                    add=True)
                    nxt = g + nbuf

                    @pl.when(nxt < nch)
                    def _():
                        pltpu.async_copy(x_hbm.at[src_idx(nxt)],
                                         rows.at[b], sems.at[b])

        plsc.subcore_barrier()
        pltpu.sync_copy(acc.at[pl.ds(s * rps, rps)],
                        out_hbm.at[pl.ds(c * n + s * rps, rps)])

        @pl.when(s == 0)
        def _():
            pltpu.sync_copy(acc.at[pl.ds(rps * _NSUB, tail)],
                            out_hbm.at[pl.ds(c * n + rps * _NSUB, tail)])

    return segsum


_segsum64 = _make_segsum(N_NODES, N_EDGES, 64, 10, False)

_BLOCK = 2000
_NBLK = N_NODES // _BLOCK


def _row_spec(d):
    return pl.BlockSpec((_BLOCK, d), lambda i: (i, 0))


def _half_spec(d, half):
    return pl.BlockSpec((_BLOCK, d), lambda i, h=half: (i + h * _NBLK, 0))


def _full_spec(r, c):
    return pl.BlockSpec((r, c), lambda i: (0, 0))


def _proj_body(x_ref, w_ref, v_ref):
    v_ref[...] = jnp.dot(x_ref[...], w_ref[...],
                         preferred_element_type=jnp.float32)


_proj = pl.pallas_call(
    _proj_body,
    grid=(_NBLK,),
    in_specs=[_row_spec(128), _full_spec(128, 64)],
    out_specs=_row_spec(64),
    out_shape=jax.ShapeDtypeStruct((N_NODES, 64), jnp.float32),
)


def _mid_body(eps_ref, v_ref, a0_ref, a1_ref, ba_ref, wb_ref, bb_ref,
              w2a_ref, emb_ref, u_ref):
    t = jnp.maximum((1.0 + eps_ref[0]) * v_ref[...] + a0_ref[...]
                    + a1_ref[...] + ba_ref[...], 0.0)
    emb = jnp.dot(t, wb_ref[...], preferred_element_type=jnp.float32) \
        + bb_ref[...]
    emb_ref[...] = emb
    h2 = jnp.maximum(emb, 0.0)
    u_ref[...] = jnp.dot(h2, w2a_ref[...], preferred_element_type=jnp.float32)


_mid = pl.pallas_call(
    _mid_body,
    grid=(_NBLK,),
    in_specs=[
        pl.BlockSpec(memory_space=pltpu.SMEM),
        _row_spec(64), _half_spec(64, 0), _half_spec(64, 1),
        _full_spec(1, 64), _full_spec(64, 64), _full_spec(1, 64),
        _full_spec(64, 64),
    ],
    out_specs=[_row_spec(64), _row_spec(64)],
    out_shape=[jax.ShapeDtypeStruct((N_NODES, 64), jnp.float32),
               jax.ShapeDtypeStruct((N_NODES, 64), jnp.float32)],
)


def _out_body(eps_ref, u_ref, a0_ref, a1_ref, ba_ref, wb_ref, bb_ref,
              o_ref):
    t = jnp.maximum((1.0 + eps_ref[0]) * u_ref[...] + a0_ref[...]
                    + a1_ref[...] + ba_ref[...], 0.0)
    o_ref[...] = jnp.dot(t, wb_ref[...], preferred_element_type=jnp.float32) \
        + bb_ref[...]


_out = pl.pallas_call(
    _out_body,
    grid=(_NBLK,),
    in_specs=[
        pl.BlockSpec(memory_space=pltpu.SMEM),
        _row_spec(64), _half_spec(64, 0), _half_spec(64, 1),
        _full_spec(1, 64), _full_spec(64, 64), _full_spec(1, 64),
    ],
    out_specs=_row_spec(64),
    out_shape=jax.ShapeDtypeStruct((N_NODES, 64), jnp.float32),
)


def kernel(x, W1a, b1a, W1b, b1b, eps1, W2a, b2a, W2b, b2b, eps2, edge_index):
    n = x.shape[0]
    rps = (n // _NSUB) // 8 * 8
    z64 = jnp.zeros((rps, 64), jnp.float32)

    v = _proj(x, W1a)
    aggv = _segsum64(v, edge_index, z64)
    eps1v = jnp.reshape(eps1, (1,))
    emb, u = _mid(eps1v, v, aggv, aggv,
                  jnp.reshape(b1a, (1, -1)), W1b,
                  jnp.reshape(b1b, (1, -1)), W2a)

    aggu = _segsum64(u, edge_index, z64)
    eps2v = jnp.reshape(eps2, (1,))
    logits = _out(eps2v, u, aggu, aggu,
                  jnp.reshape(b2a, (1, -1)), W2b,
                  jnp.reshape(b2b, (1, -1)))
    return (logits, emb)

# --- scband reference (transcript-rebuilt; emitter-appended) ---
"""Pipeline reference for scband-ginnet-20804821581835 (READ-ONLY COPY).

The authoritative reference and input builder live on the scoring server;
editing this copy changes nothing except your own understanding.
"""

import jax, jax.numpy as jnp
import numpy as np

N_NODES = 10000
N_EDGES = 320000
NF = 128
HC = 64
NC = 64


def setup_inputs(seed: int = 0) -> dict:
    key = jax.random.key(seed)
    ks = jax.random.split(key, 14)
    x = jax.random.normal(ks[0], (N_NODES, NF), dtype=jnp.float32)
    edge_index = jax.random.randint(ks[1], (2, N_EDGES), 0, N_NODES, dtype=jnp.int32)
    # GINConv 1 MLP: Linear(nf, hc) -> ReLU -> Linear(hc, hc), plus learnable eps1
    W1a = jax.random.normal(ks[2], (NF, HC), dtype=jnp.float32) / np.sqrt(NF)
    b1a = jnp.zeros((HC,), dtype=jnp.float32)
    W1b = jax.random.normal(ks[3], (HC, HC), dtype=jnp.float32) / np.sqrt(HC)
    b1b = jnp.zeros((HC,), dtype=jnp.float32)
    eps1 = jnp.zeros((), dtype=jnp.float32)
    # GINConv 2 MLP: Linear(hc, hc) -> ReLU -> Linear(hc, nc), plus learnable eps2
    W2a = jax.random.normal(ks[4], (HC, HC), dtype=jnp.float32) / np.sqrt(HC)
    b2a = jnp.zeros((HC,), dtype=jnp.float32)
    W2b = jax.random.normal(ks[5], (HC, NC), dtype=jnp.float32) / np.sqrt(HC)
    b2b = jnp.zeros((NC,), dtype=jnp.float32)
    eps2 = jnp.zeros((), dtype=jnp.float32)
    return {
        "x": x,
        "W1a": W1a, "b1a": b1a, "W1b": W1b, "b1b": b1b, "eps1": eps1,
        "W2a": W2a, "b2a": b2a, "W2b": W2b, "b2b": b2b, "eps2": eps2,
        "edge_index": edge_index,
    }


def reference(x, W1a, b1a, W1b, b1b, eps1, W2a, b2a, W2b, b2b, eps2, edge_index):
    # GINConv: out = MLP((1 + eps) * x + sum_{j in N(i)} x_j)
    src = edge_index[0]
    dst = edge_index[1]
    n = x.shape[0]
    # layer 1
    agg1 = jax.ops.segment_sum(jnp.take(x, src, axis=0), dst, num_segments=n)
    h1 = (1.0 + eps1) * x + agg1
    emb = jnp.maximum(h1 @ W1a + b1a, 0.0) @ W1b + b1b  # embedding_output
    # ReLU + dropout (eval mode -> identity)
    h2 = jnp.maximum(emb, 0.0)
    # layer 2
    agg2 = jax.ops.segment_sum(jnp.take(h2, src, axis=0), dst, num_segments=n)
    h3 = (1.0 + eps2) * h2 + agg2
    logits = jnp.maximum(h3 @ W2a + b2a, 0.0) @ W2b + b2b
    return (logits, emb)

if __name__ == "__main__":
    import jax
    _d = setup_inputs()
    print(jax.jit(kernel)(*tuple(_d.values())))

</pallas_src>

<mosaic_0001>
#map = affine_map<(d0, d1) -> (0, 0)>
module attributes {stable_mosaic.version = 14 : i64} {
  func.func @segsum(%arg0: i32, %arg1: i32, %arg2: memref<10000x64xf32, #tpu.memory_space<hbm>>, %arg3: memref<2x320000xi32, #tpu.memory_space<hbm>>, %arg4: memref<624x64xf32, #tpu.memory_space<hbm>>, %arg5: memref<20000x64xf32, #tpu.memory_space<hbm>>, %arg6: memref<10000xi32, #tpu.memory_space<vmem>>, %arg7: memref<10000xi32, #tpu.memory_space<vmem>>, %arg8: memref<10x80x64xf32, #tpu.memory_space<vmem>>, %arg9: memref<10000x64xf32, #tpu.memory_space<vmem_shared>>, %arg10: memref<10x!tpu.dma_semaphore, #tpu.memory_space<semaphore_mem>>) attributes {dimension_semantics = [#tpu.dimension_semantics<core_parallel>, #tpu.dimension_semantics<subcore_parallel>], iteration_bounds = array<i64: 2, 16>, scalar_prefetch = 0 : i64, scratch_operands = 5 : i64, tpu.core_type = #tpu.core_type<sc_vector_subcore>, window_params = [{transform_indices = #map}, {transform_indices = #map}, {transform_indices = #map}, {transform_indices = #map}]} {
    %mul3A = arith.constant 16 : i32
    %mul3A_0 = arith.muli %arg0, %mul3A : i32
    %add3A = arith.addi %mul3A_0, %arg1 : i32
    %mul3A_1 = arith.constant 624 : i32
    %mul3A_2 = arith.muli %arg1, %mul3A_1 : i32
    "tpu.region"() ({
      %run_scoped3A_164 = tpu.sem_alloc : memref<!tpu.dma_semaphore, #tpu.memory_space<semaphore_mem>>
      %dma_start3A_165 = arith.constant 0 : i32
      %dma_start3A_166 = tpu.memref_slice %arg9[%mul3A_2, %dma_start3A_165] : memref<10000x64xf32, #tpu.memory_space<vmem_shared>> -> memref<624x64xf32, #tpu.memory_space<vmem_shared>>
      %dma_start3A_167 = arith.constant 0 : i32
      %dma_start3A_168 = arith.constant 0 : i32
      %dma_start3A_169 = tpu.memref_slice %arg4[%dma_start3A_167, %dma_start3A_168] : memref<624x64xf32, #tpu.memory_space<hbm>> -> memref<624x64xf32, #tpu.memory_space<hbm>>
      tpu.enqueue_dma source(%dma_start3A_169 : memref<624x64xf32, #tpu.memory_space<hbm>>) target(%dma_start3A_166 : memref<624x64xf32, #tpu.memory_space<vmem_shared>>) target_semaphore(%run_scoped3A_164 : memref<!tpu.dma_semaphore, #tpu.memory_space<semaphore_mem>>)
      %dma_wait3A = arith.constant 0 : i32
      %dma_wait3A_170 = tpu.memref_slice %arg9[%mul3A_2, %dma_wait3A] : memref<10000x64xf32, #tpu.memory_space<vmem_shared>> -> memref<624x64xf32, #tpu.memory_space<vmem_shared>>
      %dma_wait3A_171 = arith.constant 0 : i32
      %dma_wait3A_172 = arith.constant 0 : i32
      %dma_wait3A_173 = tpu.memref_slice %arg4[%dma_wait3A_171, %dma_wait3A_172] : memref<624x64xf32, #tpu.memory_space<hbm>> -> memref<624x64xf32, #tpu.memory_space<hbm>>
      tpu.wait_dma2 semaphore(%run_scoped3A_164 : memref<!tpu.dma_semaphore, #tpu.memory_space<semaphore_mem>>) src(%dma_wait3A_173 : memref<624x64xf32, #tpu.memory_space<hbm>>) dst(%dma_wait3A_170 : memref<624x64xf32, #tpu.memory_space<vmem_shared>>)
      tpu.yield
    }) : () -> ()
    %eq3A = arith.constant 0 : i32
    %eq3A_3 = arith.cmpi eq, %arg1, %eq3A : i32
    %convert_element_type3A = arith.extui %eq3A_3 : i1 to i32
    %cond3A = arith.constant 0 : i32
    %cond3A_4 = arith.cmpi ne, %convert_element_type3A, %cond3A : i32
    scf.if %cond3A_4 {
      "tpu.region"() ({
        %run_scoped3A_164 = tpu.sem_alloc : memref<!tpu.dma_semaphore, #tpu.memory_space<semaphore_mem>>
        %dma_start3A_165 = arith.constant 9984 : i32
        %dma_start3A_166 = arith.constant 0 : i32
        %dma_start3A_167 = tpu.memref_slice %arg9[%dma_start3A_165, %dma_start3A_166] : memref<10000x64xf32, #tpu.memory_space<vmem_shared>> -> memref<16x64xf32, #tpu.memory_space<vmem_shared>>
        %dma_start3A_168 = arith.constant 0 : i32
        %dma_start3A_169 = arith.constant 0 : i32
        %dma_start3A_170 = tpu.memref_slice %arg4[%dma_start3A_168, %dma_start3A_169] : memref<624x64xf32, #tpu.memory_space<hbm>> -> memref<16x64xf32, #tpu.memory_space<hbm>>
        tpu.enqueue_dma source(%dma_start3A_170 : memref<16x64xf32, #tpu.memory_space<hbm>>) target(%dma_start3A_167 : memref<16x64xf32, #tpu.memory_space<vmem_shared>>) target_semaphore(%run_scoped3A_164 : memref<!tpu.dma_semaphore, #tpu.memory_space<semaphore_mem>>)
        %dma_wait3A = arith.constant 9984 : i32
        %dma_wait3A_171 = arith.constant 0 : i32
        %dma_wait3A_172 = tpu.memref_slice %arg9[%dma_wait3A, %dma_wait3A_171] : memref<10000x64xf32, #tpu.memory_space<vmem_shared>> -> memref<16x64xf32, #tpu.memory_space<vmem_shared>>
        %dma_wait3A_173 = arith.constant 0 : i32
        %dma_wait3A_174 = arith.constant 0 : i32
        %dma_wait3A_175 = tpu.memref_slice %arg4[%dma_wait3A_173, %dma_wait3A_174] : memref<624x64xf32, #tpu.memory_space<hbm>> -> memref<16x64xf32, #tpu.memory_space<hbm>>
        tpu.wait_dma2 semaphore(%run_scoped3A_164 : memref<!tpu.dma_semaphore, #tpu.memory_space<semaphore_mem>>) src(%dma_wait3A_175 : memref<16x64xf32, #tpu.memory_space<hbm>>) dst(%dma_wait3A_172 : memref<16x64xf32, #tpu.memory_space<vmem_shared>>)
        tpu.yield
      }) : () -> ()
    } else {
    }
    %mul3A_5 = arith.constant 10000 : i32
    %mul3A_6 = arith.muli %add3A, %mul3A_5 : i32
    %multiple_of3A = tpu.assume_multiple %mul3A_6, 8 : i32
    %run_scoped3A = arith.constant 0 : i32
    "tpu.region"() ({
      %run_scoped3A_164 = tpu.sem_alloc : memref<!tpu.dma_semaphore, #tpu.memory_space<semaphore_mem>>
      %dma_start3A_165 = tpu.memref_slice %arg3[%run_scoped3A, %multiple_of3A] : memref<2x320000xi32, #tpu.memory_space<hbm>> -> memref<1x10000xi32, #tpu.memory_space<hbm>>
      %dma_start3A_166 = tpu.memref_squeeze %dma_start3A_165 : memref<1x10000xi32, #tpu.memory_space<hbm>> -> memref<10000xi32, #tpu.memory_space<hbm>>
      %dma_start3A_167 = tpu.memref_slice %arg3[%run_scoped3A, %multiple_of3A] : memref<2x320000xi32, #tpu.memory_space<hbm>> -> memref<1x10000xi32, #tpu.memory_space<hbm>>
      %dma_start3A_168 = tpu.memref_squeeze %dma_start3A_167 : memref<1x10000xi32, #tpu.memory_space<hbm>> -> memref<10000xi32, #tpu.memory_space<hbm>>
      tpu.enqueue_dma source(%dma_start3A_168 : memref<10000xi32, #tpu.memory_space<hbm>>) target(%arg6 : memref<10000xi32, #tpu.memory_space<vmem>>) target_semaphore(%run_scoped3A_164 : memref<!tpu.dma_semaphore, #tpu.memory_space<semaphore_mem>>)
      %dma_wait3A = tpu.memref_slice %arg3[%run_scoped3A, %multiple_of3A] : memref<2x320000xi32, #tpu.memory_space<hbm>> -> memref<1x10000xi32, #tpu.memory_space<hbm>>
      %dma_wait3A_169 = tpu.memref_squeeze %dma_wait3A : memref<1x10000xi32, #tpu.memory_space<hbm>> -> memref<10000xi32, #tpu.memory_space<hbm>>
      %dma_wait3A_170 = tpu.memref_slice %arg3[%run_scoped3A, %multiple_of3A] : memref<2x320000xi32, #tpu.memory_space<hbm>> -> memref<1x10000xi32, #tpu.memory_space<hbm>>
      %dma_wait3A_171 = tpu.memref_squeeze %dma_wait3A_170 : memref<1x10000xi32, #tpu.memory_space<hbm>> -> memref<10000xi32, #tpu.memory_space<hbm>>
      tpu.wait_dma2 semaphore(%run_scoped3A_164 : memref<!tpu.dma_semaphore, #tpu.memory_space<semaphore_mem>>) src(%dma_wait3A_171 : memref<10000xi32, #tpu.memory_space<hbm>>) dst(%arg6 : memref<10000xi32, #tpu.memory_space<vmem>>)
      tpu.yield
    }) : () -> ()
    %run_scoped3A_7 = arith.constant 1 : i32
    "tpu.region"() ({
      %run_scoped3A_164 = tpu.sem_alloc : memref<!tpu.dma_semaphore, #tpu.memory_space<semaphore_mem>>
      %dma_start3A_165 = tpu.memref_slice %arg3[%run_scoped3A_7, %multiple_of3A] : memref<2x320000xi32, #tpu.memory_space<hbm>> -> memref<1x10000xi32, #tpu.memory_space<hbm>>
      %dma_start3A_166 = tpu.memref_squeeze %dma_start3A_165 : memref<1x10000xi32, #tpu.memory_space<hbm>> -> memref<10000xi32, #tpu.memory_space<hbm>>
      %dma_start3A_167 = tpu.memref_slice %arg3[%run_scoped3A_7, %multiple_of3A] : memref<2x320000xi32, #tpu.memory_space<hbm>> -> memref<1x10000xi32, #tpu.memory_space<hbm>>
      %dma_start3A_168 = tpu.memref_squeeze %dma_start3A_167 : memref<1x10000xi32, #tpu.memory_space<hbm>> -> memref<10000xi32, #tpu.memory_space<hbm>>
      tpu.enqueue_dma source(%dma_start3A_168 : memref<10000xi32, #tpu.memory_space<hbm>>) target(%arg7 : memref<10000xi32, #tpu.memory_space<vmem>>) target_semaphore(%run_scoped3A_164 : memref<!tpu.dma_semaphore, #tpu.memory_space<semaphore_mem>>)
      %dma_wait3A = tpu.memref_slice %arg3[%run_scoped3A_7, %multiple_of3A] : memref<2x320000xi32, #tpu.memory_space<hbm>> -> memref<1x10000xi32, #tpu.memory_space<hbm>>
      %dma_wait3A_169 = tpu.memref_squeeze %dma_wait3A : memref<1x10000xi32, #tpu.memory_space<hbm>> -> memref<10000xi32, #tpu.memory_space<hbm>>
      %dma_wait3A_170 = tpu.memref_slice %arg3[%run_scoped3A_7, %multiple_of3A] : memref<2x320000xi32, #tpu.memory_space<hbm>> -> memref<1x10000xi32, #tpu.memory_space<hbm>>
      %dma_wait3A_171 = tpu.memref_squeeze %dma_wait3A_170 : memref<1x10000xi32, #tpu.memory_space<hbm>> -> memref<10000xi32, #tpu.memory_space<hbm>>
      tpu.wait_dma2 semaphore(%run_scoped3A_164 : memref<!tpu.dma_semaphore, #tpu.memory_space<semaphore_mem>>) src(%dma_wait3A_171 : memref<10000xi32, #tpu.memory_space<hbm>>) dst(%arg7 : memref<10000xi32, #tpu.memory_space<vmem>>)
      tpu.yield
    }) : () -> ()
    %barrier3A = arith.constant 0 : index
    tpu.barrier barrier_id(%barrier3A)
    %multiple_of3A_8 = arith.constant 0 : i32
    %multiple_of3A_9 = tpu.assume_multiple %multiple_of3A_8, 8 : i32
    %dma_start3A = arith.constant 0 : i32
    %dma_start3A_10 = arith.constant 0 : i32
    %dma_start3A_11 = arith.constant 0 : i32
    %dma_start3A_12 = arith.constant 0 : i32
    %dma_start3A_13 = tpu.memref_slice %arg8[%dma_start3A, %dma_start3A_11, %dma_start3A_12] : memref<10x80x64xf32, #tpu.memory_space<vmem>> -> memref<1x80x64xf32, #tpu.memory_space<vmem>>
    %dma_start3A_14 = tpu.memref_squeeze %dma_start3A_13 : memref<1x80x64xf32, #tpu.memory_space<vmem>> -> memref<80x64xf32, #tpu.memory_space<vmem>>
    %dma_start3A_15 = tpu.memref_slice %arg6[%multiple_of3A_9] : memref<10000xi32, #tpu.memory_space<vmem>> -> memref<80xi32, #tpu.memory_space<vmem>>
    %dma_start3A_16 = arith.constant 0 : i32
    %dma_start3A_17 = arith.constant 0 : i32
    %dma_start3A_18 = tpu.memref_slice %arg2[%dma_start3A_16, %dma_start3A_17] : memref<10000x64xf32, #tpu.memory_space<hbm>> -> memref<10000x64xf32, #tpu.memory_space<hbm>>
    %dma_start3A_19 = tpu.memref_slice %arg10[%dma_start3A_10] : memref<10x!tpu.dma_semaphore, #tpu.memory_space<semaphore_mem>> -> memref<1x!tpu.dma_semaphore, #tpu.memory_space<semaphore_mem>>
    %dma_start3A_20 = tpu.memref_squeeze %dma_start3A_19 : memref<1x!tpu.dma_semaphore, #tpu.memory_space<semaphore_mem>> -> memref<!tpu.dma_semaphore, #tpu.memory_space<semaphore_mem>>
    tpu.enqueue_indirect_dma source(%dma_start3A_18 : memref<10000x64xf32, #tpu.memory_space<hbm>>) target(%dma_start3A_14 : memref<80x64xf32, #tpu.memory_space<vmem>>) offsets(%dma_start3A_15 : memref<80xi32, #tpu.memory_space<vmem>>) semaphore(%dma_start3A_20 : memref<!tpu.dma_semaphore, #tpu.memory_space<semaphore_mem>>)
    %multiple_of3A_21 = arith.constant 80 : i32
    %multiple_of3A_22 = tpu.assume_multiple %multiple_of3A_21, 8 : i32
    %dma_start3A_23 = arith.constant 1 : i32
    %dma_start3A_24 = arith.constant 1 : i32
    %dma_start3A_25 = arith.constant 0 : i32
    %dma_start3A_26 = arith.constant 0 : i32
    %dma_start3A_27 = tpu.memref_slice %arg8[%dma_start3A_23, %dma_start3A_25, %dma_start3A_26] : memref<10x80x64xf32, #tpu.memory_space<vmem>> -> memref<1x80x64xf32, #tpu.memory_space<vmem>>
    %dma_start3A_28 = tpu.memref_squeeze %dma_start3A_27 : memref<1x80x64xf32, #tpu.memory_space<vmem>> -> memref<80x64xf32, #tpu.memory_space<vmem>>
    %dma_start3A_29 = tpu.memref_slice %arg6[%multiple_of3A_22] : memref<10000xi32, #tpu.memory_space<vmem>> -> memref<80xi32, #tpu.memory_space<vmem>>
    %dma_start3A_30 = arith.constant 0 : i32
    %dma_start3A_31 = arith.constant 0 : i32
    %dma_start3A_32 = tpu.memref_slice %arg2[%dma_start3A_30, %dma_start3A_31] : memref<10000x64xf32, #tpu.memory_space<hbm>> -> memref<10000x64xf32, #tpu.memory_space<hbm>>
    %dma_start3A_33 = tpu.memref_slice %arg10[%dma_start3A_24] : memref<10x!tpu.dma_semaphore, #tpu.memory_space<semaphore_mem>> -> memref<1x!tpu.dma_semaphore, #tpu.memory_space<semaphore_mem>>
    %dma_start3A_34 = tpu.memref_squeeze %dma_start3A_33 : memref<1x!tpu.dma_semaphore, #tpu.memory_space<semaphore_mem>> -> memref<!tpu.dma_semaphore, #tpu.memory_space<semaphore_mem>>
    tpu.enqueue_indirect_dma source(%dma_start3A_32 : memref<10000x64xf32, #tpu.memory_space<hbm>>) target(%dma_start3A_28 : memref<80x64xf32, #tpu.memory_space<vmem>>) offsets(%dma_start3A_29 : memref<80xi32, #tpu.memory_space<vmem>>) semaphore(%dma_start3A_34 : memref<!tpu.dma_semaphore, #tpu.memory_space<semaphore_mem>>)
    %multiple_of3A_35 = arith.constant 160 : i32
    %multiple_of3A_36 = tpu.assume_multiple %multiple_of3A_35, 8 : i32
    %dma_start3A_37 = arith.constant 2 : i32
    %dma_start3A_38 = arith.constant 2 : i32
    %dma_start3A_39 = arith.constant 0 : i32
    %dma_start3A_40 = arith.constant 0 : i32
    %dma_start3A_41 = tpu.memref_slice %arg8[%dma_start3A_37, %dma_start3A_39, %dma_start3A_40] : memref<10x80x64xf32, #tpu.memory_space<vmem>> -> memref<1x80x64xf32, #tpu.memory_space<vmem>>
    %dma_start3A_42 = tpu.memref_squeeze %dma_start3A_41 : memref<1x80x64xf32, #tpu.memory_space<vmem>> -> memref<80x64xf32, #tpu.memory_space<vmem>>
    %dma_start3A_43 = tpu.memref_slice %arg6[%multiple_of3A_36] : memref<10000xi32, #tpu.memory_space<vmem>> -> memref<80xi32, #tpu.memory_space<vmem>>
    %dma_start3A_44 = arith.constant 0 : i32
    %dma_start3A_45 = arith.constant 0 : i32
    %dma_start3A_46 = tpu.memref_slice %arg2[%dma_start3A_44, %dma_start3A_45] : memref<10000x64xf32, #tpu.memory_space<hbm>> -> memref<10000x64xf32, #tpu.memory_space<hbm>>
    %dma_start3A_47 = tpu.memref_slice %arg10[%dma_start3A_38] : memref<10x!tpu.dma_semaphore, #tpu.memory_space<semaphore_mem>> -> memref<1x!tpu.dma_semaphore, #tpu.memory_space<semaphore_mem>>
    %dma_start3A_48 = tpu.memref_squeeze %dma_start3A_47 : memref<1x!tpu.dma_semaphore, #tpu.memory_space<semaphore_mem>> -> memref<!tpu.dma_semaphore, #tpu.memory_space<semaphore_mem>>
    tpu.enqueue_indirect_dma source(%dma_start3A_46 : memref<10000x64xf32, #tpu.memory_space<hbm>>) target(%dma_start3A_42 : memref<80x64xf32, #tpu.memory_space<vmem>>) offsets(%dma_start3A_43 : memref<80xi32, #tpu.memory_space<vmem>>) semaphore(%dma_start3A_48 : memref<!tpu.dma_semaphore, #tpu.memory_space<semaphore_mem>>)
    %multiple_of3A_49 = arith.constant 240 : i32
    %multiple_of3A_50 = tpu.assume_multiple %multiple_of3A_49, 8 : i32
    %dma_start3A_51 = arith.constant 3 : i32
    %dma_start3A_52 = arith.constant 3 : i32
    %dma_start3A_53 = arith.constant 0 : i32
    %dma_start3A_54 = arith.constant 0 : i32
    %dma_start3A_55 = tpu.memref_slice %arg8[%dma_start3A_51, %dma_start3A_53, %dma_start3A_54] : memref<10x80x64xf32, #tpu.memory_space<vmem>> -> memref<1x80x64xf32, #tpu.memory_space<vmem>>
    %dma_start3A_56 = tpu.memref_squeeze %dma_start3A_55 : memref<1x80x64xf32, #tpu.memory_space<vmem>> -> memref<80x64xf32, #tpu.memory_space<vmem>>
    %dma_start3A_57 = tpu.memref_slice %arg6[%multiple_of3A_50] : memref<10000xi32, #tpu.memory_space<vmem>> -> memref<80xi32, #tpu.memory_space<vmem>>
    %dma_start3A_58 = arith.constant 0 : i32
    %dma_start3A_59 = arith.constant 0 : i32
    %dma_start3A_60 = tpu.memref_slice %arg2[%dma_start3A_58, %dma_start3A_59] : memref<10000x64xf32, #tpu.memory_space<hbm>> -> memref<10000x64xf32, #tpu.memory_space<hbm>>
    %dma_start3A_61 = tpu.memref_slice %arg10[%dma_start3A_52] : memref<10x!tpu.dma_semaphore, #tpu.memory_space<semaphore_mem>> -> memref<1x!tpu.dma_semaphore, #tpu.memory_space<semaphore_mem>>
    %dma_start3A_62 = tpu.memref_squeeze %dma_start3A_61 : memref<1x!tpu.dma_semaphore, #tpu.memory_space<semaphore_mem>> -> memref<!tpu.dma_semaphore, #tpu.memory_space<semaphore_mem>>
    tpu.enqueue_indirect_dma source(%dma_start3A_60 : memref<10000x64xf32, #tpu.memory_space<hbm>>) target(%dma_start3A_56 : memref<80x64xf32, #tpu.memory_space<vmem>>) offsets(%dma_start3A_57 : memref<80xi32, #tpu.memory_space<vmem>>) semaphore(%dma_start3A_62 : memref<!tpu.dma_semaphore, #tpu.memory_space<semaphore_mem>>)
    %multiple_of3A_63 = arith.constant 320 : i32
    %multiple_of3A_64 = tpu.assume_multiple %multiple_of3A_63, 8 : i32
    %dma_start3A_65 = arith.constant 4 : i32
    %dma_start3A_66 = arith.constant 4 : i32
    %dma_start3A_67 = arith.constant 0 : i32
    %dma_start3A_68 = arith.constant 0 : i32
    %dma_start3A_69 = tpu.memref_slice %arg8[%dma_start3A_65, %dma_start3A_67, %dma_start3A_68] : memref<10x80x64xf32, #tpu.memory_space<vmem>> -> memref<1x80x64xf32, #tpu.memory_space<vmem>>
    %dma_start3A_70 = tpu.memref_squeeze %dma_start3A_69 : memref<1x80x64xf32, #tpu.memory_space<vmem>> -> memref<80x64xf32, #tpu.memory_space<vmem>>
    %dma_start3A_71 = tpu.memref_slice %arg6[%multiple_of3A_64] : memref<10000xi32, #tpu.memory_space<vmem>> -> memref<80xi32, #tpu.memory_space<vmem>>
    %dma_start3A_72 = arith.constant 0 : i32
    %dma_start3A_73 = arith.constant 0 : i32
    %dma_start3A_74 = tpu.memref_slice %arg2[%dma_start3A_72, %dma_start3A_73] : memref<10000x64xf32, #tpu.memory_space<hbm>> -> memref<10000x64xf32, #tpu.memory_space<hbm>>
    %dma_start3A_75 = tpu.memref_slice %arg10[%dma_start3A_66] : memref<10x!tpu.dma_semaphore, #tpu.memory_space<semaphore_mem>> -> memref<1x!tpu.dma_semaphore, #tpu.memory_space<semaphore_mem>>
    %dma_start3A_76 = tpu.memref_squeeze %dma_start3A_75 : memref<1x!tpu.dma_semaphore, #tpu.memory_space<semaphore_mem>> -> memref<!tpu.dma_semaphore, #tpu.memory_space<semaphore_mem>>
    tpu.enqueue_indirect_dma source(%dma_start3A_74 : memref<10000x64xf32, #tpu.memory_space<hbm>>) target(%dma_start3A_70 : memref<80x64xf32, #tpu.memory_space<vmem>>) offsets(%dma_start3A_71 : memref<80xi32, #tpu.memory_space<vmem>>) semaphore(%dma_start3A_76 : memref<!tpu.dma_semaphore, #tpu.memory_space<semaphore_mem>>)
    %multiple_of3A_77 = arith.constant 400 : i32
    %multiple_of3A_78 = tpu.assume_multiple %multiple_of3A_77, 8 : i32
    %dma_start3A_79 = arith.constant 5 : i32
    %dma_start3A_80 = arith.constant 5 : i32
    %dma_start3A_81 = arith.constant 0 : i32
    %dma_start3A_82 = arith.constant 0 : i32
    %dma_start3A_83 = tpu.memref_slice %arg8[%dma_start3A_79, %dma_start3A_81, %dma_start3A_82] : memref<10x80x64xf32, #tpu.memory_space<vmem>> -> memref<1x80x64xf32, #tpu.memory_space<vmem>>
    %dma_start3A_84 = tpu.memref_squeeze %dma_start3A_83 : memref<1x80x64xf32, #tpu.memory_space<vmem>> -> memref<80x64xf32, #tpu.memory_space<vmem>>
    %dma_start3A_85 = tpu.memref_slice %arg6[%multiple_of3A_78] : memref<10000xi32, #tpu.memory_space<vmem>> -> memref<80xi32, #tpu.memory_space<vmem>>
    %dma_start3A_86 = arith.constant 0 : i32
    %dma_start3A_87 = arith.constant 0 : i32
    %dma_start3A_88 = tpu.memref_slice %arg2[%dma_start3A_86, %dma_start3A_87] : memref<10000x64xf32, #tpu.memory_space<hbm>> -> memref<10000x64xf32, #tpu.memory_space<hbm>>
    %dma_start3A_89 = tpu.memref_slice %arg10[%dma_start3A_80] : memref<10x!tpu.dma_semaphore, #tpu.memory_space<semaphore_mem>> -> memref<1x!tpu.dma_semaphore, #tpu.memory_space<semaphore_mem>>
    %dma_start3A_90 = tpu.memref_squeeze %dma_start3A_89 : memref<1x!tpu.dma_semaphore, #tpu.memory_space<semaphore_mem>> -> memref<!tpu.dma_semaphore, #tpu.memory_space<semaphore_mem>>
    tpu.enqueue_indirect_dma source(%dma_start3A_88 : memref<10000x64xf32, #tpu.memory_space<hbm>>) target(%dma_start3A_84 : memref<80x64xf32, #tpu.memory_space<vmem>>) offsets(%dma_start3A_85 : memref<80xi32, #tpu.memory_space<vmem>>) semaphore(%dma_start3A_90 : memref<!tpu.dma_semaphore, #tpu.memory_space<semaphore_mem>>)
    %multiple_of3A_91 = arith.constant 480 : i32
    %multiple_of3A_92 = tpu.assume_multiple %multiple_of3A_91, 8 : i32
    %dma_start3A_93 = arith.constant 6 : i32
    %dma_start3A_94 = arith.constant 6 : i32
    %dma_start3A_95 = arith.constant 0 : i32
    %dma_start3A_96 = arith.constant 0 : i32
    %dma_start3A_97 = tpu.memref_slice %arg8[%dma_start3A_93, %dma_start3A_95, %dma_start3A_96] : memref<10x80x64xf32, #tpu.memory_space<vmem>> -> memref<1x80x64xf32, #tpu.memory_space<vmem>>
    %dma_start3A_98 = tpu.memref_squeeze %dma_start3A_97 : memref<1x80x64xf32, #tpu.memory_space<vmem>> -> memref<80x64xf32, #tpu.memory_space<vmem>>
    %dma_start3A_99 = tpu.memref_slice %arg6[%multiple_of3A_92] : memref<10000xi32, #tpu.memory_space<vmem>> -> memref<80xi32, #tpu.memory_space<vmem>>
    %dma_start3A_100 = arith.constant 0 : i32
    %dma_start3A_101 = arith.constant 0 : i32
    %dma_start3A_102 = tpu.memref_slice %arg2[%dma_start3A_100, %dma_start3A_101] : memref<10000x64xf32, #tpu.memory_space<hbm>> -> memref<10000x64xf32, #tpu.memory_space<hbm>>
    %dma_start3A_103 = tpu.memref_slice %arg10[%dma_start3A_94] : memref<10x!tpu.dma_semaphore, #tpu.memory_space<semaphore_mem>> -> memref<1x!tpu.dma_semaphore, #tpu.memory_space<semaphore_mem>>
    %dma_start3A_104 = tpu.memref_squeeze %dma_start3A_103 : memref<1x!tpu.dma_semaphore, #tpu.memory_space<semaphore_mem>> -> memref<!tpu.dma_semaphore, #tpu.memory_space<semaphore_mem>>
    tpu.enqueue_indirect_dma source(%dma_start3A_102 : memref<10000x64xf32, #tpu.memory_space<hbm>>) target(%dma_start3A_98 : memref<80x64xf32, #tpu.memory_space<vmem>>) offsets(%dma_start3A_99 : memref<80xi32, #tpu.memory_space<vmem>>) semaphore(%dma_start3A_104 : memref<!tpu.dma_semaphore, #tpu.memory_space<semaphore_mem>>)
    %multiple_of3A_105 = arith.constant 560 : i32
    %multiple_of3A_106 = tpu.assume_multiple %multiple_of3A_105, 8 : i32
    %dma_start3A_107 = arith.constant 7 : i32
    %dma_start3A_108 = arith.constant 7 : i32
    %dma_start3A_109 = arith.constant 0 : i32
    %dma_start3A_110 = arith.constant 0 : i32
    %dma_start3A_111 = tpu.memref_slice %arg8[%dma_start3A_107, %dma_start3A_109, %dma_start3A_110] : memref<10x80x64xf32, #tpu.memory_space<vmem>> -> memref<1x80x64xf32, #tpu.memory_space<vmem>>
    %dma_start3A_112 = tpu.memref_squeeze %dma_start3A_111 : memref<1x80x64xf32, #tpu.memory_space<vmem>> -> memref<80x64xf32, #tpu.memory_space<vmem>>
    %dma_start3A_113 = tpu.memref_slice %arg6[%multiple_of3A_106] : memref<10000xi32, #tpu.memory_space<vmem>> -> memref<80xi32, #tpu.memory_space<vmem>>
    %dma_start3A_114 = arith.constant 0 : i32
    %dma_start3A_115 = arith.constant 0 : i32
    %dma_start3A_116 = tpu.memref_slice %arg2[%dma_start3A_114, %dma_start3A_115] : memref<10000x64xf32, #tpu.memory_space<hbm>> -> memref<10000x64xf32, #tpu.memory_space<hbm>>
    %dma_start3A_117 = tpu.memref_slice %arg10[%dma_start3A_108] : memref<10x!tpu.dma_semaphore, #tpu.memory_space<semaphore_mem>> -> memref<1x!tpu.dma_semaphore, #tpu.memory_space<semaphore_mem>>
    %dma_start3A_118 = tpu.memref_squeeze %dma_start3A_117 : memref<1x!tpu.dma_semaphore, #tpu.memory_space<semaphore_mem>> -> memref<!tpu.dma_semaphore, #tpu.memory_space<semaphore_mem>>
    tpu.enqueue_indirect_dma source(%dma_start3A_116 : memref<10000x64xf32, #tpu.memory_space<hbm>>) target(%dma_start3A_112 : memref<80x64xf32, #tpu.memory_space<vmem>>) offsets(%dma_start3A_113 : memref<80xi32, #tpu.memory_space<vmem>>) semaphore(%dma_start3A_118 : memref<!tpu.dma_semaphore, #tpu.memory_space<semaphore_mem>>)
    %multiple_of3A_119 = arith.constant 640 : i32
    %multiple_of3A_120 = tpu.assume_multiple %multiple_of3A_119, 8 : i32
    %dma_start3A_121 = arith.constant 8 : i32
    %dma_start3A_122 = arith.constant 8 : i32
    %dma_start3A_123 = arith.constant 0 : i32
    %dma_start3A_124 = arith.constant 0 : i32
    %dma_start3A_125 = tpu.memref_slice %arg8[%dma_start3A_121, %dma_start3A_123, %dma_start3A_124] : memref<10x80x64xf32, #tpu.memory_space<vmem>> -> memref<1x80x64xf32, #tpu.memory_space<vmem>>
    %dma_start3A_126 = tpu.memref_squeeze %dma_start3A_125 : memref<1x80x64xf32, #tpu.memory_space<vmem>> -> memref<80x64xf32, #tpu.memory_space<vmem>>
    %dma_start3A_127 = tpu.memref_slice %arg6[%multiple_of3A_120] : memref<10000xi32, #tpu.memory_space<vmem>> -> memref<80xi32, #tpu.memory_space<vmem>>
    %dma_start3A_128 = arith.constant 0 : i32
    %dma_start3A_129 = arith.constant 0 : i32
    %dma_start3A_130 = tpu.memref_slice %arg2[%dma_start3A_128, %dma_start3A_129] : memref<10000x64xf32, #tpu.memory_space<hbm>> -> memref<10000x64xf32, #tpu.memory_space<hbm>>
    %dma_start3A_131 = tpu.memref_slice %arg10[%dma_start3A_122] : memref<10x!tpu.dma_semaphore, #tpu.memory_space<semaphore_mem>> -> memref<1x!tpu.dma_semaphore, #tpu.memory_space<semaphore_mem>>
    %dma_start3A_132 = tpu.memref_squeeze %dma_start3A_131 : memref<1x!tpu.dma_semaphore, #tpu.memory_space<semaphore_mem>> -> memref<!tpu.dma_semaphore, #tpu.memory_space<semaphore_mem>>
    tpu.enqueue_indirect_dma source(%dma_start3A_130 : memref<10000x64xf32, #tpu.memory_space<hbm>>) target(%dma_start3A_126 : memref<80x64xf32, #tpu.memory_space<vmem>>) offsets(%dma_start3A_127 : memref<80xi32, #tpu.memory_space<vmem>>) semaphore(%dma_start3A_132 : memref<!tpu.dma_semaphore, #tpu.memory_space<semaphore_mem>>)
    %multiple_of3A_133 = arith.constant 720 : i32
    %multiple_of3A_134 = tpu.assume_multiple %multiple_of3A_133, 8 : i32
    %dma_start3A_135 = arith.constant 9 : i32
    %dma_start3A_136 = arith.constant 9 : i32
    %dma_start3A_137 = arith.constant 0 : i32
    %dma_start3A_138 = arith.constant 0 : i32
    %dma_start3A_139 = tpu.memref_slice %arg8[%dma_start3A_135, %dma_start3A_137, %dma_start3A_138] : memref<10x80x64xf32, #tpu.memory_space<vmem>> -> memref<1x80x64xf32, #tpu.memory_space<vmem>>
    %dma_start3A_140 = tpu.memref_squeeze %dma_start3A_139 : memref<1x80x64xf32, #tpu.memory_space<vmem>> -> memref<80x64xf32, #tpu.memory_space<vmem>>
    %dma_start3A_141 = tpu.memref_slice %arg6[%multiple_of3A_134] : memref<10000xi32, #tpu.memory_space<vmem>> -> memref<80xi32, #tpu.memory_space<vmem>>
    %dma_start3A_142 = arith.constant 0 : i32
    %dma_start3A_143 = arith.constant 0 : i32
    %dma_start3A_144 = tpu.memref_slice %arg2[%dma_start3A_142, %dma_start3A_143] : memref<10000x64xf32, #tpu.memory_space<hbm>> -> memref<10000x64xf32, #tpu.memory_space<hbm>>
    %dma_start3A_145 = tpu.memref_slice %arg10[%dma_start3A_136] : memref<10x!tpu.dma_semaphore, #tpu.memory_space<semaphore_mem>> -> memref<1x!tpu.dma_semaphore, #tpu.memory_space<semaphore_mem>>
    %dma_start3A_146 = tpu.memref_squeeze %dma_start3A_145 : memref<1x!tpu.dma_semaphore, #tpu.memory_space<semaphore_mem>> -> memref<!tpu.dma_semaphore, #tpu.memory_space<semaphore_mem>>
    tpu.enqueue_indirect_dma source(%dma_start3A_144 : memref<10000x64xf32, #tpu.memory_space<hbm>>) target(%dma_start3A_140 : memref<80x64xf32, #tpu.memory_space<vmem>>) offsets(%dma_start3A_141 : memref<80xi32, #tpu.memory_space<vmem>>) semaphore(%dma_start3A_146 : memref<!tpu.dma_semaphore, #tpu.memory_space<semaphore_mem>>)
    %scan3A = arith.constant 0 : i32
    %scan3A_147 = arith.constant 13 : i32
    %scan3A_148 = arith.addi %scan3A, %scan3A_147 : i32
    %scan3A_149 = arith.constant 1 : i32
    scf.for %scan3A_164 = %scan3A to %scan3A_148 step %scan3A_149  : i32 {
      %mul3A_165 = arith.constant 10 : i32
      %mul3A_166 = arith.muli %scan3A_164, %mul3A_165 : i32
      %add3A_167 = arith.constant 0 : i32
      %add3A_168 = arith.addi %add3A_167, %mul3A_166 : i32
      %add3A_169 = arith.constant 0 : i32
      %add3A_170 = arith.addi %add3A_168, %add3A_169 : i32
      %lt3A = arith.constant 125 : i32
      %lt3A_171 = arith.cmpi slt, %add3A_170, %lt3A : i32
      %convert_element_type3A_172 = arith.extui %lt3A_171 : i1 to i32
      %cond3A_173 = arith.constant 0 : i32
      %cond3A_174 = arith.cmpi ne, %convert_element_type3A_172, %cond3A_173 : i32
      scf.if %cond3A_174 {
        %mul3A_238 = arith.constant 80 : i32
        %mul3A_239 = arith.muli %add3A_170, %mul3A_238 : i32
        %multiple_of3A_240 = tpu.assume_multiple %mul3A_239, 8 : i32
        %dma_wait3A = arith.constant 0 : i32
        %dma_wait3A_241 = arith.constant 0 : i32
        %dma_wait3A_242 = arith.constant 0 : i32
        %dma_wait3A_243 = arith.constant 0 : i32
        %dma_wait3A_244 = tpu.memref_slice %arg8[%dma_wait3A, %dma_wait3A_242, %dma_wait3A_243] : memref<10x80x64xf32, #tpu.memory_space<vmem>> -> memref<1x80x64xf32, #tpu.memory_space<vmem>>
        %dma_wait3A_245 = tpu.memref_squeeze %dma_wait3A_244 : memref<1x80x64xf32, #tpu.memory_space<vmem>> -> memref<80x64xf32, #tpu.memory_space<vmem>>
        %dma_wait3A_246 = tpu.memref_slice %arg6[%multiple_of3A_240] : memref<10000xi32, #tpu.memory_space<vmem>> -> memref<80xi32, #tpu.memory_space<vmem>>
        %dma_wait3A_247 = arith.constant 0 : i32
        %dma_wait3A_248 = arith.constant 0 : i32
        %dma_wait3A_249 = tpu.memref_slice %arg2[%dma_wait3A_247, %dma_wait3A_248] : memref<10000x64xf32, #tpu.memory_space<hbm>> -> memref<10000x64xf32, #tpu.memory_space<hbm>>
        %dma_wait3A_250 = tpu.memref_slice %arg10[%dma_wait3A_241] : memref<10x!tpu.dma_semaphore, #tpu.memory_space<semaphore_mem>> -> memref<1x!tpu.dma_semaphore, #tpu.memory_space<semaphore_mem>>
        %dma_wait3A_251 = tpu.memref_squeeze %dma_wait3A_250 : memref<1x!tpu.dma_semaphore, #tpu.memory_space<semaphore_mem>> -> memref<!tpu.dma_semaphore, #tpu.memory_space<semaphore_mem>>
        tpu.wait_indirect_dma semaphore(%dma_wait3A_251 : memref<!tpu.dma_semaphore, #tpu.memory_space<semaphore_mem>>) src(%dma_wait3A_249 : memref<10000x64xf32, #tpu.memory_space<hbm>>) dst(%dma_wait3A_245 : memref<80x64xf32, #tpu.memory_space<vmem>>)
        %mul3A_252 = arith.constant 80 : i32
        %mul3A_253 = arith.muli %add3A_170, %mul3A_252 : i32
        %multiple_of3A_254 = tpu.assume_multiple %mul3A_253, 8 : i32
        %run_scoped3A_255 = arith.constant 0 : i32
        "tpu.region"() ({
          %run_scoped3A_263 = tpu.sem_alloc : memref<!tpu.dma_semaphore, #tpu.memory_space<semaphore_mem>>
          %dma_start3A_264 = arith.constant 0 : i32
          %dma_start3A_265 = arith.constant 0 : i32
          %dma_start3A_266 = tpu.memref_slice %arg8[%run_scoped3A_255, %dma_start3A_264, %dma_start3A_265] : memref<10x80x64xf32, #tpu.memory_space<vmem>> -> memref<1x80x64xf32, #tpu.memory_space<vmem>>
          %dma_start3A_267 = tpu.memref_squeeze %dma_start3A_266 : memref<1x80x64xf32, #tpu.memory_space<vmem>> -> memref<80x64xf32, #tpu.memory_space<vmem>>
          %dma_start3A_268 = tpu.memref_slice %arg7[%multiple_of3A_254] : memref<10000xi32, #tpu.memory_space<vmem>> -> memref<80xi32, #tpu.memory_space<vmem>>
          %dma_start3A_269 = arith.constant 0 : i32
          %dma_start3A_270 = arith.constant 0 : i32
          %dma_start3A_271 = tpu.memref_slice %arg9[%dma_start3A_269, %dma_start3A_270] : memref<10000x64xf32, #tpu.memory_space<vmem_shared>> -> memref<10000x64xf32, #tpu.memory_space<vmem_shared>>
          tpu.enqueue_indirect_dma source(%dma_start3A_267 : memref<80x64xf32, #tpu.memory_space<vmem>>) target(%dma_start3A_271 : memref<10000x64xf32, #tpu.memory_space<vmem_shared>>) offsets(%dma_start3A_268 : memref<80xi32, #tpu.memory_space<vmem>>) semaphore(%run_scoped3A_263 : memref<!tpu.dma_semaphore, #tpu.memory_space<semaphore_mem>>) {add = true}
          %dma_wait3A_272 = arith.constant 0 : i32
          %dma_wait3A_273 = arith.constant 0 : i32
          %dma_wait3A_274 = tpu.memref_slice %arg8[%run_scoped3A_255, %dma_wait3A_272, %dma_wait3A_273] : memref<10x80x64xf32, #tpu.memory_space<vmem>> -> memref<1x80x64xf32, #tpu.memory_space<vmem>>
          %dma_wait3A_275 = tpu.memref_squeeze %dma_wait3A_274 : memref<1x80x64xf32, #tpu.memory_space<vmem>> -> memref<80x64xf32, #tpu.memory_space<vmem>>
          %dma_wait3A_276 = tpu.memref_slice %arg7[%multiple_of3A_254] : memref<10000xi32, #tpu.memory_space<vmem>> -> memref<80xi32, #tpu.memory_space<vmem>>
          %dma_wait3A_277 = arith.constant 0 : i32
          %dma_wait3A_278 = arith.constant 0 : i32
          %dma_wait3A_279 = tpu.memref_slice %arg9[%dma_wait3A_277, %dma_wait3A_278] : memref<10000x64xf32, #tpu.memory_space<vmem_shared>> -> memref<10000x64xf32, #tpu.memory_space<vmem_shared>>
          tpu.wait_indirect_dma semaphore(%run_scoped3A_263 : memref<!tpu.dma_semaphore, #tpu.memory_space<semaphore_mem>>) src(%dma_wait3A_275 : memref<80x64xf32, #tpu.memory_space<vmem>>) dst(%dma_wait3A_279 : memref<10000x64xf32, #tpu.memory_space<vmem_shared>>)
          tpu.yield
        }) : () -> ()
        %add3A_256 = arith.constant 10 : i32
        %add3A_257 = arith.addi %add3A_170, %add3A_256 : i32
        %lt3A_258 = arith.constant 125 : i32
        %lt3A_259 = arith.cmpi slt, %add3A_257, %lt3A_258 : i32
        %convert_element_type3A_260 = arith.extui %lt3A_259 : i1 to i32
        %cond3A_261 = arith.constant 0 : i32
        %cond3A_262 = arith.cmpi ne, %convert_element_type3A_260, %cond3A_261 : i32
        scf.if %cond3A_262 {
          %mul3A_263 = arith.constant 80 : i32
          %mul3A_264 = arith.muli %add3A_257, %mul3A_263 : i32
          %multiple_of3A_265 = tpu.assume_multiple %mul3A_264, 8 : i32
          %dma_start3A_266 = arith.constant 0 : i32
          %dma_start3A_267 = arith.constant 0 : i32
          %dma_start3A_268 = arith.constant 0 : i32
          %dma_start3A_269 = arith.constant 0 : i32
          %dma_start3A_270 = tpu.memref_slice %arg8[%dma_start3A_266, %dma_start3A_268, %dma_start3A_269] : memref<10x80x64xf32, #tpu.memory_space<vmem>> -> memref<1x80x64xf32, #tpu.memory_space<vmem>>
          %dma_start3A_271 = tpu.memref_squeeze %dma_start3A_270 : memref<1x80x64xf32, #tpu.memory_space<vmem>> -> memref<80x64xf32, #tpu.memory_space<vmem>>
          %dma_start3A_272 = tpu.memref_slice %arg6[%multiple_of3A_265] : memref<10000xi32, #tpu.memory_space<vmem>> -> memref<80xi32, #tpu.memory_space<vmem>>
          %dma_start3A_273 = arith.constant 0 : i32
          %dma_start3A_274 = arith.constant 0 : i32
          %dma_start3A_275 = tpu.memref_slice %arg2[%dma_start3A_273, %dma_start3A_274] : memref<10000x64xf32, #tpu.memory_space<hbm>> -> memref<10000x64xf32, #tpu.memory_space<hbm>>
          %dma_start3A_276 = tpu.memref_slice %arg10[%dma_start3A_267] : memref<10x!tpu.dma_semaphore, #tpu.memory_space<semaphore_mem>> -> memref<1x!tpu.dma_semaphore, #tpu.memory_space<semaphore_mem>>
          %dma_start3A_277 = tpu.memref_squeeze %dma_start3A_276 : memref<1x!tpu.dma_semaphore, #tpu.memory_space<semaphore_mem>> -> memref<!tpu.dma_semaphore, #tpu.memory_space<semaphore_mem>>
          tpu.enqueue_indirect_dma source(%dma_start3A_275 : memref<10000x64xf32, #tpu.memory_space<hbm>>) target(%dma_start3A_271 : memref<80x64xf32, #tpu.memory_space<vmem>>) offsets(%dma_start3A_272 : memref<80xi32, #tpu.memory_space<vmem>>) semaphore(%dma_start3A_277 : memref<!tpu.dma_semaphore, #tpu.memory_space<semaphore_mem>>)
        } else {
        }
      } else {
      }
      %add3A_175 = arith.constant 1 : i32
      %add3A_176 = arith.addi %add3A_168, %add3A_175 : i32
      %lt3A_177 = arith.constant 125 : i32
      %lt3A_178 = arith.cmpi slt, %add3A_176, %lt3A_177 : i32
      %convert_element_type3A_179 = arith.extui %lt3A_178 : i1 to i32
      %cond3A_180 = arith.constant 0 : i32
      %cond3A_181 = arith.cmpi ne, %convert_element_type3A_179, %cond3A_180 : i32
      scf.if %cond3A_181 {
        %mul3A_238 = arith.constant 80 : i32
        %mul3A_239 = arith.muli %add3A_176, %mul3A_238 : i32
        %multiple_of3A_240 = tpu.assume_multiple %mul3A_239, 8 : i32
        %dma_wait3A = arith.constant 1 : i32
        %dma_wait3A_241 = arith.constant 1 : i32
        %dma_wait3A_242 = arith.constant 0 : i32
        %dma_wait3A_243 = arith.constant 0 : i32
        %dma_wait3A_244 = tpu.memref_slice %arg8[%dma_wait3A, %dma_wait3A_242, %dma_wait3A_243] : memref<10x80x64xf32, #tpu.memory_space<vmem>> -> memref<1x80x64xf32, #tpu.memory_space<vmem>>
        %dma_wait3A_245 = tpu.memref_squeeze %dma_wait3A_244 : memref<1x80x64xf32, #tpu.memory_space<vmem>> -> memref<80x64xf32, #tpu.memory_space<vmem>>
        %dma_wait3A_246 = tpu.memref_slice %arg6[%multiple_of3A_240] : memref<10000xi32, #tpu.memory_space<vmem>> -> memref<80xi32, #tpu.memory_space<vmem>>
        %dma_wait3A_247 = arith.constant 0 : i32
        %dma_wait3A_248 = arith.constant 0 : i32
        %dma_wait3A_249 = tpu.memref_slice %arg2[%dma_wait3A_247, %dma_wait3A_248] : memref<10000x64xf32, #tpu.memory_space<hbm>> -> memref<10000x64xf32, #tpu.memory_space<hbm>>
        %dma_wait3A_250 = tpu.memref_slice %arg10[%dma_wait3A_241] : memref<10x!tpu.dma_semaphore, #tpu.memory_space<semaphore_mem>> -> memref<1x!tpu.dma_semaphore, #tpu.memory_space<semaphore_mem>>
        %dma_wait3A_251 = tpu.memref_squeeze %dma_wait3A_250 : memref<1x!tpu.dma_semaphore, #tpu.memory_space<semaphore_mem>> -> memref<!tpu.dma_semaphore, #tpu.memory_space<semaphore_mem>>
        tpu.wait_indirect_dma semaphore(%dma_wait3A_251 : memref<!tpu.dma_semaphore, #tpu.memory_space<semaphore_mem>>) src(%dma_wait3A_249 : memref<10000x64xf32, #tpu.memory_space<hbm>>) dst(%dma_wait3A_245 : memref<80x64xf32, #tpu.memory_space<vmem>>)
        %mul3A_252 = arith.constant 80 : i32
        %mul3A_253 = arith.muli %add3A_176, %mul3A_252 : i32
        %multiple_of3A_254 = tpu.assume_multiple %mul3A_253, 8 : i32
        %run_scoped3A_255 = arith.constant 1 : i32
        "tpu.region"() ({
          %run_scoped3A_263 = tpu.sem_alloc : memref<!tpu.dma_semaphore, #tpu.memory_space<semaphore_mem>>
          %dma_start3A_264 = arith.constant 0 : i32
          %dma_start3A_265 = arith.constant 0 : i32
          %dma_start3A_266 = tpu.memref_slice %arg8[%run_scoped3A_255, %dma_start3A_264, %dma_start3A_265] : memref<10x80x64xf32, #tpu.memory_space<vmem>> -> memref<1x80x64xf32, #tpu.memory_space<vmem>>
          %dma_start3A_267 = tpu.memref_squeeze %dma_start3A_266 : memref<1x80x64xf32, #tpu.memory_space<vmem>> -> memref<80x64xf32, #tpu.memory_space<vmem>>
          %dma_start3A_268 = tpu.memref_slice %arg7[%multiple_of3A_254] : memref<10000xi32, #tpu.memory_space<vmem>> -> memref<80xi32, #tpu.memory_space<vmem>>
          %dma_start3A_269 = arith.constant 0 : i32
          %dma_start3A_270 = arith.constant 0 : i32
          %dma_start3A_271 = tpu.memref_slice %arg9[%dma_start3A_269, %dma_start3A_270] : memref<10000x64xf32, #tpu.memory_space<vmem_shared>> -> memref<10000x64xf32, #tpu.memory_space<vmem_shared>>
          tpu.enqueue_indirect_dma source(%dma_start3A_267 : memref<80x64xf32, #tpu.memory_space<vmem>>) target(%dma_start3A_271 : memref<10000x64xf32, #tpu.memory_space<vmem_shared>>) offsets(%dma_start3A_268 : memref<80xi32, #tpu.memory_space<vmem>>) semaphore(%run_scoped3A_263 : memref<!tpu.dma_semaphore, #tpu.memory_space<semaphore_mem>>) {add = true}
          %dma_wait3A_272 = arith.constant 0 : i32
          %dma_wait3A_273 = arith.constant 0 : i32
          %dma_wait3A_274 = tpu.memref_slice %arg8[%run_scoped3A_255, %dma_wait3A_272, %dma_wait3A_273] : memref<10x80x64xf32, #tpu.memory_space<vmem>> -> memref<1x80x64xf32, #tpu.memory_space<vmem>>
          %dma_wait3A_275 = tpu.memref_squeeze %dma_wait3A_274 : memref<1x80x64xf32, #tpu.memory_space<vmem>> -> memref<80x64xf32, #tpu.memory_space<vmem>>
          %dma_wait3A_276 = tpu.memref_slice %arg7[%multiple_of3A_254] : memref<10000xi32, #tpu.memory_space<vmem>> -> memref<80xi32, #tpu.memory_space<vmem>>
          %dma_wait3A_277 = arith.constant 0 : i32
          %dma_wait3A_278 = arith.constant 0 : i32
          %dma_wait3A_279 = tpu.memref_slice %arg9[%dma_wait3A_277, %dma_wait3A_278] : memref<10000x64xf32, #tpu.memory_space<vmem_shared>> -> memref<10000x64xf32, #tpu.memory_space<vmem_shared>>
          tpu.wait_indirect_dma semaphore(%run_scoped3A_263 : memref<!tpu.dma_semaphore, #tpu.memory_space<semaphore_mem>>) src(%dma_wait3A_275 : memref<80x64xf32, #tpu.memory_space<vmem>>) dst(%dma_wait3A_279 : memref<10000x64xf32, #tpu.memory_space<vmem_shared>>)
          tpu.yield
        }) : () -> ()
        %add3A_256 = arith.constant 10 : i32
        %add3A_257 = arith.addi %add3A_176, %add3A_256 : i32
        %lt3A_258 = arith.constant 125 : i32
        %lt3A_259 = arith.cmpi slt, %add3A_257, %lt3A_258 : i32
        %convert_element_type3A_260 = arith.extui %lt3A_259 : i1 to i32
        %cond3A_261 = arith.constant 0 : i32
        %cond3A_262 = arith.cmpi ne, %convert_element_type3A_260, %cond3A_261 : i32
        scf.if %cond3A_262 {
          %mul3A_263 = arith.constant 80 : i32
          %mul3A_264 = arith.muli %add3A_257, %mul3A_263 : i32
          %multiple_of3A_265 = tpu.assume_multiple %mul3A_264, 8 : i32
          %dma_start3A_266 = arith.constant 1 : i32
          %dma_start3A_267 = arith.constant 1 : i32
          %dma_start3A_268 = arith.constant 0 : i32
          %dma_start3A_269 = arith.constant 0 : i32
          %dma_start3A_270 = tpu.memref_slice %arg8[%dma_start3A_266, %dma_start3A_268, %dma_start3A_269] : memref<10x80x64xf32, #tpu.memory_space<vmem>> -> memref<1x80x64xf32, #tpu.memory_space<vmem>>
          %dma_start3A_271 = tpu.memref_squeeze %dma_start3A_270 : memref<1x80x64xf32, #tpu.memory_space<vmem>> -> memref<80x64xf32, #tpu.memory_space<vmem>>
          %dma_start3A_272 = tpu.memref_slice %arg6[%multiple_of3A_265] : memref<10000xi32, #tpu.memory_space<vmem>> -> memref<80xi32, #tpu.memory_space<vmem>>
          %dma_start3A_273 = arith.constant 0 : i32
          %dma_start3A_274 = arith.constant 0 : i32
          %dma_start3A_275 = tpu.memref_slice %arg2[%dma_start3A_273, %dma_start3A_274] : memref<10000x64xf32, #tpu.memory_space<hbm>> -> memref<10000x64xf32, #tpu.memory_space<hbm>>
          %dma_start3A_276 = tpu.memref_slice %arg10[%dma_start3A_267] : memref<10x!tpu.dma_semaphore, #tpu.memory_space<semaphore_mem>> -> memref<1x!tpu.dma_semaphore, #tpu.memory_space<semaphore_mem>>
          %dma_start3A_277 = tpu.memref_squeeze %dma_start3A_276 : memref<1x!tpu.dma_semaphore, #tpu.memory_space<semaphore_mem>> -> memref<!tpu.dma_semaphore, #tpu.memory_space<semaphore_mem>>
          tpu.enqueue_indirect_dma source(%dma_start3A_275 : memref<10000x64xf32, #tpu.memory_space<hbm>>) target(%dma_start3A_271 : memref<80x64xf32, #tpu.memory_space<vmem>>) offsets(%dma_start3A_272 : memref<80xi32, #tpu.memory_space<vmem>>) semaphore(%dma_start3A_277 : memref<!tpu.dma_semaphore, #tpu.memory_space<semaphore_mem>>)
        } else {
        }
      } else {
      }
      %add3A_182 = arith.constant 2 : i32
      %add3A_183 = arith.addi %add3A_168, %add3A_182 : i32
      %lt3A_184 = arith.constant 125 : i32
      %lt3A_185 = arith.cmpi slt, %add3A_183, %lt3A_184 : i32
      %convert_element_type3A_186 = arith.extui %lt3A_185 : i1 to i32
      %cond3A_187 = arith.constant 0 : i32
      %cond3A_188 = arith.cmpi ne, %convert_element_type3A_186, %cond3A_187 : i32
      scf.if %cond3A_188 {
        %mul3A_238 = arith.constant 80 : i32
        %mul3A_239 = arith.muli %add3A_183, %mul3A_238 : i32
        %multiple_of3A_240 = tpu.assume_multiple %mul3A_239, 8 : i32
        %dma_wait3A = arith.constant 2 : i32
        %dma_wait3A_241 = arith.constant 2 : i32
        %dma_wait3A_242 = arith.constant 0 : i32
        %dma_wait3A_243 = arith.constant 0 : i32
        %dma_wait3A_244 = tpu.memref_slice %arg8[%dma_wait3A, %dma_wait3A_242, %dma_wait3A_243] : memref<10x80x64xf32, #tpu.memory_space<vmem>> -> memref<1x80x64xf32, #tpu.memory_space<vmem>>
        %dma_wait3A_245 = tpu.memref_squeeze %dma_wait3A_244 : memref<1x80x64xf32, #tpu.memory_space<vmem>> -> memref<80x64xf32, #tpu.memory_space<vmem>>
        %dma_wait3A_246 = tpu.memref_slice %arg6[%multiple_of3A_240] : memref<10000xi32, #tpu.memory_space<vmem>> -> memref<80xi32, #tpu.memory_space<vmem>>
        %dma_wait3A_247 = arith.constant 0 : i32
        %dma_wait3A_248 = arith.constant 0 : i32
        %dma_wait3A_249 = tpu.memref_slice %arg2[%dma_wait3A_247, %dma_wait3A_248] : memref<10000x64xf32, #tpu.memory_space<hbm>> -> memref<10000x64xf32, #tpu.memory_space<hbm>>
        %dma_wait3A_250 = tpu.memref_slice %arg10[%dma_wait3A_241] : memref<10x!tpu.dma_semaphore, #tpu.memory_space<semaphore_mem>> -> memref<1x!tpu.dma_semaphore, #tpu.memory_space<semaphore_mem>>
        %dma_wait3A_251 = tpu.memref_squeeze %dma_wait3A_250 : memref<1x!tpu.dma_semaphore, #tpu.memory_space<semaphore_mem>> -> memref<!tpu.dma_semaphore, #tpu.memory_space<semaphore_mem>>
        tpu.wait_indirect_dma semaphore(%dma_wait3A_251 : memref<!tpu.dma_semaphore, #tpu.memory_space<semaphore_mem>>) src(%dma_wait3A_249 : memref<10000x64xf32, #tpu.memory_space<hbm>>) dst(%dma_wait3A_245 : memref<80x64xf32, #tpu.memory_space<vmem>>)
        %mul3A_252 = arith.constant 80 : i32
        %mul3A_253 = arith.muli %add3A_183, %mul3A_252 : i32
        %multiple_of3A_254 = tpu.assume_multiple %mul3A_253, 8 : i32
        %run_scoped3A_255 = arith.constant 2 : i32
        "tpu.region"() ({
          %run_scoped3A_263 = tpu.sem_alloc : memref<!tpu.dma_semaphore, #tpu.memory_space<semaphore_mem>>
          %dma_start3A_264 = arith.constant 0 : i32
          %dma_start3A_265 = arith.constant 0 : i32
          %dma_start3A_266 = tpu.memref_slice %arg8[%run_scoped3A_255, %dma_start3A_264, %dma_start3A_265] : memref<10x80x64xf32, #tpu.memory_space<vmem>> -> memref<1x80x64xf32, #tpu.memory_space<vmem>>
          %dma_start3A_267 = tpu.memref_squeeze %dma_start3A_266 : memref<1x80x64xf32, #tpu.memory_space<vmem>> -> memref<80x64xf32, #tpu.memory_space<vmem>>
          %dma_start3A_268 = tpu.memref_slice %arg7[%multiple_of3A_254] : memref<10000xi32, #tpu.memory_space<vmem>> -> memref<80xi32, #tpu.memory_space<vmem>>
          %dma_start3A_269 = arith.constant 0 : i32
          %dma_start3A_270 = arith.constant 0 : i32
          %dma_start3A_271 = tpu.memref_slice %arg9[%dma_start3A_269, %dma_start3A_270] : memref<10000x64xf32, #tpu.memory_space<vmem_shared>> -> memref<10000x64xf32, #tpu.memory_space<vmem_shared>>
          tpu.enqueue_indirect_dma source(%dma_start3A_267 : memref<80x64xf32, #tpu.memory_space<vmem>>) target(%dma_start3A_271 : memref<10000x64xf32, #tpu.memory_space<vmem_shared>>) offsets(%dma_start3A_268 : memref<80xi32, #tpu.memory_space<vmem>>) semaphore(%run_scoped3A_263 : memref<!tpu.dma_semaphore, #tpu.memory_space<semaphore_mem>>) {add = true}
          %dma_wait3A_272 = arith.constant 0 : i32
          %dma_wait3A_273 = arith.constant 0 : i32
          %dma_wait3A_274 = tpu.memref_slice %arg8[%run_scoped3A_255, %dma_wait3A_272, %dma_wait3A_273] : memref<10x80x64xf32, #tpu.memory_space<vmem>> -> memref<1x80x64xf32, #tpu.memory_space<vmem>>
          %dma_wait3A_275 = tpu.memref_squeeze %dma_wait3A_274 : memref<1x80x64xf32, #tpu.memory_space<vmem>> -> memref<80x64xf32, #tpu.memory_space<vmem>>
          %dma_wait3A_276 = tpu.memref_slice %arg7[%multiple_of3A_254] : memref<10000xi32, #tpu.memory_space<vmem>> -> memref<80xi32, #tpu.memory_space<vmem>>
          %dma_wait3A_277 = arith.constant 0 : i32
          %dma_wait3A_278 = arith.constant 0 : i32
          %dma_wait3A_279 = tpu.memref_slice %arg9[%dma_wait3A_277, %dma_wait3A_278] : memref<10000x64xf32, #tpu.memory_space<vmem_shared>> -> memref<10000x64xf32, #tpu.memory_space<vmem_shared>>
          tpu.wait_indirect_dma semaphore(%run_scoped3A_263 : memref<!tpu.dma_semaphore, #tpu.memory_space<semaphore_mem>>) src(%dma_wait3A_275 : memref<80x64xf32, #tpu.memory_space<vmem>>) dst(%dma_wait3A_279 : memref<10000x64xf32, #tpu.memory_space<vmem_shared>>)
          tpu.yield
        }) : () -> ()
        %add3A_256 = arith.constant 10 : i32
        %add3A_257 = arith.addi %add3A_183, %add3A_256 : i32
        %lt3A_258 = arith.constant 125 : i32
        %lt3A_259 = arith.cmpi slt, %add3A_257, %lt3A_258 : i32
        %convert_element_type3A_260 = arith.extui %lt3A_259 : i1 to i32
        %cond3A_261 = arith.constant 0 : i32
        %cond3A_262 = arith.cmpi ne, %convert_element_type3A_260, %cond3A_261 : i32
        scf.if %cond3A_262 {
          %mul3A_263 = arith.constant 80 : i32
          %mul3A_264 = arith.muli %add3A_257, %mul3A_263 : i32
          %multiple_of3A_265 = tpu.assume_multiple %mul3A_264, 8 : i32
          %dma_start3A_266 = arith.constant 2 : i32
          %dma_start3A_267 = arith.constant 2 : i32
          %dma_start3A_268 = arith.constant 0 : i32
          %dma_start3A_269 = arith.constant 0 : i32
          %dma_start3A_270 = tpu.memref_slice %arg8[%dma_start3A_266, %dma_start3A_268, %dma_start3A_269] : memref<10x80x64xf32, #tpu.memory_space<vmem>> -> memref<1x80x64xf32, #tpu.memory_space<vmem>>
          %dma_start3A_271 = tpu.memref_squeeze %dma_start3A_270 : memref<1x80x64xf32, #tpu.memory_space<vmem>> -> memref<80x64xf32, #tpu.memory_space<vmem>>
          %dma_start3A_272 = tpu.memref_slice %arg6[%multiple_of3A_265] : memref<10000xi32, #tpu.memory_space<vmem>> -> memref<80xi32, #tpu.memory_space<vmem>>
          %dma_start3A_273 = arith.constant 0 : i32
          %dma_start3A_274 = arith.constant 0 : i32
          %dma_start3A_275 = tpu.memref_slice %arg2[%dma_start3A_273, %dma_start3A_274] : memref<10000x64xf32, #tpu.memory_space<hbm>> -> memref<10000x64xf32, #tpu.memory_space<hbm>>
          %dma_start3A_276 = tpu.memref_slice %arg10[%dma_start3A_267] : memref<10x!tpu.dma_semaphore, #tpu.memory_space<semaphore_mem>> -> memref<1x!tpu.dma_semaphore, #tpu.memory_space<semaphore_mem>>
          %dma_start3A_277 = tpu.memref_squeeze %dma_start3A_276 : memref<1x!tpu.dma_semaphore, #tpu.memory_space<semaphore_mem>> -> memref<!tpu.dma_semaphore, #tpu.memory_space<semaphore_mem>>
          tpu.enqueue_indirect_dma source(%dma_start3A_275 : memref<10000x64xf32, #tpu.memory_space<hbm>>) target(%dma_start3A_271 : memref<80x64xf32, #tpu.memory_space<vmem>>) offsets(%dma_start3A_272 : memref<80xi32, #tpu.memory_space<vmem>>) semaphore(%dma_start3A_277 : memref<!tpu.dma_semaphore, #tpu.memory_space<semaphore_mem>>)
        } else {
        }
      } else {
      }
      %add3A_189 = arith.constant 3 : i32
      %add3A_190 = arith.addi %add3A_168, %add3A_189 : i32
      %lt3A_191 = arith.constant 125 : i32
      %lt3A_192 = arith.cmpi slt, %add3A_190, %lt3A_191 : i32
      %convert_element_type3A_193 = arith.extui %lt3A_192 : i1 to i32
      %cond3A_194 = arith.constant 0 : i32
      %cond3A_195 = arith.cmpi ne, %convert_element_type3A_193, %cond3A_194 : i32
      scf.if %cond3A_195 {
        %mul3A_238 = arith.constant 80 : i32
        %mul3A_239 = arith.muli %add3A_190, %mul3A_238 : i32
        %multiple_of3A_240 = tpu.assume_multiple %mul3A_239, 8 : i32
        %dma_wait3A = arith.constant 3 : i32
        %dma_wait3A_241 = arith.constant 3 : i32
        %dma_wait3A_242 = arith.constant 0 : i32
        %dma_wait3A_243 = arith.constant 0 : i32
        %dma_wait3A_244 = tpu.memref_slice %arg8[%dma_wait3A, %dma_wait3A_242, %dma_wait3A_243] : memref<10x80x64xf32, #tpu.memory_space<vmem>> -> memref<1x80x64xf32, #tpu.memory_space<vmem>>
        %dma_wait3A_245 = tpu.memref_squeeze %dma_wait3A_244 : memref<1x80x64xf32, #tpu.memory_space<vmem>> -> memref<80x64xf32, #tpu.memory_space<vmem>>
        %dma_wait3A_246 = tpu.memref_slice %arg6[%multiple_of3A_240] : memref<10000xi32, #tpu.memory_space<vmem>> -> memref<80xi32, #tpu.memory_space<vmem>>
        %dma_wait3A_247 = arith.constant 0 : i32
        %dma_wait3A_248 = arith.constant 0 : i32
        %dma_wait3A_249 = tpu.memref_slice %arg2[%dma_wait3A_247, %dma_wait3A_248] : memref<10000x64xf32, #tpu.memory_space<hbm>> -> memref<10000x64xf32, #tpu.memory_space<hbm>>
        %dma_wait3A_250 = tpu.memref_slice %arg10[%dma_wait3A_241] : memref<10x!tpu.dma_semaphore, #tpu.memory_space<semaphore_mem>> -> memref<1x!tpu.dma_semaphore, #tpu.memory_space<semaphore_mem>>
        %dma_wait3A_251 = tpu.memref_squeeze %dma_wait3A_250 : memref<1x!tpu.dma_semaphore, #tpu.memory_space<semaphore_mem>> -> memref<!tpu.dma_semaphore, #tpu.memory_space<semaphore_mem>>
        tpu.wait_indirect_dma semaphore(%dma_wait3A_251 : memref<!tpu.dma_semaphore, #tpu.memory_space<semaphore_mem>>) src(%dma_wait3A_249 : memref<10000x64xf32, #tpu.memory_space<hbm>>) dst(%dma_wait3A_245 : memref<80x64xf32, #tpu.memory_space<vmem>>)
        %mul3A_252 = arith.constant 80 : i32
        %mul3A_253 = arith.muli %add3A_190, %mul3A_252 : i32
        %multiple_of3A_254 = tpu.assume_multiple %mul3A_253, 8 : i32
        %run_scoped3A_255 = arith.constant 3 : i32
        "tpu.region"() ({
          %run_scoped3A_263 = tpu.sem_alloc : memref<!tpu.dma_semaphore, #tpu.memory_space<semaphore_mem>>
          %dma_start3A_264 = arith.constant 0 : i32
          %dma_start3A_265 = arith.constant 0 : i32
          %dma_start3A_266 = tpu.memref_slice %arg8[%run_scoped3A_255, %dma_start3A_264, %dma_start3A_265] : memref<10x80x64xf32, #tpu.memory_space<vmem>> -> memref<1x80x64xf32, #tpu.memory_space<vmem>>
          %dma_start3A_267 = tpu.memref_squeeze %dma_start3A_266 : memref<1x80x64xf32, #tpu.memory_space<vmem>> -> memref<80x64xf32, #tpu.memory_space<vmem>>
          %dma_start3A_268 = tpu.memref_slice %arg7[%multiple_of3A_254] : memref<10000xi32, #tpu.memory_space<vmem>> -> memref<80xi32, #tpu.memory_space<vmem>>
          %dma_start3A_269 = arith.constant 0 : i32
          %dma_start3A_270 = arith.constant 0 : i32
          %dma_start3A_271 = tpu.memref_slice %arg9[%dma_start3A_269, %dma_start3A_270] : memref<10000x64xf32, #tpu.memory_space<vmem_shared>> -> memref<10000x64xf32, #tpu.memory_space<vmem_shared>>
          tpu.enqueue_indirect_dma source(%dma_start3A_267 : memref<80x64xf32, #tpu.memory_space<vmem>>) target(%dma_start3A_271 : memref<10000x64xf32, #tpu.memory_space<vmem_shared>>) offsets(%dma_start3A_268 : memref<80xi32, #tpu.memory_space<vmem>>) semaphore(%run_scoped3A_263 : memref<!tpu.dma_semaphore, #tpu.memory_space<semaphore_mem>>) {add = true}
          %dma_wait3A_272 = arith.constant 0 : i32
          %dma_wait3A_273 = arith.constant 0 : i32
          %dma_wait3A_274 = tpu.memref_slice %arg8[%run_scoped3A_255, %dma_wait3A_272, %dma_wait3A_273] : memref<10x80x64xf32, #tpu.memory_space<vmem>> -> memref<1x80x64xf32, #tpu.memory_space<vmem>>
          %dma_wait3A_275 = tpu.memref_squeeze %dma_wait3A_274 : memref<1x80x64xf32, #tpu.memory_space<vmem>> -> memref<80x64xf32, #tpu.memory_space<vmem>>
          %dma_wait3A_276 = tpu.memref_slice %arg7[%multiple_of3A_254] : memref<10000xi32, #tpu.memory_space<vmem>> -> memref<80xi32, #tpu.memory_space<vmem>>
          %dma_wait3A_277 = arith.constant 0 : i32
          %dma_wait3A_278 = arith.constant 0 : i32
          %dma_wait3A_279 = tpu.memref_slice %arg9[%dma_wait3A_277, %dma_wait3A_278] : memref<10000x64xf32, #tpu.memory_space<vmem_shared>> -> memref<10000x64xf32, #tpu.memory_space<vmem_shared>>
          tpu.wait_indirect_dma semaphore(%run_scoped3A_263 : memref<!tpu.dma_semaphore, #tpu.memory_space<semaphore_mem>>) src(%dma_wait3A_275 : memref<80x64xf32, #tpu.memory_space<vmem>>) dst(%dma_wait3A_279 : memref<10000x64xf32, #tpu.memory_space<vmem_shared>>)
          tpu.yield
        }) : () -> ()
        %add3A_256 = arith.constant 10 : i32
        %add3A_257 = arith.addi %add3A_190, %add3A_256 : i32
        %lt3A_258 = arith.constant 125 : i32
        %lt3A_259 = arith.cmpi slt, %add3A_257, %lt3A_258 : i32
        %convert_element_type3A_260 = arith.extui %lt3A_259 : i1 to i32
        %cond3A_261 = arith.constant 0 : i32
        %cond3A_262 = arith.cmpi ne, %convert_element_type3A_260, %cond3A_261 : i32
        scf.if %cond3A_262 {
          %mul3A_263 = arith.constant 80 : i32
          %mul3A_264 = arith.muli %add3A_257, %mul3A_263 : i32
          %multiple_of3A_265 = tpu.assume_multiple %mul3A_264, 8 : i32
          %dma_start3A_266 = arith.constant 3 : i32
          %dma_start3A_267 = arith.constant 3 : i32
          %dma_start3A_268 = arith.constant 0 : i32
          %dma_start3A_269 = arith.constant 0 : i32
          %dma_start3A_270 = tpu.memref_slice %arg8[%dma_start3A_266, %dma_start3A_268, %dma_start3A_269] : memref<10x80x64xf32, #tpu.memory_space<vmem>> -> memref<1x80x64xf32, #tpu.memory_space<vmem>>
          %dma_start3A_271 = tpu.memref_squeeze %dma_start3A_270 : memref<1x80x64xf32, #tpu.memory_space<vmem>> -> memref<80x64xf32, #tpu.memory_space<vmem>>
          %dma_start3A_272 = tpu.memref_slice %arg6[%multiple_of3A_265] : memref<10000xi32, #tpu.memory_space<vmem>> -> memref<80xi32, #tpu.memory_space<vmem>>
          %dma_start3A_273 = arith.constant 0 : i32
          %dma_start3A_274 = arith.constant 0 : i32
          %dma_start3A_275 = tpu.memref_slice %arg2[%dma_start3A_273, %dma_start3A_274] : memref<10000x64xf32, #tpu.memory_space<hbm>> -> memref<10000x64xf32, #tpu.memory_space<hbm>>
          %dma_start3A_276 = tpu.memref_slice %arg10[%dma_start3A_267] : memref<10x!tpu.dma_semaphore, #tpu.memory_space<semaphore_mem>> -> memref<1x!tpu.dma_semaphore, #tpu.memory_space<semaphore_mem>>
          %dma_start3A_277 = tpu.memref_squeeze %dma_start3A_276 : memref<1x!tpu.dma_semaphore, #tpu.memory_space<semaphore_mem>> -> memref<!tpu.dma_semaphore, #tpu.memory_space<semaphore_mem>>
          tpu.enqueue_indirect_dma source(%dma_start3A_275 : memref<10000x64xf32, #tpu.memory_space<hbm>>) target(%dma_start3A_271 : memref<80x64xf32, #tpu.memory_space<vmem>>) offsets(%dma_start3A_272 : memref<80xi32, #tpu.memory_space<vmem>>) semaphore(%dma_start3A_277 : memref<!tpu.dma_semaphore, #tpu.memory_space<semaphore_mem>>)
        } else {
        }
      } else {
      }
      %add3A_196 = arith.constant 4 : i32
      %add3A_197 = arith.addi %add3A_168, %add3A_196 : i32
      %lt3A_198 = arith.constant 125 : i32
      %lt3A_199 = arith.cmpi slt, %add3A_197, %lt3A_198 : i32
      %convert_element_type3A_200 = arith.extui %lt3A_199 : i1 to i32
      %cond3A_201 = arith.constant 0 : i32
      %cond3A_202 = arith.cmpi ne, %convert_element_type3A_200, %cond3A_201 : i32
      scf.if %cond3A_202 {
        %mul3A_238 = arith.constant 80 : i32
        %mul3A_239 = arith.muli %add3A_197, %mul3A_238 : i32
        %multiple_of3A_240 = tpu.assume_multiple %mul3A_239, 8 : i32
        %dma_wait3A = arith.constant 4 : i32
        %dma_wait3A_241 = arith.constant 4 : i32
        %dma_wait3A_242 = arith.constant 0 : i32
        %dma_wait3A_243 = arith.constant 0 : i32
        %dma_wait3A_244 = tpu.memref_slice %arg8[%dma_wait3A, %dma_wait3A_242, %dma_wait3A_243] : memref<10x80x64xf32, #tpu.memory_space<vmem>> -> memref<1x80x64xf32, #tpu.memory_space<vmem>>
        %dma_wait3A_245 = tpu.memref_squeeze %dma_wait3A_244 : memref<1x80x64xf32, #tpu.memory_space<vmem>> -> memref<80x64xf32, #tpu.memory_space<vmem>>
        %dma_wait3A_246 = tpu.memref_slice %arg6[%multiple_of3A_240] : memref<10000xi32, #tpu.memory_space<vmem>> -> memref<80xi32, #tpu.memory_space<vmem>>
        %dma_wait3A_247 = arith.constant 0 : i32
        %dma_wait3A_248 = arith.constant 0 : i32
        %dma_wait3A_249 = tpu.memref_slice %arg2[%dma_wait3A_247, %dma_wait3A_248] : memref<10000x64xf32, #tpu.memory_space<hbm>> -> memref<10000x64xf32, #tpu.memory_space<hbm>>
        %dma_wait3A_250 = tpu.memref_slice %arg10[%dma_wait3A_241] : memref<10x!tpu.dma_semaphore, #tpu.memory_space<semaphore_mem>> -> memref<1x!tpu.dma_semaphore, #tpu.memory_space<semaphore_mem>>
        %dma_wait3A_251 = tpu.memref_squeeze %dma_wait3A_250 : memref<1x!tpu.dma_semaphore, #tpu.memory_space<semaphore_mem>> -> memref<!tpu.dma_semaphore, #tpu.memory_space<semaphore_mem>>
        tpu.wait_indirect_dma semaphore(%dma_wait3A_251 : memref<!tpu.dma_semaphore, #tpu.memory_space<semaphore_mem>>) src(%dma_wait3A_249 : memref<10000x64xf32, #tpu.memory_space<hbm>>) dst(%dma_wait3A_245 : memref<80x64xf32, #tpu.memory_space<vmem>>)
        %mul3A_252 = arith.constant 80 : i32
        %mul3A_253 = arith.muli %add3A_197, %mul3A_252 : i32
        %multiple_of3A_254 = tpu.assume_multiple %mul3A_253, 8 : i32
        %run_scoped3A_255 = arith.constant 4 : i32
        "tpu.region"() ({
          %run_scoped3A_263 = tpu.sem_alloc : memref<!tpu.dma_semaphore, #tpu.memory_space<semaphore_mem>>
          %dma_start3A_264 = arith.constant 0 : i32
          %dma_start3A_265 = arith.constant 0 : i32
          %dma_start3A_266 = tpu.memref_slice %arg8[%run_scoped3A_255, %dma_start3A_264, %dma_start3A_265] : memref<10x80x64xf32, #tpu.memory_space<vmem>> -> memref<1x80x64xf32, #tpu.memory_space<vmem>>
          %dma_start3A_267 = tpu.memref_squeeze %dma_start3A_266 : memref<1x80x64xf32, #tpu.memory_space<vmem>> -> memref<80x64xf32, #tpu.memory_space<vmem>>
          %dma_start3A_268 = tpu.memref_slice %arg7[%multiple_of3A_254] : memref<10000xi32, #tpu.memory_space<vmem>> -> memref<80xi32, #tpu.memory_space<vmem>>
          %dma_start3A_269 = arith.constant 0 : i32
          %dma_start3A_270 = arith.constant 0 : i32
          %dma_start3A_271 = tpu.memref_slice %arg9[%dma_start3A_269, %dma_start3A_270] : memref<10000x64xf32, #tpu.memory_space<vmem_shared>> -> memref<10000x64xf32, #tpu.memory_space<vmem_shared>>
          tpu.enqueue_indirect_dma source(%dma_start3A_267 : memref<80x64xf32, #tpu.memory_space<vmem>>) target(%dma_start3A_271 : memref<10000x64xf32, #tpu.memory_space<vmem_shared>>) offsets(%dma_start3A_268 : memref<80xi32, #tpu.memory_space<vmem>>) semaphore(%run_scoped3A_263 : memref<!tpu.dma_semaphore, #tpu.memory_space<semaphore_mem>>) {add = true}
          %dma_wait3A_272 = arith.constant 0 : i32
          %dma_wait3A_273 = arith.constant 0 : i32
          %dma_wait3A_274 = tpu.memref_slice %arg8[%run_scoped3A_255, %dma_wait3A_272, %dma_wait3A_273] : memref<10x80x64xf32, #tpu.memory_space<vmem>> -> memref<1x80x64xf32, #tpu.memory_space<vmem>>
          %dma_wait3A_275 = tpu.memref_squeeze %dma_wait3A_274 : memref<1x80x64xf32, #tpu.memory_space<vmem>> -> memref<80x64xf32, #tpu.memory_space<vmem>>
          %dma_wait3A_276 = tpu.memref_slice %arg7[%multiple_of3A_254] : memref<10000xi32, #tpu.memory_space<vmem>> -> memref<80xi32, #tpu.memory_space<vmem>>
          %dma_wait3A_277 = arith.constant 0 : i32
          %dma_wait3A_278 = arith.constant 0 : i32
          %dma_wait3A_279 = tpu.memref_slice %arg9[%dma_wait3A_277, %dma_wait3A_278] : memref<10000x64xf32, #tpu.memory_space<vmem_shared>> -> memref<10000x64xf32, #tpu.memory_space<vmem_shared>>
          tpu.wait_indirect_dma semaphore(%run_scoped3A_263 : memref<!tpu.dma_semaphore, #tpu.memory_space<semaphore_mem>>) src(%dma_wait3A_275 : memref<80x64xf32, #tpu.memory_space<vmem>>) dst(%dma_wait3A_279 : memref<10000x64xf32, #tpu.memory_space<vmem_shared>>)
          tpu.yield
        }) : () -> ()
        %add3A_256 = arith.constant 10 : i32
        %add3A_257 = arith.addi %add3A_197, %add3A_256 : i32
        %lt3A_258 = arith.constant 125 : i32
        %lt3A_259 = arith.cmpi slt, %add3A_257, %lt3A_258 : i32
        %convert_element_type3A_260 = arith.extui %lt3A_259 : i1 to i32
        %cond3A_261 = arith.constant 0 : i32
        %cond3A_262 = arith.cmpi ne, %convert_element_type3A_260, %cond3A_261 : i32
        scf.if %cond3A_262 {
          %mul3A_263 = arith.constant 80 : i32
          %mul3A_264 = arith.muli %add3A_257, %mul3A_263 : i32
          %multiple_of3A_265 = tpu.assume_multiple %mul3A_264, 8 : i32
          %dma_start3A_266 = arith.constant 4 : i32
          %dma_start3A_267 = arith.constant 4 : i32
          %dma_start3A_268 = arith.constant 0 : i32
          %dma_start3A_269 = arith.constant 0 : i32
          %dma_start3A_270 = tpu.memref_slice %arg8[%dma_start3A_266, %dma_start3A_268, %dma_start3A_269] : memref<10x80x64xf32, #tpu.memory_space<vmem>> -> memref<1x80x64xf32, #tpu.memory_space<vmem>>
          %dma_start3A_271 = tpu.memref_squeeze %dma_start3A_270 : memref<1x80x64xf32, #tpu.memory_space<vmem>> -> memref<80x64xf32, #tpu.memory_space<vmem>>
          %dma_start3A_272 = tpu.memref_slice %arg6[%multiple_of3A_265] : memref<10000xi32, #tpu.memory_space<vmem>> -> memref<80xi32, #tpu.memory_space<vmem>>
          %dma_start3A_273 = arith.constant 0 : i32
          %dma_start3A_274 = arith.constant 0 : i32
          %dma_start3A_275 = tpu.memref_slice %arg2[%dma_start3A_273, %dma_start3A_274] : memref<10000x64xf32, #tpu.memory_space<hbm>> -> memref<10000x64xf32, #tpu.memory_space<hbm>>
          %dma_start3A_276 = tpu.memref_slice %arg10[%dma_start3A_267] : memref<10x!tpu.dma_semaphore, #tpu.memory_space<semaphore_mem>> -> memref<1x!tpu.dma_semaphore, #tpu.memory_space<semaphore_mem>>
          %dma_start3A_277 = tpu.memref_squeeze %dma_start3A_276 : memref<1x!tpu.dma_semaphore, #tpu.memory_space<semaphore_mem>> -> memref<!tpu.dma_semaphore, #tpu.memory_space<semaphore_mem>>
          tpu.enqueue_indirect_dma source(%dma_start3A_275 : memref<10000x64xf32, #tpu.memory_space<hbm>>) target(%dma_start3A_271 : memref<80x64xf32, #tpu.memory_space<vmem>>) offsets(%dma_start3A_272 : memref<80xi32, #tpu.memory_space<vmem>>) semaphore(%dma_start3A_277 : memref<!tpu.dma_semaphore, #tpu.memory_space<semaphore_mem>>)
        } else {
        }
      } else {
      }
      %add3A_203 = arith.constant 5 : i32
      %add3A_204 = arith.addi %add3A_168, %add3A_203 : i32
      %lt3A_205 = arith.constant 125 : i32
      %lt3A_206 = arith.cmpi slt, %add3A_204, %lt3A_205 : i32
      %convert_element_type3A_207 = arith.extui %lt3A_206 : i1 to i32
      %cond3A_208 = arith.constant 0 : i32
      %cond3A_209 = arith.cmpi ne, %convert_element_type3A_207, %cond3A_208 : i32
      scf.if %cond3A_209 {
        %mul3A_238 = arith.constant 80 : i32
        %mul3A_239 = arith.muli %add3A_204, %mul3A_238 : i32
        %multiple_of3A_240 = tpu.assume_multiple %mul3A_239, 8 : i32
        %dma_wait3A = arith.constant 5 : i32
        %dma_wait3A_241 = arith.constant 5 : i32
        %dma_wait3A_242 = arith.constant 0 : i32
        %dma_wait3A_243 = arith.constant 0 : i32
        %dma_wait3A_244 = tpu.memref_slice %arg8[%dma_wait3A, %dma_wait3A_242, %dma_wait3A_243] : memref<10x80x64xf32, #tpu.memory_space<vmem>> -> memref<1x80x64xf32, #tpu.memory_space<vmem>>
        %dma_wait3A_245 = tpu.memref_squeeze %dma_wait3A_244 : memref<1x80x64xf32, #tpu.memory_space<vmem>> -> memref<80x64xf32, #tpu.memory_space<vmem>>
        %dma_wait3A_246 = tpu.memref_slice %arg6[%multiple_of3A_240] : memref<10000xi32, #tpu.memory_space<vmem>> -> memref<80xi32, #tpu.memory_space<vmem>>
        %dma_wait3A_247 = arith.constant 0 : i32
        %dma_wait3A_248 = arith.constant 0 : i32
        %dma_wait3A_249 = tpu.memref_slice %arg2[%dma_wait3A_247, %dma_wait3A_248] : memref<10000x64xf32, #tpu.memory_space<hbm>> -> memref<10000x64xf32, #tpu.memory_space<hbm>>
        %dma_wait3A_250 = tpu.memref_slice %arg10[%dma_wait3A_241] : memref<10x!tpu.dma_semaphore, #tpu.memory_space<semaphore_mem>> -> memref<1x!tpu.dma_semaphore, #tpu.memory_space<semaphore_mem>>
        %dma_wait3A_251 = tpu.memref_squeeze %dma_wait3A_250 : memref<1x!tpu.dma_semaphore, #tpu.memory_space<semaphore_mem>> -> memref<!tpu.dma_semaphore, #tpu.memory_space<semaphore_mem>>
        tpu.wait_indirect_dma semaphore(%dma_wait3A_251 : memref<!tpu.dma_semaphore, #tpu.memory_space<semaphore_mem>>) src(%dma_wait3A_249 : memref<10000x64xf32, #tpu.memory_space<hbm>>) dst(%dma_wait3A_245 : memref<80x64xf32, #tpu.memory_space<vmem>>)
        %mul3A_252 = arith.constant 80 : i32
        %mul3A_253 = arith.muli %add3A_204, %mul3A_252 : i32
        %multiple_of3A_254 = tpu.assume_multiple %mul3A_253, 8 : i32
        %run_scoped3A_255 = arith.constant 5 : i32
        "tpu.region"() ({
          %run_scoped3A_263 = tpu.sem_alloc : memref<!tpu.dma_semaphore, #tpu.memory_space<semaphore_mem>>
          %dma_start3A_264 = arith.constant 0 : i32
          %dma_start3A_265 = arith.constant 0 : i32
          %dma_start3A_266 = tpu.memref_slice %arg8[%run_scoped3A_255, %dma_start3A_264, %dma_start3A_265] : memref<10x80x64xf32, #tpu.memory_space<vmem>> -> memref<1x80x64xf32, #tpu.memory_space<vmem>>
          %dma_start3A_267 = tpu.memref_squeeze %dma_start3A_266 : memref<1x80x64xf32, #tpu.memory_space<vmem>> -> memref<80x64xf32, #tpu.memory_space<vmem>>
          %dma_start3A_268 = tpu.memref_slice %arg7[%multiple_of3A_254] : memref<10000xi32, #tpu.memory_space<vmem>> -> memref<80xi32, #tpu.memory_space<vmem>>
          %dma_start3A_269 = arith.constant 0 : i32
          %dma_start3A_270 = arith.constant 0 : i32
          %dma_start3A_271 = tpu.memref_slice %arg9[%dma_start3A_269, %dma_start3A_270] : memref<10000x64xf32, #tpu.memory_space<vmem_shared>> -> memref<10000x64xf32, #tpu.memory_space<vmem_shared>>
          tpu.enqueue_indirect_dma source(%dma_start3A_267 : memref<80x64xf32, #tpu.memory_space<vmem>>) target(%dma_start3A_271 : memref<10000x64xf32, #tpu.memory_space<vmem_shared>>) offsets(%dma_start3A_268 : memref<80xi32, #tpu.memory_space<vmem>>) semaphore(%run_scoped3A_263 : memref<!tpu.dma_semaphore, #tpu.memory_space<semaphore_mem>>) {add = true}
          %dma_wait3A_272 = arith.constant 0 : i32
          %dma_wait3A_273 = arith.constant 0 : i32
          %dma_wait3A_274 = tpu.memref_slice %arg8[%run_scoped3A_255, %dma_wait3A_272, %dma_wait3A_273] : memref<10x80x64xf32, #tpu.memory_space<vmem>> -> memref<1x80x64xf32, #tpu.memory_space<vmem>>
          %dma_wait3A_275 = tpu.memref_squeeze %dma_wait3A_274 : memref<1x80x64xf32, #tpu.memory_space<vmem>> -> memref<80x64xf32, #tpu.memory_space<vmem>>
          %dma_wait3A_276 = tpu.memref_slice %arg7[%multiple_of3A_254] : memref<10000xi32, #tpu.memory_space<vmem>> -> memref<80xi32, #tpu.memory_space<vmem>>
          %dma_wait3A_277 = arith.constant 0 : i32
          %dma_wait3A_278 = arith.constant 0 : i32
          %dma_wait3A_279 = tpu.memref_slice %arg9[%dma_wait3A_277, %dma_wait3A_278] : memref<10000x64xf32, #tpu.memory_space<vmem_shared>> -> memref<10000x64xf32, #tpu.memory_space<vmem_shared>>
          tpu.wait_indirect_dma semaphore(%run_scoped3A_263 : memref<!tpu.dma_semaphore, #tpu.memory_space<semaphore_mem>>) src(%dma_wait3A_275 : memref<80x64xf32, #tpu.memory_space<vmem>>) dst(%dma_wait3A_279 : memref<10000x64xf32, #tpu.memory_space<vmem_shared>>)
          tpu.yield
        }) : () -> ()
        %add3A_256 = arith.constant 10 : i32
        %add3A_257 = arith.addi %add3A_204, %add3A_256 : i32
        %lt3A_258 = arith.constant 125 : i32
        %lt3A_259 = arith.cmpi slt, %add3A_257, %lt3A_258 : i32
        %convert_element_type3A_260 = arith.extui %lt3A_259 : i1 to i32
        %cond3A_261 = arith.constant 0 : i32
        %cond3A_262 = arith.cmpi ne, %convert_element_type3A_260, %cond3A_261 : i32
        scf.if %cond3A_262 {
          %mul3A_263 = arith.constant 80 : i32
          %mul3A_264 = arith.muli %add3A_257, %mul3A_263 : i32
          %multiple_of3A_265 = tpu.assume_multiple %mul3A_264, 8 : i32
          %dma_start3A_266 = arith.constant 5 : i32
          %dma_start3A_267 = arith.constant 5 : i32
          %dma_start3A_268 = arith.constant 0 : i32
          %dma_start3A_269 = arith.constant 0 : i32
          %dma_start3A_270 = tpu.memref_slice %arg8[%dma_start3A_266, %dma_start3A_268, %dma_start3A_269] : memref<10x80x64xf32, #tpu.memory_space<vmem>> -> memref<1x80x64xf32, #tpu.memory_space<vmem>>
          %dma_start3A_271 = tpu.memref_squeeze %dma_start3A_270 : memref<1x80x64xf32, #tpu.memory_space<vmem>> -> memref<80x64xf32, #tpu.memory_space<vmem>>
          %dma_start3A_272 = tpu.memref_slice %arg6[%multiple_of3A_265] : memref<10000xi32, #tpu.memory_space<vmem>> -> memref<80xi32, #tpu.memory_space<vmem>>
          %dma_start3A_273 = arith.constant 0 : i32
          %dma_start3A_274 = arith.constant 0 : i32
          %dma_start3A_275 = tpu.memref_slice %arg2[%dma_start3A_273, %dma_start3A_274] : memref<10000x64xf32, #tpu.memory_space<hbm>> -> memref<10000x64xf32, #tpu.memory_space<hbm>>
          %dma_start3A_276 = tpu.memref_slice %arg10[%dma_start3A_267] : memref<10x!tpu.dma_semaphore, #tpu.memory_space<semaphore_mem>> -> memref<1x!tpu.dma_semaphore, #tpu.memory_space<semaphore_mem>>
          %dma_start3A_277 = tpu.memref_squeeze %dma_start3A_276 : memref<1x!tpu.dma_semaphore, #tpu.memory_space<semaphore_mem>> -> memref<!tpu.dma_semaphore, #tpu.memory_space<semaphore_mem>>
          tpu.enqueue_indirect_dma source(%dma_start3A_275 : memref<10000x64xf32, #tpu.memory_space<hbm>>) target(%dma_start3A_271 : memref<80x64xf32, #tpu.memory_space<vmem>>) offsets(%dma_start3A_272 : memref<80xi32, #tpu.memory_space<vmem>>) semaphore(%dma_start3A_277 : memref<!tpu.dma_semaphore, #tpu.memory_space<semaphore_mem>>)
        } else {
        }
      } else {
      }
      %add3A_210 = arith.constant 6 : i32
      %add3A_211 = arith.addi %add3A_168, %add3A_210 : i32
      %lt3A_212 = arith.constant 125 : i32
      %lt3A_213 = arith.cmpi slt, %add3A_211, %lt3A_212 : i32
      %convert_element_type3A_214 = arith.extui %lt3A_213 : i1 to i32
      %cond3A_215 = arith.constant 0 : i32
      %cond3A_216 = arith.cmpi ne, %convert_element_type3A_214, %cond3A_215 : i32
      scf.if %cond3A_216 {
        %mul3A_238 = arith.constant 80 : i32
        %mul3A_239 = arith.muli %add3A_211, %mul3A_238 : i32
        %multiple_of3A_240 = tpu.assume_multiple %mul3A_239, 8 : i32
        %dma_wait3A = arith.constant 6 : i32
        %dma_wait3A_241 = arith.constant 6 : i32
        %dma_wait3A_242 = arith.constant 0 : i32
        %dma_wait3A_243 = arith.constant 0 : i32
        %dma_wait3A_244 = tpu.memref_slice %arg8[%dma_wait3A, %dma_wait3A_242, %dma_wait3A_243] : memref<10x80x64xf32, #tpu.memory_space<vmem>> -> memref<1x80x64xf32, #tpu.memory_space<vmem>>
        %dma_wait3A_245 = tpu.memref_squeeze %dma_wait3A_244 : memref<1x80x64xf32, #tpu.memory_space<vmem>> -> memref<80x64xf32, #tpu.memory_space<vmem>>
        %dma_wait3A_246 = tpu.memref_slice %arg6[%multiple_of3A_240] : memref<10000xi32, #tpu.memory_space<vmem>> -> memref<80xi32, #tpu.memory_space<vmem>>
        %dma_wait3A_247 = arith.constant 0 : i32
        %dma_wait3A_248 = arith.constant 0 : i32
        %dma_wait3A_249 = tpu.memref_slice %arg2[%dma_wait3A_247, %dma_wait3A_248] : memref<10000x64xf32, #tpu.memory_space<hbm>> -> memref<10000x64xf32, #tpu.memory_space<hbm>>
        %dma_wait3A_250 = tpu.memref_slice %arg10[%dma_wait3A_241] : memref<10x!tpu.dma_semaphore, #tpu.memory_space<semaphore_mem>> -> memref<1x!tpu.dma_semaphore, #tpu.memory_space<semaphore_mem>>
        %dma_wait3A_251 = tpu.memref_squeeze %dma_wait3A_250 : memref<1x!tpu.dma_semaphore, #tpu.memory_space<semaphore_mem>> -> memref<!tpu.dma_semaphore, #tpu.memory_space<semaphore_mem>>
        tpu.wait_indirect_dma semaphore(%dma_wait3A_251 : memref<!tpu.dma_semaphore, #tpu.memory_space<semaphore_mem>>) src(%dma_wait3A_249 : memref<10000x64xf32, #tpu.memory_space<hbm>>) dst(%dma_wait3A_245 : memref<80x64xf32, #tpu.memory_space<vmem>>)
        %mul3A_252 = arith.constant 80 : i32
        %mul3A_253 = arith.muli %add3A_211, %mul3A_252 : i32
        %multiple_of3A_254 = tpu.assume_multiple %mul3A_253, 8 : i32
        %run_scoped3A_255 = arith.constant 6 : i32
        "tpu.region"() ({
          %run_scoped3A_263 = tpu.sem_alloc : memref<!tpu.dma_semaphore, #tpu.memory_space<semaphore_mem>>
          %dma_start3A_264 = arith.constant 0 : i32
          %dma_start3A_265 = arith.constant 0 : i32
          %dma_start3A_266 = tpu.memref_slice %arg8[%run_scoped3A_255, %dma_start3A_264, %dma_start3A_265] : memref<10x80x64xf32, #tpu.memory_space<vmem>> -> memref<1x80x64xf32, #tpu.memory_space<vmem>>
          %dma_start3A_267 = tpu.memref_squeeze %dma_start3A_266 : memref<1x80x64xf32, #tpu.memory_space<vmem>> -> memref<80x64xf32, #tpu.memory_space<vmem>>
          %dma_start3A_268 = tpu.memref_slice %arg7[%multiple_of3A_254] : memref<10000xi32, #tpu.memory_space<vmem>> -> memref<80xi32, #tpu.memory_space<vmem>>
          %dma_start3A_269 = arith.constant 0 : i32
          %dma_start3A_270 = arith.constant 0 : i32
          %dma_start3A_271 = tpu.memref_slice %arg9[%dma_start3A_269, %dma_start3A_270] : memref<10000x64xf32, #tpu.memory_space<vmem_shared>> -> memref<10000x64xf32, #tpu.memory_space<vmem_shared>>
          tpu.enqueue_indirect_dma source(%dma_start3A_267 : memref<80x64xf32, #tpu.memory_space<vmem>>) target(%dma_start3A_271 : memref<10000x64xf32, #tpu.memory_space<vmem_shared>>) offsets(%dma_start3A_268 : memref<80xi32, #tpu.memory_space<vmem>>) semaphore(%run_scoped3A_263 : memref<!tpu.dma_semaphore, #tpu.memory_space<semaphore_mem>>) {add = true}
          %dma_wait3A_272 = arith.constant 0 : i32
          %dma_wait3A_273 = arith.constant 0 : i32
          %dma_wait3A_274 = tpu.memref_slice %arg8[%run_scoped3A_255, %dma_wait3A_272, %dma_wait3A_273] : memref<10x80x64xf32, #tpu.memory_space<vmem>> -> memref<1x80x64xf32, #tpu.memory_space<vmem>>
          %dma_wait3A_275 = tpu.memref_squeeze %dma_wait3A_274 : memref<1x80x64xf32, #tpu.memory_space<vmem>> -> memref<80x64xf32, #tpu.memory_space<vmem>>
          %dma_wait3A_276 = tpu.memref_slice %arg7[%multiple_of3A_254] : memref<10000xi32, #tpu.memory_space<vmem>> -> memref<80xi32, #tpu.memory_space<vmem>>
          %dma_wait3A_277 = arith.constant 0 : i32
          %dma_wait3A_278 = arith.constant 0 : i32
          %dma_wait3A_279 = tpu.memref_slice %arg9[%dma_wait3A_277, %dma_wait3A_278] : memref<10000x64xf32, #tpu.memory_space<vmem_shared>> -> memref<10000x64xf32, #tpu.memory_space<vmem_shared>>
          tpu.wait_indirect_dma semaphore(%run_scoped3A_263 : memref<!tpu.dma_semaphore, #tpu.memory_space<semaphore_mem>>) src(%dma_wait3A_275 : memref<80x64xf32, #tpu.memory_space<vmem>>) dst(%dma_wait3A_279 : memref<10000x64xf32, #tpu.memory_space<vmem_shared>>)
          tpu.yield
        }) : () -> ()
        %add3A_256 = arith.constant 10 : i32
        %add3A_257 = arith.addi %add3A_211, %add3A_256 : i32
        %lt3A_258 = arith.constant 125 : i32
        %lt3A_259 = arith.cmpi slt, %add3A_257, %lt3A_258 : i32
        %convert_element_type3A_260 = arith.extui %lt3A_259 : i1 to i32
        %cond3A_261 = arith.constant 0 : i32
        %cond3A_262 = arith.cmpi ne, %convert_element_type3A_260, %cond3A_261 : i32
        scf.if %cond3A_262 {
          %mul3A_263 = arith.constant 80 : i32
          %mul3A_264 = arith.muli %add3A_257, %mul3A_263 : i32
          %multiple_of3A_265 = tpu.assume_multiple %mul3A_264, 8 : i32
          %dma_start3A_266 = arith.constant 6 : i32
          %dma_start3A_267 = arith.constant 6 : i32
          %dma_start3A_268 = arith.constant 0 : i32
          %dma_start3A_269 = arith.constant 0 : i32
          %dma_start3A_270 = tpu.memref_slice %arg8[%dma_start3A_266, %dma_start3A_268, %dma_start3A_269] : memref<10x80x64xf32, #tpu.memory_space<vmem>> -> memref<1x80x64xf32, #tpu.memory_space<vmem>>
          %dma_start3A_271 = tpu.memref_squeeze %dma_start3A_270 : memref<1x80x64xf32, #tpu.memory_space<vmem>> -> memref<80x64xf32, #tpu.memory_space<vmem>>
          %dma_start3A_272 = tpu.memref_slice %arg6[%multiple_of3A_265] : memref<10000xi32, #tpu.memory_space<vmem>> -> memref<80xi32, #tpu.memory_space<vmem>>
          %dma_start3A_273 = arith.constant 0 : i32
          %dma_start3A_274 = arith.constant 0 : i32
          %dma_start3A_275 = tpu.memref_slice %arg2[%dma_start3A_273, %dma_start3A_274] : memref<10000x64xf32, #tpu.memory_space<hbm>> -> memref<10000x64xf32, #tpu.memory_space<hbm>>
          %dma_start3A_276 = tpu.memref_slice %arg10[%dma_start3A_267] : memref<10x!tpu.dma_semaphore, #tpu.memory_space<semaphore_mem>> -> memref<1x!tpu.dma_semaphore, #tpu.memory_space<semaphore_mem>>
          %dma_start3A_277 = tpu.memref_squeeze %dma_start3A_276 : memref<1x!tpu.dma_semaphore, #tpu.memory_space<semaphore_mem>> -> memref<!tpu.dma_semaphore, #tpu.memory_space<semaphore_mem>>
          tpu.enqueue_indirect_dma source(%dma_start3A_275 : memref<10000x64xf32, #tpu.memory_space<hbm>>) target(%dma_start3A_271 : memref<80x64xf32, #tpu.memory_space<vmem>>) offsets(%dma_start3A_272 : memref<80xi32, #tpu.memory_space<vmem>>) semaphore(%dma_start3A_277 : memref<!tpu.dma_semaphore, #tpu.memory_space<semaphore_mem>>)
        } else {
        }
      } else {
      }
      %add3A_217 = arith.constant 7 : i32
      %add3A_218 = arith.addi %add3A_168, %add3A_217 : i32
      %lt3A_219 = arith.constant 125 : i32
      %lt3A_220 = arith.cmpi slt, %add3A_218, %lt3A_219 : i32
      %convert_element_type3A_221 = arith.extui %lt3A_220 : i1 to i32
      %cond3A_222 = arith.constant 0 : i32
      %cond3A_223 = arith.cmpi ne, %convert_element_type3A_221, %cond3A_222 : i32
      scf.if %cond3A_223 {
        %mul3A_238 = arith.constant 80 : i32
        %mul3A_239 = arith.muli %add3A_218, %mul3A_238 : i32
        %multiple_of3A_240 = tpu.assume_multiple %mul3A_239, 8 : i32
        %dma_wait3A = arith.constant 7 : i32
        %dma_wait3A_241 = arith.constant 7 : i32
        %dma_wait3A_242 = arith.constant 0 : i32
        %dma_wait3A_243 = arith.constant 0 : i32
        %dma_wait3A_244 = tpu.memref_slice %arg8[%dma_wait3A, %dma_wait3A_242, %dma_wait3A_243] : memref<10x80x64xf32, #tpu.memory_space<vmem>> -> memref<1x80x64xf32, #tpu.memory_space<vmem>>
        %dma_wait3A_245 = tpu.memref_squeeze %dma_wait3A_244 : memref<1x80x64xf32, #tpu.memory_space<vmem>> -> memref<80x64xf32, #tpu.memory_space<vmem>>
        %dma_wait3A_246 = tpu.memref_slice %arg6[%multiple_of3A_240] : memref<10000xi32, #tpu.memory_space<vmem>> -> memref<80xi32, #tpu.memory_space<vmem>>
        %dma_wait3A_247 = arith.constant 0 : i32
        %dma_wait3A_248 = arith.constant 0 : i32
        %dma_wait3A_249 = tpu.memref_slice %arg2[%dma_wait3A_247, %dma_wait3A_248] : memref<10000x64xf32, #tpu.memory_space<hbm>> -> memref<10000x64xf32, #tpu.memory_space<hbm>>
        %dma_wait3A_250 = tpu.memref_slice %arg10[%dma_wait3A_241] : memref<10x!tpu.dma_semaphore, #tpu.memory_space<semaphore_mem>> -> memref<1x!tpu.dma_semaphore, #tpu.memory_space<semaphore_mem>>
        %dma_wait3A_251 = tpu.memref_squeeze %dma_wait3A_250 : memref<1x!tpu.dma_semaphore, #tpu.memory_space<semaphore_mem>> -> memref<!tpu.dma_semaphore, #tpu.memory_space<semaphore_mem>>
        tpu.wait_indirect_dma semaphore(%dma_wait3A_251 : memref<!tpu.dma_semaphore, #tpu.memory_space<semaphore_mem>>) src(%dma_wait3A_249 : memref<10000x64xf32, #tpu.memory_space<hbm>>) dst(%dma_wait3A_245 : memref<80x64xf32, #tpu.memory_space<vmem>>)
        %mul3A_252 = arith.constant 80 : i32
        %mul3A_253 = arith.muli %add3A_218, %mul3A_252 : i32
        %multiple_of3A_254 = tpu.assume_multiple %mul3A_253, 8 : i32
        %run_scoped3A_255 = arith.constant 7 : i32
        "tpu.region"() ({
          %run_scoped3A_263 = tpu.sem_alloc : memref<!tpu.dma_semaphore, #tpu.memory_space<semaphore_mem>>
          %dma_start3A_264 = arith.constant 0 : i32
          %dma_start3A_265 = arith.constant 0 : i32
          %dma_start3A_266 = tpu.memref_slice %arg8[%run_scoped3A_255, %dma_start3A_264, %dma_start3A_265] : memref<10x80x64xf32, #tpu.memory_space<vmem>> -> memref<1x80x64xf32, #tpu.memory_space<vmem>>
          %dma_start3A_267 = tpu.memref_squeeze %dma_start3A_266 : memref<1x80x64xf32, #tpu.memory_space<vmem>> -> memref<80x64xf32, #tpu.memory_space<vmem>>
          %dma_start3A_268 = tpu.memref_slice %arg7[%multiple_of3A_254] : memref<10000xi32, #tpu.memory_space<vmem>> -> memref<80xi32, #tpu.memory_space<vmem>>
          %dma_start3A_269 = arith.constant 0 : i32
          %dma_start3A_270 = arith.constant 0 : i32
          %dma_start3A_271 = tpu.memref_slice %arg9[%dma_start3A_269, %dma_start3A_270] : memref<10000x64xf32, #tpu.memory_space<vmem_shared>> -> memref<10000x64xf32, #tpu.memory_space<vmem_shared>>
          tpu.enqueue_indirect_dma source(%dma_start3A_267 : memref<80x64xf32, #tpu.memory_space<vmem>>) target(%dma_start3A_271 : memref<10000x64xf32, #tpu.memory_space<vmem_shared>>) offsets(%dma_start3A_268 : memref<80xi32, #tpu.memory_space<vmem>>) semaphore(%run_scoped3A_263 : memref<!tpu.dma_semaphore, #tpu.memory_space<semaphore_mem>>) {add = true}
          %dma_wait3A_272 = arith.constant 0 : i32
          %dma_wait3A_273 = arith.constant 0 : i32
          %dma_wait3A_274 = tpu.memref_slice %arg8[%run_scoped3A_255, %dma_wait3A_272, %dma_wait3A_273] : memref<10x80x64xf32, #tpu.memory_space<vmem>> -> memref<1x80x64xf32, #tpu.memory_space<vmem>>
          %dma_wait3A_275 = tpu.memref_squeeze %dma_wait3A_274 : memref<1x80x64xf32, #tpu.memory_space<vmem>> -> memref<80x64xf32, #tpu.memory_space<vmem>>
          %dma_wait3A_276 = tpu.memref_slice %arg7[%multiple_of3A_254] : memref<10000xi32, #tpu.memory_space<vmem>> -> memref<80xi32, #tpu.memory_space<vmem>>
          %dma_wait3A_277 = arith.constant 0 : i32
          %dma_wait3A_278 = arith.constant 0 : i32
          %dma_wait3A_279 = tpu.memref_slice %arg9[%dma_wait3A_277, %dma_wait3A_278] : memref<10000x64xf32, #tpu.memory_space<vmem_shared>> -> memref<10000x64xf32, #tpu.memory_space<vmem_shared>>
          tpu.wait_indirect_dma semaphore(%run_scoped3A_263 : memref<!tpu.dma_semaphore, #tpu.memory_space<semaphore_mem>>) src(%dma_wait3A_275 : memref<80x64xf32, #tpu.memory_space<vmem>>) dst(%dma_wait3A_279 : memref<10000x64xf32, #tpu.memory_space<vmem_shared>>)
          tpu.yield
        }) : () -> ()
        %add3A_256 = arith.constant 10 : i32
        %add3A_257 = arith.addi %add3A_218, %add3A_256 : i32
        %lt3A_258 = arith.constant 125 : i32
        %lt3A_259 = arith.cmpi slt, %add3A_257, %lt3A_258 : i32
        %convert_element_type3A_260 = arith.extui %lt3A_259 : i1 to i32
        %cond3A_261 = arith.constant 0 : i32
        %cond3A_262 = arith.cmpi ne, %convert_element_type3A_260, %cond3A_261 : i32
        scf.if %cond3A_262 {
          %mul3A_263 = arith.constant 80 : i32
          %mul3A_264 = arith.muli %add3A_257, %mul3A_263 : i32
          %multiple_of3A_265 = tpu.assume_multiple %mul3A_264, 8 : i32
          %dma_start3A_266 = arith.constant 7 : i32
          %dma_start3A_267 = arith.constant 7 : i32
          %dma_start3A_268 = arith.constant 0 : i32
          %dma_start3A_269 = arith.constant 0 : i32
          %dma_start3A_270 = tpu.memref_slice %arg8[%dma_start3A_266, %dma_start3A_268, %dma_start3A_269] : memref<10x80x64xf32, #tpu.memory_space<vmem>> -> memref<1x80x64xf32, #tpu.memory_space<vmem>>
          %dma_start3A_271 = tpu.memref_squeeze %dma_start3A_270 : memref<1x80x64xf32, #tpu.memory_space<vmem>> -> memref<80x64xf32, #tpu.memory_space<vmem>>
          %dma_start3A_272 = tpu.memref_slice %arg6[%multiple_of3A_265] : memref<10000xi32, #tpu.memory_space<vmem>> -> memref<80xi32, #tpu.memory_space<vmem>>
          %dma_start3A_273 = arith.constant 0 : i32
          %dma_start3A_274 = arith.constant 0 : i32
          %dma_start3A_275 = tpu.memref_slice %arg2[%dma_start3A_273, %dma_start3A_274] : memref<10000x64xf32, #tpu.memory_space<hbm>> -> memref<10000x64xf32, #tpu.memory_space<hbm>>
          %dma_start3A_276 = tpu.memref_slice %arg10[%dma_start3A_267] : memref<10x!tpu.dma_semaphore, #tpu.memory_space<semaphore_mem>> -> memref<1x!tpu.dma_semaphore, #tpu.memory_space<semaphore_mem>>
          %dma_start3A_277 = tpu.memref_squeeze %dma_start3A_276 : memref<1x!tpu.dma_semaphore, #tpu.memory_space<semaphore_mem>> -> memref<!tpu.dma_semaphore, #tpu.memory_space<semaphore_mem>>
          tpu.enqueue_indirect_dma source(%dma_start3A_275 : memref<10000x64xf32, #tpu.memory_space<hbm>>) target(%dma_start3A_271 : memref<80x64xf32, #tpu.memory_space<vmem>>) offsets(%dma_start3A_272 : memref<80xi32, #tpu.memory_space<vmem>>) semaphore(%dma_start3A_277 : memref<!tpu.dma_semaphore, #tpu.memory_space<semaphore_mem>>)
        } else {
        }
      } else {
      }
      %add3A_224 = arith.constant 8 : i32
      %add3A_225 = arith.addi %add3A_168, %add3A_224 : i32
      %lt3A_226 = arith.constant 125 : i32
      %lt3A_227 = arith.cmpi slt, %add3A_225, %lt3A_226 : i32
      %convert_element_type3A_228 = arith.extui %lt3A_227 : i1 to i32
      %cond3A_229 = arith.constant 0 : i32
      %cond3A_230 = arith.cmpi ne, %convert_element_type3A_228, %cond3A_229 : i32
      scf.if %cond3A_230 {
        %mul3A_238 = arith.constant 80 : i32
        %mul3A_239 = arith.muli %add3A_225, %mul3A_238 : i32
        %multiple_of3A_240 = tpu.assume_multiple %mul3A_239, 8 : i32
        %dma_wait3A = arith.constant 8 : i32
        %dma_wait3A_241 = arith.constant 8 : i32
        %dma_wait3A_242 = arith.constant 0 : i32
        %dma_wait3A_243 = arith.constant 0 : i32
        %dma_wait3A_244 = tpu.memref_slice %arg8[%dma_wait3A, %dma_wait3A_242, %dma_wait3A_243] : memref<10x80x64xf32, #tpu.memory_space<vmem>> -> memref<1x80x64xf32, #tpu.memory_space<vmem>>
        %dma_wait3A_245 = tpu.memref_squeeze %dma_wait3A_244 : memref<1x80x64xf32, #tpu.memory_space<vmem>> -> memref<80x64xf32, #tpu.memory_space<vmem>>
        %dma_wait3A_246 = tpu.memref_slice %arg6[%multiple_of3A_240] : memref<10000xi32, #tpu.memory_space<vmem>> -> memref<80xi32, #tpu.memory_space<vmem>>
        %dma_wait3A_247 = arith.constant 0 : i32
        %dma_wait3A_248 = arith.constant 0 : i32
        %dma_wait3A_249 = tpu.memref_slice %arg2[%dma_wait3A_247, %dma_wait3A_248] : memref<10000x64xf32, #tpu.memory_space<hbm>> -> memref<10000x64xf32, #tpu.memory_space<hbm>>
        %dma_wait3A_250 = tpu.memref_slice %arg10[%dma_wait3A_241] : memref<10x!tpu.dma_semaphore, #tpu.memory_space<semaphore_mem>> -> memref<1x!tpu.dma_semaphore, #tpu.memory_space<semaphore_mem>>
        %dma_wait3A_251 = tpu.memref_squeeze %dma_wait3A_250 : memref<1x!tpu.dma_semaphore, #tpu.memory_space<semaphore_mem>> -> memref<!tpu.dma_semaphore, #tpu.memory_space<semaphore_mem>>
        tpu.wait_indirect_dma semaphore(%dma_wait3A_251 : memref<!tpu.dma_semaphore, #tpu.memory_space<semaphore_mem>>) src(%dma_wait3A_249 : memref<10000x64xf32, #tpu.memory_space<hbm>>) dst(%dma_wait3A_245 : memref<80x64xf32, #tpu.memory_space<vmem>>)
        %mul3A_252 = arith.constant 80 : i32
        %mul3A_253 = arith.muli %add3A_225, %mul3A_252 : i32
        %multiple_of3A_254 = tpu.assume_multiple %mul3A_253, 8 : i32
        %run_scoped3A_255 = arith.constant 8 : i32
        "tpu.region"() ({
          %run_scoped3A_263 = tpu.sem_alloc : memref<!tpu.dma_semaphore, #tpu.memory_space<semaphore_mem>>
          %dma_start3A_264 = arith.constant 0 : i32
          %dma_start3A_265 = arith.constant 0 : i32
          %dma_start3A_266 = tpu.memref_slice %arg8[%run_scoped3A_255, %dma_start3A_264, %dma_start3A_265] : memref<10x80x64xf32, #tpu.memory_space<vmem>> -> memref<1x80x64xf32, #tpu.memory_space<vmem>>
          %dma_start3A_267 = tpu.memref_squeeze %dma_start3A_266 : memref<1x80x64xf32, #tpu.memory_space<vmem>> -> memref<80x64xf32, #tpu.memory_space<vmem>>
          %dma_start3A_268 = tpu.memref_slice %arg7[%multiple_of3A_254] : memref<10000xi32, #tpu.memory_space<vmem>> -> memref<80xi32, #tpu.memory_space<vmem>>
          %dma_start3A_269 = arith.constant 0 : i32
          %dma_start3A_270 = arith.constant 0 : i32
          %dma_start3A_271 = tpu.memref_slice %arg9[%dma_start3A_269, %dma_start3A_270] : memref<10000x64xf32, #tpu.memory_space<vmem_shared>> -> memref<10000x64xf32, #tpu.memory_space<vmem_shared>>
          tpu.enqueue_indirect_dma source(%dma_start3A_267 : memref<80x64xf32, #tpu.memory_space<vmem>>) target(%dma_start3A_271 : memref<10000x64xf32, #tpu.memory_space<vmem_shared>>) offsets(%dma_start3A_268 : memref<80xi32, #tpu.memory_space<vmem>>) semaphore(%run_scoped3A_263 : memref<!tpu.dma_semaphore, #tpu.memory_space<semaphore_mem>>) {add = true}
          %dma_wait3A_272 = arith.constant 0 : i32
          %dma_wait3A_273 = arith.constant 0 : i32
          %dma_wait3A_274 = tpu.memref_slice %arg8[%run_scoped3A_255, %dma_wait3A_272, %dma_wait3A_273] : memref<10x80x64xf32, #tpu.memory_space<vmem>> -> memref<1x80x64xf32, #tpu.memory_space<vmem>>
          %dma_wait3A_275 = tpu.memref_squeeze %dma_wait3A_274 : memref<1x80x64xf32, #tpu.memory_space<vmem>> -> memref<80x64xf32, #tpu.memory_space<vmem>>
          %dma_wait3A_276 = tpu.memref_slice %arg7[%multiple_of3A_254] : memref<10000xi32, #tpu.memory_space<vmem>> -> memref<80xi32, #tpu.memory_space<vmem>>
          %dma_wait3A_277 = arith.constant 0 : i32
          %dma_wait3A_278 = arith.constant 0 : i32
          %dma_wait3A_279 = tpu.memref_slice %arg9[%dma_wait3A_277, %dma_wait3A_278] : memref<10000x64xf32, #tpu.memory_space<vmem_shared>> -> memref<10000x64xf32, #tpu.memory_space<vmem_shared>>
          tpu.wait_indirect_dma semaphore(%run_scoped3A_263 : memref<!tpu.dma_semaphore, #tpu.memory_space<semaphore_mem>>) src(%dma_wait3A_275 : memref<80x64xf32, #tpu.memory_space<vmem>>) dst(%dma_wait3A_279 : memref<10000x64xf32, #tpu.memory_space<vmem_shared>>)
          tpu.yield
        }) : () -> ()
        %add3A_256 = arith.constant 10 : i32
        %add3A_257 = arith.addi %add3A_225, %add3A_256 : i32
        %lt3A_258 = arith.constant 125 : i32
        %lt3A_259 = arith.cmpi slt, %add3A_257, %lt3A_258 : i32
        %convert_element_type3A_260 = arith.extui %lt3A_259 : i1 to i32
        %cond3A_261 = arith.constant 0 : i32
        %cond3A_262 = arith.cmpi ne, %convert_element_type3A_260, %cond3A_261 : i32
        scf.if %cond3A_262 {
          %mul3A_263 = arith.constant 80 : i32
          %mul3A_264 = arith.muli %add3A_257, %mul3A_263 : i32
          %multiple_of3A_265 = tpu.assume_multiple %mul3A_264, 8 : i32
          %dma_start3A_266 = arith.constant 8 : i32
          %dma_start3A_267 = arith.constant 8 : i32
          %dma_start3A_268 = arith.constant 0 : i32
          %dma_start3A_269 = arith.constant 0 : i32
          %dma_start3A_270 = tpu.memref_slice %arg8[%dma_start3A_266, %dma_start3A_268, %dma_start3A_269] : memref<10x80x64xf32, #tpu.memory_space<vmem>> -> memref<1x80x64xf32, #tpu.memory_space<vmem>>
          %dma_start3A_271 = tpu.memref_squeeze %dma_start3A_270 : memref<1x80x64xf32, #tpu.memory_space<vmem>> -> memref<80x64xf32, #tpu.memory_space<vmem>>
          %dma_start3A_272 = tpu.memref_slice %arg6[%multiple_of3A_265] : memref<10000xi32, #tpu.memory_space<vmem>> -> memref<80xi32, #tpu.memory_space<vmem>>
          %dma_start3A_273 = arith.constant 0 : i32
          %dma_start3A_274 = arith.constant 0 : i32
          %dma_start3A_275 = tpu.memref_slice %arg2[%dma_start3A_273, %dma_start3A_274] : memref<10000x64xf32, #tpu.memory_space<hbm>> -> memref<10000x64xf32, #tpu.memory_space<hbm>>
          %dma_start3A_276 = tpu.memref_slice %arg10[%dma_start3A_267] : memref<10x!tpu.dma_semaphore, #tpu.memory_space<semaphore_mem>> -> memref<1x!tpu.dma_semaphore, #tpu.memory_space<semaphore_mem>>
          %dma_start3A_277 = tpu.memref_squeeze %dma_start3A_276 : memref<1x!tpu.dma_semaphore, #tpu.memory_space<semaphore_mem>> -> memref<!tpu.dma_semaphore, #tpu.memory_space<semaphore_mem>>
          tpu.enqueue_indirect_dma source(%dma_start3A_275 : memref<10000x64xf32, #tpu.memory_space<hbm>>) target(%dma_start3A_271 : memref<80x64xf32, #tpu.memory_space<vmem>>) offsets(%dma_start3A_272 : memref<80xi32, #tpu.memory_space<vmem>>) semaphore(%dma_start3A_277 : memref<!tpu.dma_semaphore, #tpu.memory_space<semaphore_mem>>)
        } else {
        }
      } else {
      }
      %add3A_231 = arith.constant 9 : i32
      %add3A_232 = arith.addi %add3A_168, %add3A_231 : i32
      %lt3A_233 = arith.constant 125 : i32
      %lt3A_234 = arith.cmpi slt, %add3A_232, %lt3A_233 : i32
      %convert_element_type3A_235 = arith.extui %lt3A_234 : i1 to i32
      %cond3A_236 = arith.constant 0 : i32
      %cond3A_237 = arith.cmpi ne, %convert_element_type3A_235, %cond3A_236 : i32
      scf.if %cond3A_237 {
        %mul3A_238 = arith.constant 80 : i32
        %mul3A_239 = arith.muli %add3A_232, %mul3A_238 : i32
        %multiple_of3A_240 = tpu.assume_multiple %mul3A_239, 8 : i32
        %dma_wait3A = arith.constant 9 : i32
        %dma_wait3A_241 = arith.constant 9 : i32
        %dma_wait3A_242 = arith.constant 0 : i32
        %dma_wait3A_243 = arith.constant 0 : i32
        %dma_wait3A_244 = tpu.memref_slice %arg8[%dma_wait3A, %dma_wait3A_242, %dma_wait3A_243] : memref<10x80x64xf32, #tpu.memory_space<vmem>> -> memref<1x80x64xf32, #tpu.memory_space<vmem>>
        %dma_wait3A_245 = tpu.memref_squeeze %dma_wait3A_244 : memref<1x80x64xf32, #tpu.memory_space<vmem>> -> memref<80x64xf32, #tpu.memory_space<vmem>>
        %dma_wait3A_246 = tpu.memref_slice %arg6[%multiple_of3A_240] : memref<10000xi32, #tpu.memory_space<vmem>> -> memref<80xi32, #tpu.memory_space<vmem>>
        %dma_wait3A_247 = arith.constant 0 : i32
        %dma_wait3A_248 = arith.constant 0 : i32
        %dma_wait3A_249 = tpu.memref_slice %arg2[%dma_wait3A_247, %dma_wait3A_248] : memref<10000x64xf32, #tpu.memory_space<hbm>> -> memref<10000x64xf32, #tpu.memory_space<hbm>>
        %dma_wait3A_250 = tpu.memref_slice %arg10[%dma_wait3A_241] : memref<10x!tpu.dma_semaphore, #tpu.memory_space<semaphore_mem>> -> memref<1x!tpu.dma_semaphore, #tpu.memory_space<semaphore_mem>>
        %dma_wait3A_251 = tpu.memref_squeeze %dma_wait3A_250 : memref<1x!tpu.dma_semaphore, #tpu.memory_space<semaphore_mem>> -> memref<!tpu.dma_semaphore, #tpu.memory_space<semaphore_mem>>
        tpu.wait_indirect_dma semaphore(%dma_wait3A_251 : memref<!tpu.dma_semaphore, #tpu.memory_space<semaphore_mem>>) src(%dma_wait3A_249 : memref<10000x64xf32, #tpu.memory_space<hbm>>) dst(%dma_wait3A_245 : memref<80x64xf32, #tpu.memory_space<vmem>>)
        %mul3A_252 = arith.constant 80 : i32
        %mul3A_253 = arith.muli %add3A_232, %mul3A_252 : i32
        %multiple_of3A_254 = tpu.assume_multiple %mul3A_253, 8 : i32
        %run_scoped3A_255 = arith.constant 9 : i32
        "tpu.region"() ({
          %run_scoped3A_263 = tpu.sem_alloc : memref<!tpu.dma_semaphore, #tpu.memory_space<semaphore_mem>>
          %dma_start3A_264 = arith.constant 0 : i32
          %dma_start3A_265 = arith.constant 0 : i32
          %dma_start3A_266 = tpu.memref_slice %arg8[%run_scoped3A_255, %dma_start3A_264, %dma_start3A_265] : memref<10x80x64xf32, #tpu.memory_space<vmem>> -> memref<1x80x64xf32, #tpu.memory_space<vmem>>
          %dma_start3A_267 = tpu.memref_squeeze %dma_start3A_266 : memref<1x80x64xf32, #tpu.memory_space<vmem>> -> memref<80x64xf32, #tpu.memory_space<vmem>>
          %dma_start3A_268 = tpu.memref_slice %arg7[%multiple_of3A_254] : memref<10000xi32, #tpu.memory_space<vmem>> -> memref<80xi32, #tpu.memory_space<vmem>>
          %dma_start3A_269 = arith.constant 0 : i32
          %dma_start3A_270 = arith.constant 0 : i32
          %dma_start3A_271 = tpu.memref_slice %arg9[%dma_start3A_269, %dma_start3A_270] : memref<10000x64xf32, #tpu.memory_space<vmem_shared>> -> memref<10000x64xf32, #tpu.memory_space<vmem_shared>>
          tpu.enqueue_indirect_dma source(%dma_start3A_267 : memref<80x64xf32, #tpu.memory_space<vmem>>) target(%dma_start3A_271 : memref<10000x64xf32, #tpu.memory_space<vmem_shared>>) offsets(%dma_start3A_268 : memref<80xi32, #tpu.memory_space<vmem>>) semaphore(%run_scoped3A_263 : memref<!tpu.dma_semaphore, #tpu.memory_space<semaphore_mem>>) {add = true}
          %dma_wait3A_272 = arith.constant 0 : i32
          %dma_wait3A_273 = arith.constant 0 : i32
          %dma_wait3A_274 = tpu.memref_slice %arg8[%run_scoped3A_255, %dma_wait3A_272, %dma_wait3A_273] : memref<10x80x64xf32, #tpu.memory_space<vmem>> -> memref<1x80x64xf32, #tpu.memory_space<vmem>>
          %dma_wait3A_275 = tpu.memref_squeeze %dma_wait3A_274 : memref<1x80x64xf32, #tpu.memory_space<vmem>> -> memref<80x64xf32, #tpu.memory_space<vmem>>
          %dma_wait3A_276 = tpu.memref_slice %arg7[%multiple_of3A_254] : memref<10000xi32, #tpu.memory_space<vmem>> -> memref<80xi32, #tpu.memory_space<vmem>>
          %dma_wait3A_277 = arith.constant 0 : i32
          %dma_wait3A_278 = arith.constant 0 : i32
          %dma_wait3A_279 = tpu.memref_slice %arg9[%dma_wait3A_277, %dma_wait3A_278] : memref<10000x64xf32, #tpu.memory_space<vmem_shared>> -> memref<10000x64xf32, #tpu.memory_space<vmem_shared>>
          tpu.wait_indirect_dma semaphore(%run_scoped3A_263 : memref<!tpu.dma_semaphore, #tpu.memory_space<semaphore_mem>>) src(%dma_wait3A_275 : memref<80x64xf32, #tpu.memory_space<vmem>>) dst(%dma_wait3A_279 : memref<10000x64xf32, #tpu.memory_space<vmem_shared>>)
          tpu.yield
        }) : () -> ()
        %add3A_256 = arith.constant 10 : i32
        %add3A_257 = arith.addi %add3A_232, %add3A_256 : i32
        %lt3A_258 = arith.constant 125 : i32
        %lt3A_259 = arith.cmpi slt, %add3A_257, %lt3A_258 : i32
        %convert_element_type3A_260 = arith.extui %lt3A_259 : i1 to i32
        %cond3A_261 = arith.constant 0 : i32
        %cond3A_262 = arith.cmpi ne, %convert_element_type3A_260, %cond3A_261 : i32
        scf.if %cond3A_262 {
          %mul3A_263 = arith.constant 80 : i32
          %mul3A_264 = arith.muli %add3A_257, %mul3A_263 : i32
          %multiple_of3A_265 = tpu.assume_multiple %mul3A_264, 8 : i32
          %dma_start3A_266 = arith.constant 9 : i32
          %dma_start3A_267 = arith.constant 9 : i32
          %dma_start3A_268 = arith.constant 0 : i32
          %dma_start3A_269 = arith.constant 0 : i32
          %dma_start3A_270 = tpu.memref_slice %arg8[%dma_start3A_266, %dma_start3A_268, %dma_start3A_269] : memref<10x80x64xf32, #tpu.memory_space<vmem>> -> memref<1x80x64xf32, #tpu.memory_space<vmem>>
          %dma_start3A_271 = tpu.memref_squeeze %dma_start3A_270 : memref<1x80x64xf32, #tpu.memory_space<vmem>> -> memref<80x64xf32, #tpu.memory_space<vmem>>
          %dma_start3A_272 = tpu.memref_slice %arg6[%multiple_of3A_265] : memref<10000xi32, #tpu.memory_space<vmem>> -> memref<80xi32, #tpu.memory_space<vmem>>
          %dma_start3A_273 = arith.constant 0 : i32
          %dma_start3A_274 = arith.constant 0 : i32
          %dma_start3A_275 = tpu.memref_slice %arg2[%dma_start3A_273, %dma_start3A_274] : memref<10000x64xf32, #tpu.memory_space<hbm>> -> memref<10000x64xf32, #tpu.memory_space<hbm>>
          %dma_start3A_276 = tpu.memref_slice %arg10[%dma_start3A_267] : memref<10x!tpu.dma_semaphore, #tpu.memory_space<semaphore_mem>> -> memref<1x!tpu.dma_semaphore, #tpu.memory_space<semaphore_mem>>
          %dma_start3A_277 = tpu.memref_squeeze %dma_start3A_276 : memref<1x!tpu.dma_semaphore, #tpu.memory_space<semaphore_mem>> -> memref<!tpu.dma_semaphore, #tpu.memory_space<semaphore_mem>>
          tpu.enqueue_indirect_dma source(%dma_start3A_275 : memref<10000x64xf32, #tpu.memory_space<hbm>>) target(%dma_start3A_271 : memref<80x64xf32, #tpu.memory_space<vmem>>) offsets(%dma_start3A_272 : memref<80xi32, #tpu.memory_space<vmem>>) semaphore(%dma_start3A_277 : memref<!tpu.dma_semaphore, #tpu.memory_space<semaphore_mem>>)
        } else {
        }
      } else {
      }
    }
    %scan3A_150 = arith.constant 13 : i32
    %barrier3A_151 = arith.constant 0 : index
    tpu.barrier barrier_id(%barrier3A_151)
    %mul3A_152 = arith.constant 624 : i32
    %mul3A_153 = arith.muli %arg1, %mul3A_152 : i32
    %mul3A_154 = arith.constant 10000 : i32
    %mul3A_155 = arith.muli %arg0, %mul3A_154 : i32
    %mul3A_156 = arith.constant 624 : i32
    %mul3A_157 = arith.muli %arg1, %mul3A_156 : i32
    %add3A_158 = arith.addi %mul3A_155, %mul3A_157 : i32
    "tpu.region"() ({
      %run_scoped3A_164 = tpu.sem_alloc : memref<!tpu.dma_semaphore, #tpu.memory_space<semaphore_mem>>
      %dma_start3A_165 = arith.constant 0 : i32
      %dma_start3A_166 = tpu.memref_slice %arg5[%add3A_158, %dma_start3A_165] : memref<20000x64xf32, #tpu.memory_space<hbm>> -> memref<624x64xf32, #tpu.memory_space<hbm>>
      %dma_start3A_167 = arith.constant 0 : i32
      %dma_start3A_168 = tpu.memref_slice %arg9[%mul3A_153, %dma_start3A_167] : memref<10000x64xf32, #tpu.memory_space<vmem_shared>> -> memref<624x64xf32, #tpu.memory_space<vmem_shared>>
      tpu.enqueue_dma source(%dma_start3A_168 : memref<624x64xf32, #tpu.memory_space<vmem_shared>>) target(%dma_start3A_166 : memref<624x64xf32, #tpu.memory_space<hbm>>) target_semaphore(%run_scoped3A_164 : memref<!tpu.dma_semaphore, #tpu.memory_space<semaphore_mem>>)
      %dma_wait3A = arith.constant 0 : i32
      %dma_wait3A_169 = tpu.memref_slice %arg5[%add3A_158, %dma_wait3A] : memref<20000x64xf32, #tpu.memory_space<hbm>> -> memref<624x64xf32, #tpu.memory_space<hbm>>
      %dma_wait3A_170 = arith.constant 0 : i32
      %dma_wait3A_171 = tpu.memref_slice %arg9[%mul3A_153, %dma_wait3A_170] : memref<10000x64xf32, #tpu.memory_space<vmem_shared>> -> memref<624x64xf32, #tpu.memory_space<vmem_shared>>
      tpu.wait_dma2 semaphore(%run_scoped3A_164 : memref<!tpu.dma_semaphore, #tpu.memory_space<semaphore_mem>>) src(%dma_wait3A_171 : memref<624x64xf32, #tpu.memory_space<vmem_shared>>) dst(%dma_wait3A_169 : memref<624x64xf32, #tpu.memory_space<hbm>>)
      tpu.yield
    }) : () -> ()
    %eq3A_159 = arith.constant 0 : i32
    %eq3A_160 = arith.cmpi eq, %arg1, %eq3A_159 : i32
    %convert_element_type3A_161 = arith.extui %eq3A_160 : i1 to i32
    %cond3A_162 = arith.constant 0 : i32
    %cond3A_163 = arith.cmpi ne, %convert_element_type3A_161, %cond3A_162 : i32
    scf.if %cond3A_163 {
      %mul3A_164 = arith.constant 10000 : i32
      %mul3A_165 = arith.muli %arg0, %mul3A_164 : i32
      %add3A_166 = arith.constant 9984 : i32
      %add3A_167 = arith.addi %mul3A_165, %add3A_166 : i32
      "tpu.region"() ({
        %run_scoped3A_168 = tpu.sem_alloc : memref<!tpu.dma_semaphore, #tpu.memory_space<semaphore_mem>>
        %dma_start3A_169 = arith.constant 0 : i32
        %dma_start3A_170 = tpu.memref_slice %arg5[%add3A_167, %dma_start3A_169] : memref<20000x64xf32, #tpu.memory_space<hbm>> -> memref<16x64xf32, #tpu.memory_space<hbm>>
        %dma_start3A_171 = arith.constant 9984 : i32
        %dma_start3A_172 = arith.constant 0 : i32
        %dma_start3A_173 = tpu.memref_slice %arg9[%dma_start3A_171, %dma_start3A_172] : memref<10000x64xf32, #tpu.memory_space<vmem_shared>> -> memref<16x64xf32, #tpu.memory_space<vmem_shared>>
        tpu.enqueue_dma source(%dma_start3A_173 : memref<16x64xf32, #tpu.memory_space<vmem_shared>>) target(%dma_start3A_170 : memref<16x64xf32, #tpu.memory_space<hbm>>) target_semaphore(%run_scoped3A_168 : memref<!tpu.dma_semaphore, #tpu.memory_space<semaphore_mem>>)
        %dma_wait3A = arith.constant 0 : i32
        %dma_wait3A_174 = tpu.memref_slice %arg5[%add3A_167, %dma_wait3A] : memref<20000x64xf32, #tpu.memory_space<hbm>> -> memref<16x64xf32, #tpu.memory_space<hbm>>
        %dma_wait3A_175 = arith.constant 9984 : i32
        %dma_wait3A_176 = arith.constant 0 : i32
        %dma_wait3A_177 = tpu.memref_slice %arg9[%dma_wait3A_175, %dma_wait3A_176] : memref<10000x64xf32, #tpu.memory_space<vmem_shared>> -> memref<16x64xf32, #tpu.memory_space<vmem_shared>>
        tpu.wait_dma2 semaphore(%run_scoped3A_168 : memref<!tpu.dma_semaphore, #tpu.memory_space<semaphore_mem>>) src(%dma_wait3A_177 : memref<16x64xf32, #tpu.memory_space<vmem_shared>>) dst(%dma_wait3A_174 : memref<16x64xf32, #tpu.memory_space<hbm>>)
        tpu.yield
      }) : () -> ()
    } else {
    }
    return
  }
}

#map = affine_map<(d0, d1) -> (0, 0)>
module attributes {stable_mosaic.version = 14 : i64} {
  func.func @segsum(%arg0: i32, %arg1: i32, %arg2: memref<10000x64xf32, #tpu.memory_space<hbm>>, %arg3: memref<2x320000xi32, #tpu.memory_space<hbm>>, %arg4: memref<624x64xf32, #tpu.memory_space<hbm>>, %arg5: memref<20000x64xf32, #tpu.memory_space<hbm>>, %arg6: memref<10000xi32, #tpu.memory_space<vmem>>, %arg7: memref<10000xi32, #tpu.memory_space<vmem>>, %arg8: memref<10x80x64xf32, #tpu.memory_space<vmem>>, %arg9: memref<10000x64xf32, #tpu.memory_space<vmem_shared>>, %arg10: memref<10x!tpu.dma_semaphore, #tpu.memory_space<semaphore_mem>>) attributes {dimension_semantics = [#tpu.dimension_semantics<core_parallel>, #tpu.dimension_semantics<subcore_parallel>], iteration_bounds = array<i64: 2, 16>, scalar_prefetch = 0 : i64, scratch_operands = 5 : i64, tpu.core_type = #tpu.core_type<sc_vector_subcore>, window_params = [{transform_indices = #map}, {transform_indices = #map}, {transform_indices = #map}, {transform_indices = #map}]} {
    %mul3A = arith.constant 16 : i32
    %mul3A_0 = arith.muli %arg0, %mul3A : i32
    %add3A = arith.addi %mul3A_0, %arg1 : i32
    %mul3A_1 = arith.constant 624 : i32
    %mul3A_2 = arith.muli %arg1, %mul3A_1 : i32
    "tpu.region"() ({
      %run_scoped3A_164 = tpu.sem_alloc : memref<!tpu.dma_semaphore, #tpu.memory_space<semaphore_mem>>
      %dma_start3A_165 = arith.constant 0 : i32
      %dma_start3A_166 = tpu.memref_slice %arg9[%mul3A_2, %dma_start3A_165] : memref<10000x64xf32, #tpu.memory_space<vmem_shared>> -> memref<624x64xf32, #tpu.memory_space<vmem_shared>>
      %dma_start3A_167 = arith.constant 0 : i32
      %dma_start3A_168 = arith.constant 0 : i32
      %dma_start3A_169 = tpu.memref_slice %arg4[%dma_start3A_167, %dma_start3A_168] : memref<624x64xf32, #tpu.memory_space<hbm>> -> memref<624x64xf32, #tpu.memory_space<hbm>>
      tpu.enqueue_dma source(%dma_start3A_169 : memref<624x64xf32, #tpu.memory_space<hbm>>) target(%dma_start3A_166 : memref<624x64xf32, #tpu.memory_space<vmem_shared>>) target_semaphore(%run_scoped3A_164 : memref<!tpu.dma_semaphore, #tpu.memory_space<semaphore_mem>>)
      %dma_wait3A = arith.constant 0 : i32
      %dma_wait3A_170 = tpu.memref_slice %arg9[%mul3A_2, %dma_wait3A] : memref<10000x64xf32, #tpu.memory_space<vmem_shared>> -> memref<624x64xf32, #tpu.memory_space<vmem_shared>>
      %dma_wait3A_171 = arith.constant 0 : i32
      %dma_wait3A_172 = arith.constant 0 : i32
      %dma_wait3A_173 = tpu.memref_slice %arg4[%dma_wait3A_171, %dma_wait3A_172] : memref<624x64xf32, #tpu.memory_space<hbm>> -> memref<624x64xf32, #tpu.memory_space<hbm>>
      tpu.wait_dma2 semaphore(%run_scoped3A_164 : memref<!tpu.dma_semaphore, #tpu.memory_space<semaphore_mem>>) src(%dma_wait3A_173 : memref<624x64xf32, #tpu.memory_space<hbm>>) dst(%dma_wait3A_170 : memref<624x64xf32, #tpu.memory_space<vmem_shared>>)
      tpu.yield
    }) : () -> ()
    %eq3A = arith.constant 0 : i32
    %eq3A_3 = arith.cmpi eq, %arg1, %eq3A : i32
    %convert_element_type3A = arith.extui %eq3A_3 : i1 to i32
    %cond3A = arith.constant 0 : i32
    %cond3A_4 = arith.cmpi ne, %convert_element_type3A, %cond3A : i32
    scf.if %cond3A_4 {
      "tpu.region"() ({
        %run_scoped3A_164 = tpu.sem_alloc : memref<!tpu.dma_semaphore, #tpu.memory_space<semaphore_mem>>
        %dma_start3A_165 = arith.constant 9984 : i32
        %dma_start3A_166 = arith.constant 0 : i32
        %dma_start3A_167 = tpu.memref_slice %arg9[%dma_start3A_165, %dma_start3A_166] : memref<10000x64xf32, #tpu.memory_space<vmem_shared>> -> memref<16x64xf32, #tpu.memory_space<vmem_shared>>
        %dma_start3A_168 = arith.constant 0 : i32
        %dma_start3A_169 = arith.constant 0 : i32
        %dma_start3A_170 = tpu.memref_slice %arg4[%dma_start3A_168, %dma_start3A_169] : memref<624x64xf32, #tpu.memory_space<hbm>> -> memref<16x64xf32, #tpu.memory_space<hbm>>
        tpu.enqueue_dma source(%dma_start3A_170 : memref<16x64xf32, #tpu.memory_space<hbm>>) target(%dma_start3A_167 : memref<16x64xf32, #tpu.memory_space<vmem_shared>>) target_semaphore(%run_scoped3A_164 : memref<!tpu.dma_semaphore, #tpu.memory_space<semaphore_mem>>)
        %dma_wait3A = arith.constant 9984 : i32
        %dma_wait3A_171 = arith.constant 0 : i32
        %dma_wait3A_172 = tpu.memref_slice %arg9[%dma_wait3A, %dma_wait3A_171] : memref<10000x64xf32, #tpu.memory_space<vmem_shared>> -> memref<16x64xf32, #tpu.memory_space<vmem_shared>>
        %dma_wait3A_173 = arith.constant 0 : i32
        %dma_wait3A_174 = arith.constant 0 : i32
        %dma_wait3A_175 = tpu.memref_slice %arg4[%dma_wait3A_173, %dma_wait3A_174] : memref<624x64xf32, #tpu.memory_space<hbm>> -> memref<16x64xf32, #tpu.memory_space<hbm>>
        tpu.wait_dma2 semaphore(%run_scoped3A_164 : memref<!tpu.dma_semaphore, #tpu.memory_space<semaphore_mem>>) src(%dma_wait3A_175 : memref<16x64xf32, #tpu.memory_space<hbm>>) dst(%dma_wait3A_172 : memref<16x64xf32, #tpu.memory_space<vmem_shared>>)
        tpu.yield
      }) : () -> ()
    } else {
    }
    %mul3A_5 = arith.constant 10000 : i32
    %mul3A_6 = arith.muli %add3A, %mul3A_5 : i32
    %multiple_of3A = tpu.assume_multiple %mul3A_6, 8 : i32
    %run_scoped3A = arith.constant 0 : i32
    "tpu.region"() ({
      %run_scoped3A_164 = tpu.sem_alloc : memref<!tpu.dma_semaphore, #tpu.memory_space<semaphore_mem>>
      %dma_start3A_165 = tpu.memref_slice %arg3[%run_scoped3A, %multiple_of3A] : memref<2x320000xi32, #tpu.memory_space<hbm>> -> memref<1x10000xi32, #tpu.memory_space<hbm>>
      %dma_start3A_166 = tpu.memref_squeeze %dma_start3A_165 : memref<1x10000xi32, #tpu.memory_space<hbm>> -> memref<10000xi32, #tpu.memory_space<hbm>>
      %dma_start3A_167 = tpu.memref_slice %arg3[%run_scoped3A, %multiple_of3A] : memref<2x320000xi32, #tpu.memory_space<hbm>> -> memref<1x10000xi32, #tpu.memory_space<hbm>>
      %dma_start3A_168 = tpu.memref_squeeze %dma_start3A_167 : memref<1x10000xi32, #tpu.memory_space<hbm>> -> memref<10000xi32, #tpu.memory_space<hbm>>
      tpu.enqueue_dma source(%dma_start3A_168 : memref<10000xi32, #tpu.memory_space<hbm>>) target(%arg6 : memref<10000xi32, #tpu.memory_space<vmem>>) target_semaphore(%run_scoped3A_164 : memref<!tpu.dma_semaphore, #tpu.memory_space<semaphore_mem>>)
      %dma_wait3A = tpu.memref_slice %arg3[%run_scoped3A, %multiple_of3A] : memref<2x320000xi32, #tpu.memory_space<hbm>> -> memref<1x10000xi32, #tpu.memory_space<hbm>>
      %dma_wait3A_169 = tpu.memref_squeeze %dma_wait3A : memref<1x10000xi32, #tpu.memory_space<hbm>> -> memref<10000xi32, #tpu.memory_space<hbm>>
      %dma_wait3A_170 = tpu.memref_slice %arg3[%run_scoped3A, %multiple_of3A] : memref<2x320000xi32, #tpu.memory_space<hbm>> -> memref<1x10000xi32, #tpu.memory_space<hbm>>
      %dma_wait3A_171 = tpu.memref_squeeze %dma_wait3A_170 : memref<1x10000xi32, #tpu.memory_space<hbm>> -> memref<10000xi32, #tpu.memory_space<hbm>>
      tpu.wait_dma2 semaphore(%run_scoped3A_164 : memref<!tpu.dma_semaphore, #tpu.memory_space<semaphore_mem>>) src(%dma_wait3A_171 : memref<10000xi32, #tpu.memory_space<hbm>>) dst(%arg6 : memref<10000xi32, #tpu.memory_space<vmem>>)
      tpu.yield
    }) : () -> ()
    %run_scoped3A_7 = arith.constant 1 : i32
    "tpu.region"() ({
      %run_scoped3A_164 = tpu.sem_alloc : memref<!tpu.dma_semaphore, #tpu.memory_space<semaphore_mem>>
      %dma_start3A_165 = tpu.memref_slice %arg3[%run_scoped3A_7, %multiple_of3A] : memref<2x320000xi32, #tpu.memory_space<hbm>> -> memref<1x10000xi32, #tpu.memory_space<hbm>>
      %dma_start3A_166 = tpu.memref_squeeze %dma_start3A_165 : memref<1x10000xi32, #tpu.memory_space<hbm>> -> memref<10000xi32, #tpu.memory_space<hbm>>
      %dma_start3A_167 = tpu.memref_slice %arg3[%run_scoped3A_7, %multiple_of3A] : memref<2x320000xi32, #tpu.memory_space<hbm>> -> memref<1x10000xi32, #tpu.memory_space<hbm>>
      %dma_start3A_168 = tpu.memref_squeeze %dma_start3A_167 : memref<1x10000xi32, #tpu.memory_space<hbm>> -> memref<10000xi32, #tpu.memory_space<hbm>>
      tpu.enqueue_dma source(%dma_start3A_168 : memref<10000xi32, #tpu.memory_space<hbm>>) target(%arg7 : memref<10000xi32, #tpu.memory_space<vmem>>) target_semaphore(%run_scoped3A_164 : memref<!tpu.dma_semaphore, #tpu.memory_space<semaphore_mem>>)
      %dma_wait3A = tpu.memref_slice %arg3[%run_scoped3A_7, %multiple_of3A] : memref<2x320000xi32, #tpu.memory_space<hbm>> -> memref<1x10000xi32, #tpu.memory_space<hbm>>
      %dma_wait3A_169 = tpu.memref_squeeze %dma_wait3A : memref<1x10000xi32, #tpu.memory_space<hbm>> -> memref<10000xi32, #tpu.memory_space<hbm>>
      %dma_wait3A_170 = tpu.memref_slice %arg3[%run_scoped3A_7, %multiple_of3A] : memref<2x320000xi32, #tpu.memory_space<hbm>> -> memref<1x10000xi32, #tpu.memory_space<hbm>>
      %dma_wait3A_171 = tpu.memref_squeeze %dma_wait3A_170 : memref<1x10000xi32, #tpu.memory_space<hbm>> -> memref<10000xi32, #tpu.memory_space<hbm>>
      tpu.wait_dma2 semaphore(%run_scoped3A_164 : memref<!tpu.dma_semaphore, #tpu.memory_space<semaphore_mem>>) src(%dma_wait3A_171 : memref<10000xi32, #tpu.memory_space<hbm>>) dst(%arg7 : memref<10000xi32, #tpu.memory_space<vmem>>)
      tpu.yield
    }) : () -> ()
    %barrier3A = arith.constant 0 : index
    tpu.barrier barrier_id(%barrier3A)
    %multiple_of3A_8 = arith.constant 0 : i32
    %multiple_of3A_9 = tpu.assume_multiple %multiple_of3A_8, 8 : i32
    %dma_start3A = arith.constant 0 : i32
    %dma_start3A_10 = arith.constant 0 : i32
    %dma_start3A_11 = arith.constant 0 : i32
    %dma_start3A_12 = arith.constant 0 : i32
    %dma_start3A_13 = tpu.memref_slice %arg8[%dma_start3A, %dma_start3A_11, %dma_start3A_12] : memref<10x80x64xf32, #tpu.memory_space<vmem>> -> memref<1x80x64xf32, #tpu.memory_space<vmem>>
    %dma_start3A_14 = tpu.memref_squeeze %dma_start3A_13 : memref<1x80x64xf32, #tpu.memory_space<vmem>> -> memref<80x64xf32, #tpu.memory_space<vmem>>
    %dma_start3A_15 = tpu.memref_slice %arg6[%multiple_of3A_9] : memref<10000xi32, #tpu.memory_space<vmem>> -> memref<80xi32, #tpu.memory_space<vmem>>
    %dma_start3A_16 = arith.constant 0 : i32
    %dma_start3A_17 = arith.constant 0 : i32
    %dma_start3A_18 = tpu.memref_slice %arg2[%dma_start3A_16, %dma_start3A_17] : memref<10000x64xf32, #tpu.memory_space<hbm>> -> memref<10000x64xf32, #tpu.memory_space<hbm>>
    %dma_start3A_19 = tpu.memref_slice %arg10[%dma_start3A_10] : memref<10x!tpu.dma_semaphore, #tpu.memory_space<semaphore_mem>> -> memref<1x!tpu.dma_semaphore, #tpu.memory_space<semaphore_mem>>
    %dma_start3A_20 = tpu.memref_squeeze %dma_start3A_19 : memref<1x!tpu.dma_semaphore, #tpu.memory_space<semaphore_mem>> -> memref<!tpu.dma_semaphore, #tpu.memory_space<semaphore_mem>>
    tpu.enqueue_indirect_dma source(%dma_start3A_18 : memref<10000x64xf32, #tpu.memory_space<hbm>>) target(%dma_start3A_14 : memref<80x64xf32, #tpu.memory_space<vmem>>) offsets(%dma_start3A_15 : memref<80xi32, #tpu.memory_space<vmem>>) semaphore(%dma_start3A_20 : memref<!tpu.dma_semaphore, #tpu.memory_space<semaphore_mem>>)
    %multiple_of3A_21 = arith.constant 80 : i32
    %multiple_of3A_22 = tpu.assume_multiple %multiple_of3A_21, 8 : i32
    %dma_start3A_23 = arith.constant 1 : i32
    %dma_start3A_24 = arith.constant 1 : i32
    %dma_start3A_25 = arith.constant 0 : i32
    %dma_start3A_26 = arith.constant 0 : i32
    %dma_start3A_27 = tpu.memref_slice %arg8[%dma_start3A_23, %dma_start3A_25, %dma_start3A_26] : memref<10x80x64xf32, #tpu.memory_space<vmem>> -> memref<1x80x64xf32, #tpu.memory_space<vmem>>
    %dma_start3A_28 = tpu.memref_squeeze %dma_start3A_27 : memref<1x80x64xf32, #tpu.memory_space<vmem>> -> memref<80x64xf32, #tpu.memory_space<vmem>>
    %dma_start3A_29 = tpu.memref_slice %arg6[%multiple_of3A_22] : memref<10000xi32, #tpu.memory_space<vmem>> -> memref<80xi32, #tpu.memory_space<vmem>>
    %dma_start3A_30 = arith.constant 0 : i32
    %dma_start3A_31 = arith.constant 0 : i32
    %dma_start3A_32 = tpu.memref_slice %arg2[%dma_start3A_30, %dma_start3A_31] : memref<10000x64xf32, #tpu.memory_space<hbm>> -> memref<10000x64xf32, #tpu.memory_space<hbm>>
    %dma_start3A_33 = tpu.memref_slice %arg10[%dma_start3A_24] : memref<10x!tpu.dma_semaphore, #tpu.memory_space<semaphore_mem>> -> memref<1x!tpu.dma_semaphore, #tpu.memory_space<semaphore_mem>>
    %dma_start3A_34 = tpu.memref_squeeze %dma_start3A_33 : memref<1x!tpu.dma_semaphore, #tpu.memory_space<semaphore_mem>> -> memref<!tpu.dma_semaphore, #tpu.memory_space<semaphore_mem>>
    tpu.enqueue_indirect_dma source(%dma_start3A_32 : memref<10000x64xf32, #tpu.memory_space<hbm>>) target(%dma_start3A_28 : memref<80x64xf32, #tpu.memory_space<vmem>>) offsets(%dma_start3A_29 : memref<80xi32, #tpu.memory_space<vmem>>) semaphore(%dma_start3A_34 : memref<!tpu.dma_semaphore, #tpu.memory_space<semaphore_mem>>)
    %multiple_of3A_35 = arith.constant 160 : i32
    %multiple_of3A_36 = tpu.assume_multiple %multiple_of3A_35, 8 : i32
    %dma_start3A_37 = arith.constant 2 : i32
    %dma_start3A_38 = arith.constant 2 : i32
    %dma_start3A_39 = arith.constant 0 : i32
    %dma_start3A_40 = arith.constant 0 : i32
    %dma_start3A_41 = tpu.memref_slice %arg8[%dma_start3A_37, %dma_start3A_39, %dma_start3A_40] : memref<10x80x64xf32, #tpu.memory_space<vmem>> -> memref<1x80x64xf32, #tpu.memory_space<vmem>>
    %dma_start3A_42 = tpu.memref_squeeze %dma_start3A_41 : memref<1x80x64xf32, #tpu.memory_space<vmem>> -> memref<80x64xf32, #tpu.memory_space<vmem>>
    %dma_start3A_43 = tpu.memref_slice %arg6[%multiple_of3A_36] : memref<10000xi32, #tpu.memory_space<vmem>> -> memref<80xi32, #tpu.memory_space<vmem>>
    %dma_start3A_44 = arith.constant 0 : i32
    %dma_start3A_45 = arith.constant 0 : i32
    %dma_start3A_46 = tpu.memref_slice %arg2[%dma_start3A_44, %dma_start3A_45] : memref<10000x64xf32, #tpu.memory_space<hbm>> -> memref<10000x64xf32, #tpu.memory_space<hbm>>
    %dma_start3A_47 = tpu.memref_slice %arg10[%dma_start3A_38] : memref<10x!tpu.dma_semaphore, #tpu.memory_space<semaphore_mem>> -> memref<1x!tpu.dma_semaphore, #tpu.memory_space<semaphore_mem>>
    %dma_start3A_48 = tpu.memref_squeeze %dma_start3A_47 : memref<1x!tpu.dma_semaphore, #tpu.memory_space<semaphore_mem>> -> memref<!tpu.dma_semaphore, #tpu.memory_space<semaphore_mem>>
    tpu.enqueue_indirect_dma source(%dma_start3A_46 : memref<10000x64xf32, #tpu.memory_space<hbm>>) target(%dma_start3A_42 : memref<80x64xf32, #tpu.memory_space<vmem>>) offsets(%dma_start3A_43 : memref<80xi32, #tpu.memory_space<vmem>>) semaphore(%dma_start3A_48 : memref<!tpu.dma_semaphore, #tpu.memory_space<semaphore_mem>>)
    %multiple_of3A_49 = arith.constant 240 : i32
    %multiple_of3A_50 = tpu.assume_multiple %multiple_of3A_49, 8 : i32
    %dma_start3A_51 = arith.constant 3 : i32
    %dma_start3A_52 = arith.constant 3 : i32
    %dma_start3A_53 = arith.constant 0 : i32
    %dma_start3A_54 = arith.constant 0 : i32
    %dma_start3A_55 = tpu.memref_slice %arg8[%dma_start3A_51, %dma_start3A_53, %dma_start3A_54] : memref<10x80x64xf32, #tpu.memory_space<vmem>> -> memref<1x80x64xf32, #tpu.memory_space<vmem>>
    %dma_start3A_56 = tpu.memref_squeeze %dma_start3A_55 : memref<1x80x64xf32, #tpu.memory_space<vmem>> -> memref<80x64xf32, #tpu.memory_space<vmem>>
    %dma_start3A_57 = tpu.memref_slice %arg6[%multiple_of3A_50] : memref<10000xi32, #tpu.memory_space<vmem>> -> memref<80xi32, #tpu.memory_space<vmem>>
    %dma_start3A_58 = arith.constant 0 : i32
    %dma_start3A_59 = arith.constant 0 : i32
    %dma_start3A_60 = tpu.memref_slice %arg2[%dma_start3A_58, %dma_start3A_59] : memref<10000x64xf32, #tpu.memory_space<hbm>> -> memref<10000x64xf32, #tpu.memory_space<hbm>>
    %dma_start3A_61 = tpu.memref_slice %arg10[%dma_start3A_52] : memref<10x!tpu.dma_semaphore, #tpu.memory_space<semaphore_mem>> -> memref<1x!tpu.dma_semaphore, #tpu.memory_space<semaphore_mem>>
    %dma_start3A_62 = tpu.memref_squeeze %dma_start3A_61 : memref<1x!tpu.dma_semaphore, #tpu.memory_space<semaphore_mem>> -> memref<!tpu.dma_semaphore, #tpu.memory_space<semaphore_mem>>
    tpu.enqueue_indirect_dma source(%dma_start3A_60 : memref<10000x64xf32, #tpu.memory_space<hbm>>) target(%dma_start3A_56 : memref<80x64xf32, #tpu.memory_space<vmem>>) offsets(%dma_start3A_57 : memref<80xi32, #tpu.memory_space<vmem>>) semaphore(%dma_start3A_62 : memref<!tpu.dma_semaphore, #tpu.memory_space<semaphore_mem>>)
    %multiple_of3A_63 = arith.constant 320 : i32
    %multiple_of3A_64 = tpu.assume_multiple %multiple_of3A_63, 8 : i32
    %dma_start3A_65 = arith.constant 4 : i32
    %dma_start3A_66 = arith.constant 4 : i32
    %dma_start3A_67 = arith.constant 0 : i32
    %dma_start3A_68 = arith.constant 0 : i32
    %dma_start3A_69 = tpu.memref_slice %arg8[%dma_start3A_65, %dma_start3A_67, %dma_start3A_68] : memref<10x80x64xf32, #tpu.memory_space<vmem>> -> memref<1x80x64xf32, #tpu.memory_space<vmem>>
    %dma_start3A_70 = tpu.memref_squeeze %dma_start3A_69 : memref<1x80x64xf32, #tpu.memory_space<vmem>> -> memref<80x64xf32, #tpu.memory_space<vmem>>
    %dma_start3A_71 = tpu.memref_slice %arg6[%multiple_of3A_64] : memref<10000xi32, #tpu.memory_space<vmem>> -> memref<80xi32, #tpu.memory_space<vmem>>
    %dma_start3A_72 = arith.constant 0 : i32
    %dma_start3A_73 = arith.constant 0 : i32
    %dma_start3A_74 = tpu.memref_slice %arg2[%dma_start3A_72, %dma_start3A_73] : memref<10000x64xf32, #tpu.memory_space<hbm>> -> memref<10000x64xf32, #tpu.memory_space<hbm>>
    %dma_start3A_75 = tpu.memref_slice %arg10[%dma_start3A_66] : memref<10x!tpu.dma_semaphore, #tpu.memory_space<semaphore_mem>> -> memref<1x!tpu.dma_semaphore, #tpu.memory_space<semaphore_mem>>
    %dma_start3A_76 = tpu.memref_squeeze %dma_start3A_75 : memref<1x!tpu.dma_semaphore, #tpu.memory_space<semaphore_mem>> -> memref<!tpu.dma_semaphore, #tpu.memory_space<semaphore_mem>>
    tpu.enqueue_indirect_dma source(%dma_start3A_74 : memref<10000x64xf32, #tpu.memory_space<hbm>>) target(%dma_start3A_70 : memref<80x64xf32, #tpu.memory_space<vmem>>) offsets(%dma_start3A_71 : memref<80xi32, #tpu.memory_space<vmem>>) semaphore(%dma_start3A_76 : memref<!tpu.dma_semaphore, #tpu.memory_space<semaphore_mem>>)
    %multiple_of3A_77 = arith.constant 400 : i32
    %multiple_of3A_78 = tpu.assume_multiple %multiple_of3A_77, 8 : i32
    %dma_start3A_79 = arith.constant 5 : i32
    %dma_start3A_80 = arith.constant 5 : i32
    %dma_start3A_81 = arith.constant 0 : i32
    %dma_start3A_82 = arith.constant 0 : i32
    %dma_start3A_83 = tpu.memref_slice %arg8[%dma_start3A_79, %dma_start3A_81, %dma_start3A_82] : memref<10x80x64xf32, #tpu.memory_space<vmem>> -> memref<1x80x64xf32, #tpu.memory_space<vmem>>
    %dma_start3A_84 = tpu.memref_squeeze %dma_start3A_83 : memref<1x80x64xf32, #tpu.memory_space<vmem>> -> memref<80x64xf32, #tpu.memory_space<vmem>>
    %dma_start3A_85 = tpu.memref_slice %arg6[%multiple_of3A_78] : memref<10000xi32, #tpu.memory_space<vmem>> -> memref<80xi32, #tpu.memory_space<vmem>>
    %dma_start3A_86 = arith.constant 0 : i32
    %dma_start3A_87 = arith.constant 0 : i32
    %dma_start3A_88 = tpu.memref_slice %arg2[%dma_start3A_86, %dma_start3A_87] : memref<10000x64xf32, #tpu.memory_space<hbm>> -> memref<10000x64xf32, #tpu.memory_space<hbm>>
    %dma_start3A_89 = tpu.memref_slice %arg10[%dma_start3A_80] : memref<10x!tpu.dma_semaphore, #tpu.memory_space<semaphore_mem>> -> memref<1x!tpu.dma_semaphore, #tpu.memory_space<semaphore_mem>>
    %dma_start3A_90 = tpu.memref_squeeze %dma_start3A_89 : memref<1x!tpu.dma_semaphore, #tpu.memory_space<semaphore_mem>> -> memref<!tpu.dma_semaphore, #tpu.memory_space<semaphore_mem>>
    tpu.enqueue_indirect_dma source(%dma_start3A_88 : memref<10000x64xf32, #tpu.memory_space<hbm>>) target(%dma_start3A_84 : memref<80x64xf32, #tpu.memory_space<vmem>>) offsets(%dma_start3A_85 : memref<80xi32, #tpu.memory_space<vmem>>) semaphore(%dma_start3A_90 : memref<!tpu.dma_semaphore, #tpu.memory_space<semaphore_mem>>)
    %multiple_of3A_91 = arith.constant 480 : i32
    %multiple_of3A_92 = tpu.assume_multiple %multiple_of3A_91, 8 : i32
    %dma_start3A_93 = arith.constant 6 : i32
    %dma_start3A_94 = arith.constant 6 : i32
    %dma_start3A_95 = arith.constant 0 : i32
    %dma_start3A_96 = arith.constant 0 : i32
    %dma_start3A_97 = tpu.memref_slice %arg8[%dma_start3A_93, %dma_start3A_95, %dma_start3A_96] : memref<10x80x64xf32, #tpu.memory_space<vmem>> -> memref<1x80x64xf32, #tpu.memory_space<vmem>>
    %dma_start3A_98 = tpu.memref_squeeze %dma_start3A_97 : memref<1x80x64xf32, #tpu.memory_space<vmem>> -> memref<80x64xf32, #tpu.memory_space<vmem>>
    %dma_start3A_99 = tpu.memref_slice %arg6[%multiple_of3A_92] : memref<10000xi32, #tpu.memory_space<vmem>> -> memref<80xi32, #tpu.memory_space<vmem>>
    %dma_start3A_100 = arith.constant 0 : i32
    %dma_start3A_101 = arith.constant 0 : i32
    %dma_start3A_102 = tpu.memref_slice %arg2[%dma_start3A_100, %dma_start3A_101] : memref<10000x64xf32, #tpu.memory_space<hbm>> -> memref<10000x64xf32, #tpu.memory_space<hbm>>
    %dma_start3A_103 = tpu.memref_slice %arg10[%dma_start3A_94] : memref<10x!tpu.dma_semaphore, #tpu.memory_space<semaphore_mem>> -> memref<1x!tpu.dma_semaphore, #tpu.memory_space<semaphore_mem>>
    %dma_start3A_104 = tpu.memref_squeeze %dma_start3A_103 : memref<1x!tpu.dma_semaphore, #tpu.memory_space<semaphore_mem>> -> memref<!tpu.dma_semaphore, #tpu.memory_space<semaphore_mem>>
    tpu.enqueue_indirect_dma source(%dma_start3A_102 : memref<10000x64xf32, #tpu.memory_space<hbm>>) target(%dma_start3A_98 : memref<80x64xf32, #tpu.memory_space<vmem>>) offsets(%dma_start3A_99 : memref<80xi32, #tpu.memory_space<vmem>>) semaphore(%dma_start3A_104 : memref<!tpu.dma_semaphore, #tpu.memory_space<semaphore_mem>>)
    %multiple_of3A_105 = arith.constant 560 : i32
    %multiple_of3A_106 = tpu.assume_multiple %multiple_of3A_105, 8 : i32
    %dma_start3A_107 = arith.constant 7 : i32
    %dma_start3A_108 = arith.constant 7 : i32
    %dma_start3A_109 = arith.constant 0 : i32
    %dma_start3A_110 = arith.constant 0 : i32
    %dma_start3A_111 = tpu.memref_slice %arg8[%dma_start3A_107, %dma_start3A_109, %dma_start3A_110] : memref<10x80x64xf32, #tpu.memory_space<vmem>> -> memref<1x80x64xf32, #tpu.memory_space<vmem>>
    %dma_start3A_112 = tpu.memref_squeeze %dma_start3A_111 : memref<1x80x64xf32, #tpu.memory_space<vmem>> -> memref<80x64xf32, #tpu.memory_space<vmem>>
    %dma_start3A_113 = tpu.memref_slice %arg6[%multiple_of3A_106] : memref<10000xi32, #tpu.memory_space<vmem>> -> memref<80xi32, #tpu.memory_space<vmem>>
    %dma_start3A_114 = arith.constant 0 : i32
    %dma_start3A_115 = arith.constant 0 : i32
    %dma_start3A_116 = tpu.memref_slice %arg2[%dma_start3A_114, %dma_start3A_115] : memref<10000x64xf32, #tpu.memory_space<hbm>> -> memref<10000x64xf32, #tpu.memory_space<hbm>>
    %dma_start3A_117 = tpu.memref_slice %arg10[%dma_start3A_108] : memref<10x!tpu.dma_semaphore, #tpu.memory_space<semaphore_mem>> -> memref<1x!tpu.dma_semaphore, #tpu.memory_space<semaphore_mem>>
    %dma_start3A_118 = tpu.memref_squeeze %dma_start3A_117 : memref<1x!tpu.dma_semaphore, #tpu.memory_space<semaphore_mem>> -> memref<!tpu.dma_semaphore, #tpu.memory_space<semaphore_mem>>
    tpu.enqueue_indirect_dma source(%dma_start3A_116 : memref<10000x64xf32, #tpu.memory_space<hbm>>) target(%dma_start3A_112 : memref<80x64xf32, #tpu.memory_space<vmem>>) offsets(%dma_start3A_113 : memref<80xi32, #tpu.memory_space<vmem>>) semaphore(%dma_start3A_118 : memref<!tpu.dma_semaphore, #tpu.memory_space<semaphore_mem>>)
    %multiple_of3A_119 = arith.constant 640 : i32
    %multiple_of3A_120 = tpu.assume_multiple %multiple_of3A_119, 8 : i32
    %dma_start3A_121 = arith.constant 8 : i32
    %dma_start3A_122 = arith.constant 8 : i32
    %dma_start3A_123 = arith.constant 0 : i32
    %dma_start3A_124 = arith.constant 0 : i32
    %dma_start3A_125 = tpu.memref_slice %arg8[%dma_start3A_121, %dma_start3A_123, %dma_start3A_124] : memref<10x80x64xf32, #tpu.memory_space<vmem>> -> memref<1x80x64xf32, #tpu.memory_space<vmem>>
    %dma_start3A_126 = tpu.memref_squeeze %dma_start3A_125 : memref<1x80x64xf32, #tpu.memory_space<vmem>> -> memref<80x64xf32, #tpu.memory_space<vmem>>
    %dma_start3A_127 = tpu.memref_slice %arg6[%multiple_of3A_120] : memref<10000xi32, #tpu.memory_space<vmem>> -> memref<80xi32, #tpu.memory_space<vmem>>
    %dma_start3A_128 = arith.constant 0 : i32
    %dma_start3A_129 = arith.constant 0 : i32
    %dma_start3A_130 = tpu.memref_slice %arg2[%dma_start3A_128, %dma_start3A_129] : memref<10000x64xf32, #tpu.memory_space<hbm>> -> memref<10000x64xf32, #tpu.memory_space<hbm>>
    %dma_start3A_131 = tpu.memref_slice %arg10[%dma_start3A_122] : memref<10x!tpu.dma_semaphore, #tpu.memory_space<semaphore_mem>> -> memref<1x!tpu.dma_semaphore, #tpu.memory_space<semaphore_mem>>
    %dma_start3A_132 = tpu.memref_squeeze %dma_start3A_131 : memref<1x!tpu.dma_semaphore, #tpu.memory_space<semaphore_mem>> -> memref<!tpu.dma_semaphore, #tpu.memory_space<semaphore_mem>>
    tpu.enqueue_indirect_dma source(%dma_start3A_130 : memref<10000x64xf32, #tpu.memory_space<hbm>>) target(%dma_start3A_126 : memref<80x64xf32, #tpu.memory_space<vmem>>) offsets(%dma_start3A_127 : memref<80xi32, #tpu.memory_space<vmem>>) semaphore(%dma_start3A_132 : memref<!tpu.dma_semaphore, #tpu.memory_space<semaphore_mem>>)
    %multiple_of3A_133 = arith.constant 720 : i32
    %multiple_of3A_134 = tpu.assume_multiple %multiple_of3A_133, 8 : i32
    %dma_start3A_135 = arith.constant 9 : i32
    %dma_start3A_136 = arith.constant 9 : i32
    %dma_start3A_137 = arith.constant 0 : i32
    %dma_start3A_138 = arith.constant 0 : i32
    %dma_start3A_139 = tpu.memref_slice %arg8[%dma_start3A_135, %dma_start3A_137, %dma_start3A_138] : memref<10x80x64xf32, #tpu.memory_space<vmem>> -> memref<1x80x64xf32, #tpu.memory_space<vmem>>
    %dma_start3A_140 = tpu.memref_squeeze %dma_start3A_139 : memref<1x80x64xf32, #tpu.memory_space<vmem>> -> memref<80x64xf32, #tpu.memory_space<vmem>>
    %dma_start3A_141 = tpu.memref_slice %arg6[%multiple_of3A_134] : memref<10000xi32, #tpu.memory_space<vmem>> -> memref<80xi32, #tpu.memory_space<vmem>>
    %dma_start3A_142 = arith.constant 0 : i32
    %dma_start3A_143 = arith.constant 0 : i32
    %dma_start3A_144 = tpu.memref_slice %arg2[%dma_start3A_142, %dma_start3A_143] : memref<10000x64xf32, #tpu.memory_space<hbm>> -> memref<10000x64xf32, #tpu.memory_space<hbm>>
    %dma_start3A_145 = tpu.memref_slice %arg10[%dma_start3A_136] : memref<10x!tpu.dma_semaphore, #tpu.memory_space<semaphore_mem>> -> memref<1x!tpu.dma_semaphore, #tpu.memory_space<semaphore_mem>>
    %dma_start3A_146 = tpu.memref_squeeze %dma_start3A_145 : memref<1x!tpu.dma_semaphore, #tpu.memory_space<semaphore_mem>> -> memref<!tpu.dma_semaphore, #tpu.memory_space<semaphore_mem>>
    tpu.enqueue_indirect_dma source(%dma_start3A_144 : memref<10000x64xf32, #tpu.memory_space<hbm>>) target(%dma_start3A_140 : memref<80x64xf32, #tpu.memory_space<vmem>>) offsets(%dma_start3A_141 : memref<80xi32, #tpu.memory_space<vmem>>) semaphore(%dma_start3A_146 : memref<!tpu.dma_semaphore, #tpu.memory_space<semaphore_mem>>)
    %scan3A = arith.constant 0 : i32
    %scan3A_147 = arith.constant 13 : i32
    %scan3A_148 = arith.addi %scan3A, %scan3A_147 : i32
    %scan3A_149 = arith.constant 1 : i32
    scf.for %scan3A_164 = %scan3A to %scan3A_148 step %scan3A_149  : i32 {
      %mul3A_165 = arith.constant 10 : i32
      %mul3A_166 = arith.muli %scan3A_164, %mul3A_165 : i32
      %add3A_167 = arith.constant 0 : i32
      %add3A_168 = arith.addi %add3A_167, %mul3A_166 : i32
      %add3A_169 = arith.constant 0 : i32
      %add3A_170 = arith.addi %add3A_168, %add3A_169 : i32
      %lt3A = arith.constant 125 : i32
      %lt3A_171 = arith.cmpi slt, %add3A_170, %lt3A : i32
      %convert_element_type3A_172 = arith.extui %lt3A_171 : i1 to i32
      %cond3A_173 = arith.constant 0 : i32
      %cond3A_174 = arith.cmpi ne, %convert_element_type3A_172, %cond3A_173 : i32
      scf.if %cond3A_174 {
        %mul3A_238 = arith.constant 80 : i32
        %mul3A_239 = arith.muli %add3A_170, %mul3A_238 : i32
        %multiple_of3A_240 = tpu.assume_multiple %mul3A_239, 8 : i32
        %dma_wait3A = arith.constant 0 : i32
        %dma_wait3A_241 = arith.constant 0 : i32
        %dma_wait3A_242 = arith.constant 0 : i32
        %dma_wait3A_243 = arith.constant 0 : i32
        %dma_wait3A_244 = tpu.memref_slice %arg8[%dma_wait3A, %dma_wait3A_242, %dma_wait3A_243] : memref<10x80x64xf32, #tpu.memory_space<vmem>> -> memref<1x80x64xf32, #tpu.memory_space<vmem>>
        %dma_wait3A_245 = tpu.memref_squeeze %dma_wait3A_244 : memref<1x80x64xf32, #tpu.memory_space<vmem>> -> memref<80x64xf32, #tpu.memory_space<vmem>>
        %dma_wait3A_246 = tpu.memref_slice %arg6[%multiple_of3A_240] : memref<10000xi32, #tpu.memory_space<vmem>> -> memref<80xi32, #tpu.memory_space<vmem>>
        %dma_wait3A_247 = arith.constant 0 : i32
        %dma_wait3A_248 = arith.constant 0 : i32
        %dma_wait3A_249 = tpu.memref_slice %arg2[%dma_wait3A_247, %dma_wait3A_248] : memref<10000x64xf32, #tpu.memory_space<hbm>> -> memref<10000x64xf32, #tpu.memory_space<hbm>>
        %dma_wait3A_250 = tpu.memref_slice %arg10[%dma_wait3A_241] : memref<10x!tpu.dma_semaphore, #tpu.memory_space<semaphore_mem>> -> memref<1x!tpu.dma_semaphore, #tpu.memory_space<semaphore_mem>>
        %dma_wait3A_251 = tpu.memref_squeeze %dma_wait3A_250 : memref<1x!tpu.dma_semaphore, #tpu.memory_space<semaphore_mem>> -> memref<!tpu.dma_semaphore, #tpu.memory_space<semaphore_mem>>
        tpu.wait_indirect_dma semaphore(%dma_wait3A_251 : memref<!tpu.dma_semaphore, #tpu.memory_space<semaphore_mem>>) src(%dma_wait3A_249 : memref<10000x64xf32, #tpu.memory_space<hbm>>) dst(%dma_wait3A_245 : memref<80x64xf32, #tpu.memory_space<vmem>>)
        %mul3A_252 = arith.constant 80 : i32
        %mul3A_253 = arith.muli %add3A_170, %mul3A_252 : i32
        %multiple_of3A_254 = tpu.assume_multiple %mul3A_253, 8 : i32
        %run_scoped3A_255 = arith.constant 0 : i32
        "tpu.region"() ({
          %run_scoped3A_263 = tpu.sem_alloc : memref<!tpu.dma_semaphore, #tpu.memory_space<semaphore_mem>>
          %dma_start3A_264 = arith.constant 0 : i32
          %dma_start3A_265 = arith.constant 0 : i32
          %dma_start3A_266 = tpu.memref_slice %arg8[%run_scoped3A_255, %dma_start3A_264, %dma_start3A_265] : memref<10x80x64xf32, #tpu.memory_space<vmem>> -> memref<1x80x64xf32, #tpu.memory_space<vmem>>
          %dma_start3A_267 = tpu.memref_squeeze %dma_start3A_266 : memref<1x80x64xf32, #tpu.memory_space<vmem>> -> memref<80x64xf32, #tpu.memory_space<vmem>>
          %dma_start3A_268 = tpu.memref_slice %arg7[%multiple_of3A_254] : memref<10000xi32, #tpu.memory_space<vmem>> -> memref<80xi32, #tpu.memory_space<vmem>>
          %dma_start3A_269 = arith.constant 0 : i32
          %dma_start3A_270 = arith.constant 0 : i32
          %dma_start3A_271 = tpu.memref_slice %arg9[%dma_start3A_269, %dma_start3A_270] : memref<10000x64xf32, #tpu.memory_space<vmem_shared>> -> memref<10000x64xf32, #tpu.memory_space<vmem_shared>>
          tpu.enqueue_indirect_dma source(%dma_start3A_267 : memref<80x64xf32, #tpu.memory_space<vmem>>) target(%dma_start3A_271 : memref<10000x64xf32, #tpu.memory_space<vmem_shared>>) offsets(%dma_start3A_268 : memref<80xi32, #tpu.memory_space<vmem>>) semaphore(%run_scoped3A_263 : memref<!tpu.dma_semaphore, #tpu.memory_space<semaphore_mem>>) {add = true}
          %dma_wait3A_272 = arith.constant 0 : i32
          %dma_wait3A_273 = arith.constant 0 : i32
          %dma_wait3A_274 = tpu.memref_slice %arg8[%run_scoped3A_255, %dma_wait3A_272, %dma_wait3A_273] : memref<10x80x64xf32, #tpu.memory_space<vmem>> -> memref<1x80x64xf32, #tpu.memory_space<vmem>>
          %dma_wait3A_275 = tpu.memref_squeeze %dma_wait3A_274 : memref<1x80x64xf32, #tpu.memory_space<vmem>> -> memref<80x64xf32, #tpu.memory_space<vmem>>
          %dma_wait3A_276 = tpu.memref_slice %arg7[%multiple_of3A_254] : memref<10000xi32, #tpu.memory_space<vmem>> -> memref<80xi32, #tpu.memory_space<vmem>>
          %dma_wait3A_277 = arith.constant 0 : i32
          %dma_wait3A_278 = arith.constant 0 : i32
          %dma_wait3A_279 = tpu.memref_slice %arg9[%dma_wait3A_277, %dma_wait3A_278] : memref<10000x64xf32, #tpu.memory_space<vmem_shared>> -> memref<10000x64xf32, #tpu.memory_space<vmem_shared>>
          tpu.wait_indirect_dma semaphore(%run_scoped3A_263 : memref<!tpu.dma_semaphore, #tpu.memory_space<semaphore_mem>>) src(%dma_wait3A_275 : memref<80x64xf32, #tpu.memory_space<vmem>>) dst(%dma_wait3A_279 : memref<10000x64xf32, #tpu.memory_space<vmem_shared>>)
          tpu.yield
        }) : () -> ()
        %add3A_256 = arith.constant 10 : i32
        %add3A_257 = arith.addi %add3A_170, %add3A_256 : i32
        %lt3A_258 = arith.constant 125 : i32
        %lt3A_259 = arith.cmpi slt, %add3A_257, %lt3A_258 : i32
        %convert_element_type3A_260 = arith.extui %lt3A_259 : i1 to i32
        %cond3A_261 = arith.constant 0 : i32
        %cond3A_262 = arith.cmpi ne, %convert_element_type3A_260, %cond3A_261 : i32
        scf.if %cond3A_262 {
          %mul3A_263 = arith.constant 80 : i32
          %mul3A_264 = arith.muli %add3A_257, %mul3A_263 : i32
          %multiple_of3A_265 = tpu.assume_multiple %mul3A_264, 8 : i32
          %dma_start3A_266 = arith.constant 0 : i32
          %dma_start3A_267 = arith.constant 0 : i32
          %dma_start3A_268 = arith.constant 0 : i32
          %dma_start3A_269 = arith.constant 0 : i32
          %dma_start3A_270 = tpu.memref_slice %arg8[%dma_start3A_266, %dma_start3A_268, %dma_start3A_269] : memref<10x80x64xf32, #tpu.memory_space<vmem>> -> memref<1x80x64xf32, #tpu.memory_space<vmem>>
          %dma_start3A_271 = tpu.memref_squeeze %dma_start3A_270 : memref<1x80x64xf32, #tpu.memory_space<vmem>> -> memref<80x64xf32, #tpu.memory_space<vmem>>
          %dma_start3A_272 = tpu.memref_slice %arg6[%multiple_of3A_265] : memref<10000xi32, #tpu.memory_space<vmem>> -> memref<80xi32, #tpu.memory_space<vmem>>
          %dma_start3A_273 = arith.constant 0 : i32
          %dma_start3A_274 = arith.constant 0 : i32
          %dma_start3A_275 = tpu.memref_slice %arg2[%dma_start3A_273, %dma_start3A_274] : memref<10000x64xf32, #tpu.memory_space<hbm>> -> memref<10000x64xf32, #tpu.memory_space<hbm>>
          %dma_start3A_276 = tpu.memref_slice %arg10[%dma_start3A_267] : memref<10x!tpu.dma_semaphore, #tpu.memory_space<semaphore_mem>> -> memref<1x!tpu.dma_semaphore, #tpu.memory_space<semaphore_mem>>
          %dma_start3A_277 = tpu.memref_squeeze %dma_start3A_276 : memref<1x!tpu.dma_semaphore, #tpu.memory_space<semaphore_mem>> -> memref<!tpu.dma_semaphore, #tpu.memory_space<semaphore_mem>>
          tpu.enqueue_indirect_dma source(%dma_start3A_275 : memref<10000x64xf32, #tpu.memory_space<hbm>>) target(%dma_start3A_271 : memref<80x64xf32, #tpu.memory_space<vmem>>) offsets(%dma_start3A_272 : memref<80xi32, #tpu.memory_space<vmem>>) semaphore(%dma_start3A_277 : memref<!tpu.dma_semaphore, #tpu.memory_space<semaphore_mem>>)
        } else {
        }
      } else {
      }
      %add3A_175 = arith.constant 1 : i32
      %add3A_176 = arith.addi %add3A_168, %add3A_175 : i32
      %lt3A_177 = arith.constant 125 : i32
      %lt3A_178 = arith.cmpi slt, %add3A_176, %lt3A_177 : i32
      %convert_element_type3A_179 = arith.extui %lt3A_178 : i1 to i32
      %cond3A_180 = arith.constant 0 : i32
      %cond3A_181 = arith.cmpi ne, %convert_element_type3A_179, %cond3A_180 : i32
      scf.if %cond3A_181 {
        %mul3A_238 = arith.constant 80 : i32
        %mul3A_239 = arith.muli %add3A_176, %mul3A_238 : i32
        %multiple_of3A_240 = tpu.assume_multiple %mul3A_239, 8 : i32
        %dma_wait3A = arith.constant 1 : i32
        %dma_wait3A_241 = arith.constant 1 : i32
        %dma_wait3A_242 = arith.constant 0 : i32
        %dma_wait3A_243 = arith.constant 0 : i32
        %dma_wait3A_244 = tpu.memref_slice %arg8[%dma_wait3A, %dma_wait3A_242, %dma_wait3A_243] : memref<10x80x64xf32, #tpu.memory_space<vmem>> -> memref<1x80x64xf32, #tpu.memory_space<vmem>>
        %dma_wait3A_245 = tpu.memref_squeeze %dma_wait3A_244 : memref<1x80x64xf32, #tpu.memory_space<vmem>> -> memref<80x64xf32, #tpu.memory_space<vmem>>
        %dma_wait3A_246 = tpu.memref_slice %arg6[%multiple_of3A_240] : memref<10000xi32, #tpu.memory_space<vmem>> -> memref<80xi32, #tpu.memory_space<vmem>>
        %dma_wait3A_247 = arith.constant 0 : i32
        %dma_wait3A_248 = arith.constant 0 : i32
        %dma_wait3A_249 = tpu.memref_slice %arg2[%dma_wait3A_247, %dma_wait3A_248] : memref<10000x64xf32, #tpu.memory_space<hbm>> -> memref<10000x64xf32, #tpu.memory_space<hbm>>
        %dma_wait3A_250 = tpu.memref_slice %arg10[%dma_wait3A_241] : memref<10x!tpu.dma_semaphore, #tpu.memory_space<semaphore_mem>> -> memref<1x!tpu.dma_semaphore, #tpu.memory_space<semaphore_mem>>
        %dma_wait3A_251 = tpu.memref_squeeze %dma_wait3A_250 : memref<1x!tpu.dma_semaphore, #tpu.memory_space<semaphore_mem>> -> memref<!tpu.dma_semaphore, #tpu.memory_space<semaphore_mem>>
        tpu.wait_indirect_dma semaphore(%dma_wait3A_251 : memref<!tpu.dma_semaphore, #tpu.memory_space<semaphore_mem>>) src(%dma_wait3A_249 : memref<10000x64xf32, #tpu.memory_space<hbm>>) dst(%dma_wait3A_245 : memref<80x64xf32, #tpu.memory_space<vmem>>)
        %mul3A_252 = arith.constant 80 : i32
        %mul3A_253 = arith.muli %add3A_176, %mul3A_252 : i32
        %multiple_of3A_254 = tpu.assume_multiple %mul3A_253, 8 : i32
        %run_scoped3A_255 = arith.constant 1 : i32
        "tpu.region"() ({
          %run_scoped3A_263 = tpu.sem_alloc : memref<!tpu.dma_semaphore, #tpu.memory_space<semaphore_mem>>
          %dma_start3A_264 = arith.constant 0 : i32
          %dma_start3A_265 = arith.constant 0 : i32
          %dma_start3A_266 = tpu.memref_slice %arg8[%run_scoped3A_255, %dma_start3A_264, %dma_start3A_265] : memref<10x80x64xf32, #tpu.memory_space<vmem>> -> memref<1x80x64xf32, #tpu.memory_space<vmem>>
          %dma_start3A_267 = tpu.memref_squeeze %dma_start3A_266 : memref<1x80x64xf32, #tpu.memory_space<vmem>> -> memref<80x64xf32, #tpu.memory_space<vmem>>
          %dma_start3A_268 = tpu.memref_slice %arg7[%multiple_of3A_254] : memref<10000xi32, #tpu.memory_space<vmem>> -> memref<80xi32, #tpu.memory_space<vmem>>
          %dma_start3A_269 = arith.constant 0 : i32
          %dma_start3A_270 = arith.constant 0 : i32
          %dma_start3A_271 = tpu.memref_slice %arg9[%dma_start3A_269, %dma_start3A_270] : memref<10000x64xf32, #tpu.memory_space<vmem_shared>> -> memref<10000x64xf32, #tpu.memory_space<vmem_shared>>
          tpu.enqueue_indirect_dma source(%dma_start3A_267 : memref<80x64xf32, #tpu.memory_space<vmem>>) target(%dma_start3A_271 : memref<10000x64xf32, #tpu.memory_space<vmem_shared>>) offsets(%dma_start3A_268 : memref<80xi32, #tpu.memory_space<vmem>>) semaphore(%run_scoped3A_263 : memref<!tpu.dma_semaphore, #tpu.memory_space<semaphore_mem>>) {add = true}
          %dma_wait3A_272 = arith.constant 0 : i32
          %dma_wait3A_273 = arith.constant 0 : i32
          %dma_wait3A_274 = tpu.memref_slice %arg8[%run_scoped3A_255, %dma_wait3A_272, %dma_wait3A_273] : memref<10x80x64xf32, #tpu.memory_space<vmem>> -> memref<1x80x64xf32, #tpu.memory_space<vmem>>
          %dma_wait3A_275 = tpu.memref_squeeze %dma_wait3A_274 : memref<1x80x64xf32, #tpu.memory_space<vmem>> -> memref<80x64xf32, #tpu.memory_space<vmem>>
          %dma_wait3A_276 = tpu.memref_slice %arg7[%multiple_of3A_254] : memref<10000xi32, #tpu.memory_space<vmem>> -> memref<80xi32, #tpu.memory_space<vmem>>
          %dma_wait3A_277 = arith.constant 0 : i32
          %dma_wait3A_278 = arith.constant 0 : i32
          %dma_wait3A_279 = tpu.memref_slice %arg9[%dma_wait3A_277, %dma_wait3A_278] : memref<10000x64xf32, #tpu.memory_space<vmem_shared>> -> memref<10000x64xf32, #tpu.memory_space<vmem_shared>>
          tpu.wait_indirect_dma semaphore(%run_scoped3A_263 : memref<!tpu.dma_semaphore, #tpu.memory_space<semaphore_mem>>) src(%dma_wait3A_275 : memref<80x64xf32, #tpu.memory_space<vmem>>) dst(%dma_wait3A_279 : memref<10000x64xf32, #tpu.memory_space<vmem_shared>>)
          tpu.yield
        }) : () -> ()
        %add3A_256 = arith.constant 10 : i32
        %add3A_257 = arith.addi %add3A_176, %add3A_256 : i32
        %lt3A_258 = arith.constant 125 : i32
        %lt3A_259 = arith.cmpi slt, %add3A_257, %lt3A_258 : i32
        %convert_element_type3A_260 = arith.extui %lt3A_259 : i1 to i32
        %cond3A_261 = arith.constant 0 : i32
        %cond3A_262 = arith.cmpi ne, %convert_element_type3A_260, %cond3A_261 : i32
        scf.if %cond3A_262 {
          %mul3A_263 = arith.constant 80 : i32
          %mul3A_264 = arith.muli %add3A_257, %mul3A_263 : i32
          %multiple_of3A_265 = tpu.assume_multiple %mul3A_264, 8 : i32
          %dma_start3A_266 = arith.constant 1 : i32
          %dma_start3A_267 = arith.constant 1 : i32
          %dma_start3A_268 = arith.constant 0 : i32
          %dma_start3A_269 = arith.constant 0 : i32
          %dma_start3A_270 = tpu.memref_slice %arg8[%dma_start3A_266, %dma_start3A_268, %dma_start3A_269] : memref<10x80x64xf32, #tpu.memory_space<vmem>> -> memref<1x80x64xf32, #tpu.memory_space<vmem>>
          %dma_start3A_271 = tpu.memref_squeeze %dma_start3A_270 : memref<1x80x64xf32, #tpu.memory_space<vmem>> -> memref<80x64xf32, #tpu.memory_space<vmem>>
          %dma_start3A_272 = tpu.memref_slice %arg6[%multiple_of3A_265] : memref<10000xi32, #tpu.memory_space<vmem>> -> memref<80xi32, #tpu.memory_space<vmem>>
          %dma_start3A_273 = arith.constant 0 : i32
          %dma_start3A_274 = arith.constant 0 : i32
          %dma_start3A_275 = tpu.memref_slice %arg2[%dma_start3A_273, %dma_start3A_274] : memref<10000x64xf32, #tpu.memory_space<hbm>> -> memref<10000x64xf32, #tpu.memory_space<hbm>>
          %dma_start3A_276 = tpu.memref_slice %arg10[%dma_start3A_267] : memref<10x!tpu.dma_semaphore, #tpu.memory_space<semaphore_mem>> -> memref<1x!tpu.dma_semaphore, #tpu.memory_space<semaphore_mem>>
          %dma_start3A_277 = tpu.memref_squeeze %dma_start3A_276 : memref<1x!tpu.dma_semaphore, #tpu.memory_space<semaphore_mem>> -> memref<!tpu.dma_semaphore, #tpu.memory_space<semaphore_mem>>
          tpu.enqueue_indirect_dma source(%dma_start3A_275 : memref<10000x64xf32, #tpu.memory_space<hbm>>) target(%dma_start3A_271 : memref<80x64xf32, #tpu.memory_space<vmem>>) offsets(%dma_start3A_272 : memref<80xi32, #tpu.memory_space<vmem>>) semaphore(%dma_start3A_277 : memref<!tpu.dma_semaphore, #tpu.memory_space<semaphore_mem>>)
        } else {
        }
      } else {
      }
      %add3A_182 = arith.constant 2 : i32
      %add3A_183 = arith.addi %add3A_168, %add3A_182 : i32
      %lt3A_184 = arith.constant 125 : i32
      %lt3A_185 = arith.cmpi slt, %add3A_183, %lt3A_184 : i32
      %convert_element_type3A_186 = arith.extui %lt3A_185 : i1 to i32
      %cond3A_187 = arith.constant 0 : i32
      %cond3A_188 = arith.cmpi ne, %convert_element_type3A_186, %cond3A_187 : i32
      scf.if %cond3A_188 {
        %mul3A_238 = arith.constant 80 : i32
        %mul3A_239 = arith.muli %add3A_183, %mul3A_238 : i32
        %multiple_of3A_240 = tpu.assume_multiple %mul3A_239, 8 : i32
        %dma_wait3A = arith.constant 2 : i32
        %dma_wait3A_241 = arith.constant 2 : i32
        %dma_wait3A_242 = arith.constant 0 : i32
        %dma_wait3A_243 = arith.constant 0 : i32
        %dma_wait3A_244 = tpu.memref_slice %arg8[%dma_wait3A, %dma_wait3A_242, %dma_wait3A_243] : memref<10x80x64xf32, #tpu.memory_space<vmem>> -> memref<1x80x64xf32, #tpu.memory_space<vmem>>
        %dma_wait3A_245 = tpu.memref_squeeze %dma_wait3A_244 : memref<1x80x64xf32, #tpu.memory_space<vmem>> -> memref<80x64xf32, #tpu.memory_space<vmem>>
        %dma_wait3A_246 = tpu.memref_slice %arg6[%multiple_of3A_240] : memref<10000xi32, #tpu.memory_space<vmem>> -> memref<80xi32, #tpu.memory_space<vmem>>
        %dma_wait3A_247 = arith.constant 0 : i32
        %dma_wait3A_248 = arith.constant 0 : i32
        %dma_wait3A_249 = tpu.memref_slice %arg2[%dma_wait3A_247, %dma_wait3A_248] : memref<10000x64xf32, #tpu.memory_space<hbm>> -> memref<10000x64xf32, #tpu.memory_space<hbm>>
        %dma_wait3A_250 = tpu.memref_slice %arg10[%dma_wait3A_241] : memref<10x!tpu.dma_semaphore, #tpu.memory_space<semaphore_mem>> -> memref<1x!tpu.dma_semaphore, #tpu.memory_space<semaphore_mem>>
        %dma_wait3A_251 = tpu.memref_squeeze %dma_wait3A_250 : memref<1x!tpu.dma_semaphore, #tpu.memory_space<semaphore_mem>> -> memref<!tpu.dma_semaphore, #tpu.memory_space<semaphore_mem>>
        tpu.wait_indirect_dma semaphore(%dma_wait3A_251 : memref<!tpu.dma_semaphore, #tpu.memory_space<semaphore_mem>>) src(%dma_wait3A_249 : memref<10000x64xf32, #tpu.memory_space<hbm>>) dst(%dma_wait3A_245 : memref<80x64xf32, #tpu.memory_space<vmem>>)
        %mul3A_252 = arith.constant 80 : i32
        %mul3A_253 = arith.muli %add3A_183, %mul3A_252 : i32
        %multiple_of3A_254 = tpu.assume_multiple %mul3A_253, 8 : i32
        %run_scoped3A_255 = arith.constant 2 : i32
        "tpu.region"() ({
          %run_scoped3A_263 = tpu.sem_alloc : memref<!tpu.dma_semaphore, #tpu.memory_space<semaphore_mem>>
          %dma_start3A_264 = arith.constant 0 : i32
          %dma_start3A_265 = arith.constant 0 : i32
          %dma_start3A_266 = tpu.memref_slice %arg8[%run_scoped3A_255, %dma_start3A_264, %dma_start3A_265] : memref<10x80x64xf32, #tpu.memory_space<vmem>> -> memref<1x80x64xf32, #tpu.memory_space<vmem>>
          %dma_start3A_267 = tpu.memref_squeeze %dma_start3A_266 : memref<1x80x64xf32, #tpu.memory_space<vmem>> -> memref<80x64xf32, #tpu.memory_space<vmem>>
          %dma_start3A_268 = tpu.memref_slice %arg7[%multiple_of3A_254] : memref<10000xi32, #tpu.memory_space<vmem>> -> memref<80xi32, #tpu.memory_space<vmem>>
          %dma_start3A_269 = arith.constant 0 : i32
          %dma_start3A_270 = arith.constant 0 : i32
          %dma_start3A_271 = tpu.memref_slice %arg9[%dma_start3A_269, %dma_start3A_270] : memref<10000x64xf32, #tpu.memory_space<vmem_shared>> -> memref<10000x64xf32, #tpu.memory_space<vmem_shared>>
          tpu.enqueue_indirect_dma source(%dma_start3A_267 : memref<80x64xf32, #tpu.memory_space<vmem>>) target(%dma_start3A_271 : memref<10000x64xf32, #tpu.memory_space<vmem_shared>>) offsets(%dma_start3A_268 : memref<80xi32, #tpu.memory_space<vmem>>) semaphore(%run_scoped3A_263 : memref<!tpu.dma_semaphore, #tpu.memory_space<semaphore_mem>>) {add = true}
          %dma_wait3A_272 = arith.constant 0 : i32
          %dma_wait3A_273 = arith.constant 0 : i32
          %dma_wait3A_274 = tpu.memref_slice %arg8[%run_scoped3A_255, %dma_wait3A_272, %dma_wait3A_273] : memref<10x80x64xf32, #tpu.memory_space<vmem>> -> memref<1x80x64xf32, #tpu.memory_space<vmem>>
          %dma_wait3A_275 = tpu.memref_squeeze %dma_wait3A_274 : memref<1x80x64xf32, #tpu.memory_space<vmem>> -> memref<80x64xf32, #tpu.memory_space<vmem>>
          %dma_wait3A_276 = tpu.memref_slice %arg7[%multiple_of3A_254] : memref<10000xi32, #tpu.memory_space<vmem>> -> memref<80xi32, #tpu.memory_space<vmem>>
          %dma_wait3A_277 = arith.constant 0 : i32
          %dma_wait3A_278 = arith.constant 0 : i32
          %dma_wait3A_279 = tpu.memref_slice %arg9[%dma_wait3A_277, %dma_wait3A_278] : memref<10000x64xf32, #tpu.memory_space<vmem_shared>> -> memref<10000x64xf32, #tpu.memory_space<vmem_shared>>
          tpu.wait_indirect_dma semaphore(%run_scoped3A_263 : memref<!tpu.dma_semaphore, #tpu.memory_space<semaphore_mem>>) src(%dma_wait3A_275 : memref<80x64xf32, #tpu.memory_space<vmem>>) dst(%dma_wait3A_279 : memref<10000x64xf32, #tpu.memory_space<vmem_shared>>)
          tpu.yield
        }) : () -> ()
        %add3A_256 = arith.constant 10 : i32
        %add3A_257 = arith.addi %add3A_183, %add3A_256 : i32
        %lt3A_258 = arith.constant 125 : i32
        %lt3A_259 = arith.cmpi slt, %add3A_257, %lt3A_258 : i32
        %convert_element_type3A_260 = arith.extui %lt3A_259 : i1 to i32
        %cond3A_261 = arith.constant 0 : i32
        %cond3A_262 = arith.cmpi ne, %convert_element_type3A_260, %cond3A_261 : i32
        scf.if %cond3A_262 {
          %mul3A_263 = arith.constant 80 : i32
          %mul3A_264 = arith.muli %add3A_257, %mul3A_263 : i32
          %multiple_of3A_265 = tpu.assume_multiple %mul3A_264, 8 : i32
          %dma_start3A_266 = arith.constant 2 : i32
          %dma_start3A_267 = arith.constant 2 : i32
          %dma_start3A_268 = arith.constant 0 : i32
          %dma_start3A_269 = arith.constant 0 : i32
          %dma_start3A_270 = tpu.memref_slice %arg8[%dma_start3A_266, %dma_start3A_268, %dma_start3A_269] : memref<10x80x64xf32, #tpu.memory_space<vmem>> -> memref<1x80x64xf32, #tpu.memory_space<vmem>>
          %dma_start3A_271 = tpu.memref_squeeze %dma_start3A_270 : memref<1x80x64xf32, #tpu.memory_space<vmem>> -> memref<80x64xf32, #tpu.memory_space<vmem>>
          %dma_start3A_272 = tpu.memref_slice %arg6[%multiple_of3A_265] : memref<10000xi32, #tpu.memory_space<vmem>> -> memref<80xi32, #tpu.memory_space<vmem>>
          %dma_start3A_273 = arith.constant 0 : i32
          %dma_start3A_274 = arith.constant 0 : i32
          %dma_start3A_275 = tpu.memref_slice %arg2[%dma_start3A_273, %dma_start3A_274] : memref<10000x64xf32, #tpu.memory_space<hbm>> -> memref<10000x64xf32, #tpu.memory_space<hbm>>
          %dma_start3A_276 = tpu.memref_slice %arg10[%dma_start3A_267] : memref<10x!tpu.dma_semaphore, #tpu.memory_space<semaphore_mem>> -> memref<1x!tpu.dma_semaphore, #tpu.memory_space<semaphore_mem>>
          %dma_start3A_277 = tpu.memref_squeeze %dma_start3A_276 : memref<1x!tpu.dma_semaphore, #tpu.memory_space<semaphore_mem>> -> memref<!tpu.dma_semaphore, #tpu.memory_space<semaphore_mem>>
          tpu.enqueue_indirect_dma source(%dma_start3A_275 : memref<10000x64xf32, #tpu.memory_space<hbm>>) target(%dma_start3A_271 : memref<80x64xf32, #tpu.memory_space<vmem>>) offsets(%dma_start3A_272 : memref<80xi32, #tpu.memory_space<vmem>>) semaphore(%dma_start3A_277 : memref<!tpu.dma_semaphore, #tpu.memory_space<semaphore_mem>>)
        } else {
        }
      } else {
      }
      %add3A_189 = arith.constant 3 : i32
      %add3A_190 = arith.addi %add3A_168, %add3A_189 : i32
      %lt3A_191 = arith.constant 125 : i32
      %lt3A_192 = arith.cmpi slt, %add3A_190, %lt3A_191 : i32
      %convert_element_type3A_193 = arith.extui %lt3A_192 : i1 to i32
      %cond3A_194 = arith.constant 0 : i32
      %cond3A_195 = arith.cmpi ne, %convert_element_type3A_193, %cond3A_194 : i32
      scf.if %cond3A_195 {
        %mul3A_238 = arith.constant 80 : i32
        %mul3A_239 = arith.muli %add3A_190, %mul3A_238 : i32
        %multiple_of3A_240 = tpu.assume_multiple %mul3A_239, 8 : i32
        %dma_wait3A = arith.constant 3 : i32
        %dma_wait3A_241 = arith.constant 3 : i32
        %dma_wait3A_242 = arith.constant 0 : i32
        %dma_wait3A_243 = arith.constant 0 : i32
        %dma_wait3A_244 = tpu.memref_slice %arg8[%dma_wait3A, %dma_wait3A_242, %dma_wait3A_243] : memref<10x80x64xf32, #tpu.memory_space<vmem>> -> memref<1x80x64xf32, #tpu.memory_space<vmem>>
        %dma_wait3A_245 = tpu.memref_squeeze %dma_wait3A_244 : memref<1x80x64xf32, #tpu.memory_space<vmem>> -> memref<80x64xf32, #tpu.memory_space<vmem>>
        %dma_wait3A_246 = tpu.memref_slice %arg6[%multiple_of3A_240] : memref<10000xi32, #tpu.memory_space<vmem>> -> memref<80xi32, #tpu.memory_space<vmem>>
        %dma_wait3A_247 = arith.constant 0 : i32
        %dma_wait3A_248 = arith.constant 0 : i32
        %dma_wait3A_249 = tpu.memref_slice %arg2[%dma_wait3A_247, %dma_wait3A_248] : memref<10000x64xf32, #tpu.memory_space<hbm>> -> memref<10000x64xf32, #tpu.memory_space<hbm>>
        %dma_wait3A_250 = tpu.memref_slice %arg10[%dma_wait3A_241] : memref<10x!tpu.dma_semaphore, #tpu.memory_space<semaphore_mem>> -> memref<1x!tpu.dma_semaphore, #tpu.memory_space<semaphore_mem>>
        %dma_wait3A_251 = tpu.memref_squeeze %dma_wait3A_250 : memref<1x!tpu.dma_semaphore, #tpu.memory_space<semaphore_mem>> -> memref<!tpu.dma_semaphore, #tpu.memory_space<semaphore_mem>>
        tpu.wait_indirect_dma semaphore(%dma_wait3A_251 : memref<!tpu.dma_semaphore, #tpu.memory_space<semaphore_mem>>) src(%dma_wait3A_249 : memref<10000x64xf32, #tpu.memory_space<hbm>>) dst(%dma_wait3A_245 : memref<80x64xf32, #tpu.memory_space<vmem>>)
        %mul3A_252 = arith.constant 80 : i32
        %mul3A_253 = arith.muli %add3A_190, %mul3A_252 : i32
        %multiple_of3A_254 = tpu.assume_multiple %mul3A_253, 8 : i32
        %run_scoped3A_255 = arith.constant 3 : i32
        "tpu.region"() ({
          %run_scoped3A_263 = tpu.sem_alloc : memref<!tpu.dma_semaphore, #tpu.memory_space<semaphore_mem>>
          %dma_start3A_264 = arith.constant 0 : i32
          %dma_start3A_265 = arith.constant 0 : i32
          %dma_start3A_266 = tpu.memref_slice %arg8[%run_scoped3A_255, %dma_start3A_264, %dma_start3A_265] : memref<10x80x64xf32, #tpu.memory_space<vmem>> -> memref<1x80x64xf32, #tpu.memory_space<vmem>>
          %dma_start3A_267 = tpu.memref_squeeze %dma_start3A_266 : memref<1x80x64xf32, #tpu.memory_space<vmem>> -> memref<80x64xf32, #tpu.memory_space<vmem>>
          %dma_start3A_268 = tpu.memref_slice %arg7[%multiple_of3A_254] : memref<10000xi32, #tpu.memory_space<vmem>> -> memref<80xi32, #tpu.memory_space<vmem>>
          %dma_start3A_269 = arith.constant 0 : i32
          %dma_start3A_270 = arith.constant 0 : i32
          %dma_start3A_271 = tpu.memref_slice %arg9[%dma_start3A_269, %dma_start3A_270] : memref<10000x64xf32, #tpu.memory_space<vmem_shared>> -> memref<10000x64xf32, #tpu.memory_space<vmem_shared>>
          tpu.enqueue_indirect_dma source(%dma_start3A_267 : memref<80x64xf32, #tpu.memory_space<vmem>>) target(%dma_start3A_271 : memref<10000x64xf32, #tpu.memory_space<vmem_shared>>) offsets(%dma_start3A_268 : memref<80xi32, #tpu.memory_space<vmem>>) semaphore(%run_scoped3A_263 : memref<!tpu.dma_semaphore, #tpu.memory_space<semaphore_mem>>) {add = true}
          %dma_wait3A_272 = arith.constant 0 : i32
          %dma_wait3A_273 = arith.constant 0 : i32
          %dma_wait3A_274 = tpu.memref_slice %arg8[%run_scoped3A_255, %dma_wait3A_272, %dma_wait3A_273] : memref<10x80x64xf32, #tpu.memory_space<vmem>> -> memref<1x80x64xf32, #tpu.memory_space<vmem>>
          %dma_wait3A_275 = tpu.memref_squeeze %dma_wait3A_274 : memref<1x80x64xf32, #tpu.memory_space<vmem>> -> memref<80x64xf32, #tpu.memory_space<vmem>>
          %dma_wait3A_276 = tpu.memref_slice %arg7[%multiple_of3A_254] : memref<10000xi32, #tpu.memory_space<vmem>> -> memref<80xi32, #tpu.memory_space<vmem>>
          %dma_wait3A_277 = arith.constant 0 : i32
          %dma_wait3A_278 = arith.constant 0 : i32
          %dma_wait3A_279 = tpu.memref_slice %arg9[%dma_wait3A_277, %dma_wait3A_278] : memref<10000x64xf32, #tpu.memory_space<vmem_shared>> -> memref<10000x64xf32, #tpu.memory_space<vmem_shared>>
          tpu.wait_indirect_dma semaphore(%run_scoped3A_263 : memref<!tpu.dma_semaphore, #tpu.memory_space<semaphore_mem>>) src(%dma_wait3A_275 : memref<80x64xf32, #tpu.memory_space<vmem>>) dst(%dma_wait3A_279 : memref<10000x64xf32, #tpu.memory_space<vmem_shared>>)
          tpu.yield
        }) : () -> ()
        %add3A_256 = arith.constant 10 : i32
        %add3A_257 = arith.addi %add3A_190, %add3A_256 : i32
        %lt3A_258 = arith.constant 125 : i32
        %lt3A_259 = arith.cmpi slt, %add3A_257, %lt3A_258 : i32
        %convert_element_type3A_260 = arith.extui %lt3A_259 : i1 to i32
        %cond3A_261 = arith.constant 0 : i32
        %cond3A_262 = arith.cmpi ne, %convert_element_type3A_260, %cond3A_261 : i32
        scf.if %cond3A_262 {
          %mul3A_263 = arith.constant 80 : i32
          %mul3A_264 = arith.muli %add3A_257, %mul3A_263 : i32
          %multiple_of3A_265 = tpu.assume_multiple %mul3A_264, 8 : i32
          %dma_start3A_266 = arith.constant 3 : i32
          %dma_start3A_267 = arith.constant 3 : i32
          %dma_start3A_268 = arith.constant 0 : i32
          %dma_start3A_269 = arith.constant 0 : i32
          %dma_start3A_270 = tpu.memref_slice %arg8[%dma_start3A_266, %dma_start3A_268, %dma_start3A_269] : memref<10x80x64xf32, #tpu.memory_space<vmem>> -> memref<1x80x64xf32, #tpu.memory_space<vmem>>
          %dma_start3A_271 = tpu.memref_squeeze %dma_start3A_270 : memref<1x80x64xf32, #tpu.memory_space<vmem>> -> memref<80x64xf32, #tpu.memory_space<vmem>>
          %dma_start3A_272 = tpu.memref_slice %arg6[%multiple_of3A_265] : memref<10000xi32, #tpu.memory_space<vmem>> -> memref<80xi32, #tpu.memory_space<vmem>>
          %dma_start3A_273 = arith.constant 0 : i32
          %dma_start3A_274 = arith.constant 0 : i32
          %dma_start3A_275 = tpu.memref_slice %arg2[%dma_start3A_273, %dma_start3A_274] : memref<10000x64xf32, #tpu.memory_space<hbm>> -> memref<10000x64xf32, #tpu.memory_space<hbm>>
          %dma_start3A_276 = tpu.memref_slice %arg10[%dma_start3A_267] : memref<10x!tpu.dma_semaphore, #tpu.memory_space<semaphore_mem>> -> memref<1x!tpu.dma_semaphore, #tpu.memory_space<semaphore_mem>>
          %dma_start3A_277 = tpu.memref_squeeze %dma_start3A_276 : memref<1x!tpu.dma_semaphore, #tpu.memory_space<semaphore_mem>> -> memref<!tpu.dma_semaphore, #tpu.memory_space<semaphore_mem>>
          tpu.enqueue_indirect_dma source(%dma_start3A_275 : memref<10000x64xf32, #tpu.memory_space<hbm>>) target(%dma_start3A_271 : memref<80x64xf32, #tpu.memory_space<vmem>>) offsets(%dma_start3A_272 : memref<80xi32, #tpu.memory_space<vmem>>) semaphore(%dma_start3A_277 : memref<!tpu.dma_semaphore, #tpu.memory_space<semaphore_mem>>)
        } else {
        }
      } else {
      }
      %add3A_196 = arith.constant 4 : i32
      %add3A_197 = arith.addi %add3A_168, %add3A_196 : i32
      %lt3A_198 = arith.constant 125 : i32
      %lt3A_199 = arith.cmpi slt, %add3A_197, %lt3A_198 : i32
      %convert_element_type3A_200 = arith.extui %lt3A_199 : i1 to i32
      %cond3A_201 = arith.constant 0 : i32
      %cond3A_202 = arith.cmpi ne, %convert_element_type3A_200, %cond3A_201 : i32
      scf.if %cond3A_202 {
        %mul3A_238 = arith.constant 80 : i32
        %mul3A_239 = arith.muli %add3A_197, %mul3A_238 : i32
        %multiple_of3A_240 = tpu.assume_multiple %mul3A_239, 8 : i32
        %dma_wait3A = arith.constant 4 : i32
        %dma_wait3A_241 = arith.constant 4 : i32
        %dma_wait3A_242 = arith.constant 0 : i32
        %dma_wait3A_243 = arith.constant 0 : i32
        %dma_wait3A_244 = tpu.memref_slice %arg8[%dma_wait3A, %dma_wait3A_242, %dma_wait3A_243] : memref<10x80x64xf32, #tpu.memory_space<vmem>> -> memref<1x80x64xf32, #tpu.memory_space<vmem>>
        %dma_wait3A_245 = tpu.memref_squeeze %dma_wait3A_244 : memref<1x80x64xf32, #tpu.memory_space<vmem>> -> memref<80x64xf32, #tpu.memory_space<vmem>>
        %dma_wait3A_246 = tpu.memref_slice %arg6[%multiple_of3A_240] : memref<10000xi32, #tpu.memory_space<vmem>> -> memref<80xi32, #tpu.memory_space<vmem>>
        %dma_wait3A_247 = arith.constant 0 : i32
        %dma_wait3A_248 = arith.constant 0 : i32
        %dma_wait3A_249 = tpu.memref_slice %arg2[%dma_wait3A_247, %dma_wait3A_248] : memref<10000x64xf32, #tpu.memory_space<hbm>> -> memref<10000x64xf32, #tpu.memory_space<hbm>>
        %dma_wait3A_250 = tpu.memref_slice %arg10[%dma_wait3A_241] : memref<10x!tpu.dma_semaphore, #tpu.memory_space<semaphore_mem>> -> memref<1x!tpu.dma_semaphore, #tpu.memory_space<semaphore_mem>>
        %dma_wait3A_251 = tpu.memref_squeeze %dma_wait3A_250 : memref<1x!tpu.dma_semaphore, #tpu.memory_space<semaphore_mem>> -> memref<!tpu.dma_semaphore, #tpu.memory_space<semaphore_mem>>
        tpu.wait_indirect_dma semaphore(%dma_wait3A_251 : memref<!tpu.dma_semaphore, #tpu.memory_space<semaphore_mem>>) src(%dma_wait3A_249 : memref<10000x64xf32, #tpu.memory_space<hbm>>) dst(%dma_wait3A_245 : memref<80x64xf32, #tpu.memory_space<vmem>>)
        %mul3A_252 = arith.constant 80 : i32
        %mul3A_253 = arith.muli %add3A_197, %mul3A_252 : i32
        %multiple_of3A_254 = tpu.assume_multiple %mul3A_253, 8 : i32
        %run_scoped3A_255 = arith.constant 4 : i32
        "tpu.region"() ({
          %run_scoped3A_263 = tpu.sem_alloc : memref<!tpu.dma_semaphore, #tpu.memory_space<semaphore_mem>>
          %dma_start3A_264 = arith.constant 0 : i32
          %dma_start3A_265 = arith.constant 0 : i32
          %dma_start3A_266 = tpu.memref_slice %arg8[%run_scoped3A_255, %dma_start3A_264, %dma_start3A_265] : memref<10x80x64xf32, #tpu.memory_space<vmem>> -> memref<1x80x64xf32, #tpu.memory_space<vmem>>
          %dma_start3A_267 = tpu.memref_squeeze %dma_start3A_266 : memref<1x80x64xf32, #tpu.memory_space<vmem>> -> memref<80x64xf32, #tpu.memory_space<vmem>>
          %dma_start3A_268 = tpu.memref_slice %arg7[%multiple_of3A_254] : memref<10000xi32, #tpu.memory_space<vmem>> -> memref<80xi32, #tpu.memory_space<vmem>>
          %dma_start3A_269 = arith.constant 0 : i32
          %dma_start3A_270 = arith.constant 0 : i32
          %dma_start3A_271 = tpu.memref_slice %arg9[%dma_start3A_269, %dma_start3A_270] : memref<10000x64xf32, #tpu.memory_space<vmem_shared>> -> memref<10000x64xf32, #tpu.memory_space<vmem_shared>>
          tpu.enqueue_indirect_dma source(%dma_start3A_267 : memref<80x64xf32, #tpu.memory_space<vmem>>) target(%dma_start3A_271 : memref<10000x64xf32, #tpu.memory_space<vmem_shared>>) offsets(%dma_start3A_268 : memref<80xi32, #tpu.memory_space<vmem>>) semaphore(%run_scoped3A_263 : memref<!tpu.dma_semaphore, #tpu.memory_space<semaphore_mem>>) {add = true}
          %dma_wait3A_272 = arith.constant 0 : i32
          %dma_wait3A_273 = arith.constant 0 : i32
          %dma_wait3A_274 = tpu.memref_slice %arg8[%run_scoped3A_255, %dma_wait3A_272, %dma_wait3A_273] : memref<10x80x64xf32, #tpu.memory_space<vmem>> -> memref<1x80x64xf32, #tpu.memory_space<vmem>>
          %dma_wait3A_275 = tpu.memref_squeeze %dma_wait3A_274 : memref<1x80x64xf32, #tpu.memory_space<vmem>> -> memref<80x64xf32, #tpu.memory_space<vmem>>
          %dma_wait3A_276 = tpu.memref_slice %arg7[%multiple_of3A_254] : memref<10000xi32, #tpu.memory_space<vmem>> -> memref<80xi32, #tpu.memory_space<vmem>>
          %dma_wait3A_277 = arith.constant 0 : i32
          %dma_wait3A_278 = arith.constant 0 : i32
          %dma_wait3A_279 = tpu.memref_slice %arg9[%dma_wait3A_277, %dma_wait3A_278] : memref<10000x64xf32, #tpu.memory_space<vmem_shared>> -> memref<10000x64xf32, #tpu.memory_space<vmem_shared>>
          tpu.wait_indirect_dma semaphore(%run_scoped3A_263 : memref<!tpu.dma_semaphore, #tpu.memory_space<semaphore_mem>>) src(%dma_wait3A_275 : memref<80x64xf32, #tpu.memory_space<vmem>>) dst(%dma_wait3A_279 : memref<10000x64xf32, #tpu.memory_space<vmem_shared>>)
          tpu.yield
        }) : () -> ()
        %add3A_256 = arith.constant 10 : i32
        %add3A_257 = arith.addi %add3A_197, %add3A_256 : i32
        %lt3A_258 = arith.constant 125 : i32
        %lt3A_259 = arith.cmpi slt, %add3A_257, %lt3A_258 : i32
        %convert_element_type3A_260 = arith.extui %lt3A_259 : i1 to i32
        %cond3A_261 = arith.constant 0 : i32
        %cond3A_262 = arith.cmpi ne, %convert_element_type3A_260, %cond3A_261 : i32
        scf.if %cond3A_262 {
          %mul3A_263 = arith.constant 80 : i32
          %mul3A_264 = arith.muli %add3A_257, %mul3A_263 : i32
          %multiple_of3A_265 = tpu.assume_multiple %mul3A_264, 8 : i32
          %dma_start3A_266 = arith.constant 4 : i32
          %dma_start3A_267 = arith.constant 4 : i32
          %dma_start3A_268 = arith.constant 0 : i32
          %dma_start3A_269 = arith.constant 0 : i32
          %dma_start3A_270 = tpu.memref_slice %arg8[%dma_start3A_266, %dma_start3A_268, %dma_start3A_269] : memref<10x80x64xf32, #tpu.memory_space<vmem>> -> memref<1x80x64xf32, #tpu.memory_space<vmem>>
          %dma_start3A_271 = tpu.memref_squeeze %dma_start3A_270 : memref<1x80x64xf32, #tpu.memory_space<vmem>> -> memref<80x64xf32, #tpu.memory_space<vmem>>
          %dma_start3A_272 = tpu.memref_slice %arg6[%multiple_of3A_265] : memref<10000xi32, #tpu.memory_space<vmem>> -> memref<80xi32, #tpu.memory_space<vmem>>
          %dma_start3A_273 = arith.constant 0 : i32
          %dma_start3A_274 = arith.constant 0 : i32
          %dma_start3A_275 = tpu.memref_slice %arg2[%dma_start3A_273, %dma_start3A_274] : memref<10000x64xf32, #tpu.memory_space<hbm>> -> memref<10000x64xf32, #tpu.memory_space<hbm>>
          %dma_start3A_276 = tpu.memref_slice %arg10[%dma_start3A_267] : memref<10x!tpu.dma_semaphore, #tpu.memory_space<semaphore_mem>> -> memref<1x!tpu.dma_semaphore, #tpu.memory_space<semaphore_mem>>
          %dma_start3A_277 = tpu.memref_squeeze %dma_start3A_276 : memref<1x!tpu.dma_semaphore, #tpu.memory_space<semaphore_mem>> -> memref<!tpu.dma_semaphore, #tpu.memory_space<semaphore_mem>>
          tpu.enqueue_indirect_dma source(%dma_start3A_275 : memref<10000x64xf32, #tpu.memory_space<hbm>>) target(%dma_start3A_271 : memref<80x64xf32, #tpu.memory_space<vmem>>) offsets(%dma_start3A_272 : memref<80xi32, #tpu.memory_space<vmem>>) semaphore(%dma_start3A_277 : memref<!tpu.dma_semaphore, #tpu.memory_space<semaphore_mem>>)
        } else {
        }
      } else {
      }
      %add3A_203 = arith.constant 5 : i32
      %add3A_204 = arith.addi %add3A_168, %add3A_203 : i32
      %lt3A_205 = arith.constant 125 : i32
      %lt3A_206 = arith.cmpi slt, %add3A_204, %lt3A_205 : i32
      %convert_element_type3A_207 = arith.extui %lt3A_206 : i1 to i32
      %cond3A_208 = arith.constant 0 : i32
      %cond3A_209 = arith.cmpi ne, %convert_element_type3A_207, %cond3A_208 : i32
      scf.if %cond3A_209 {
        %mul3A_238 = arith.constant 80 : i32
        %mul3A_239 = arith.muli %add3A_204, %mul3A_238 : i32
        %multiple_of3A_240 = tpu.assume_multiple %mul3A_239, 8 : i32
        %dma_wait3A = arith.constant 5 : i32
        %dma_wait3A_241 = arith.constant 5 : i32
        %dma_wait3A_242 = arith.constant 0 : i32
        %dma_wait3A_243 = arith.constant 0 : i32
        %dma_wait3A_244 = tpu.memref_slice %arg8[%dma_wait3A, %dma_wait3A_242, %dma_wait3A_243] : memref<10x80x64xf32, #tpu.memory_space<vmem>> -> memref<1x80x64xf32, #tpu.memory_space<vmem>>
        %dma_wait3A_245 = tpu.memref_squeeze %dma_wait3A_244 : memref<1x80x64xf32, #tpu.memory_space<vmem>> -> memref<80x64xf32, #tpu.memory_space<vmem>>
        %dma_wait3A_246 = tpu.memref_slice %arg6[%multiple_of3A_240] : memref<10000xi32, #tpu.memory_space<vmem>> -> memref<80xi32, #tpu.memory_space<vmem>>
        %dma_wait3A_247 = arith.constant 0 : i32
        %dma_wait3A_248 = arith.constant 0 : i32
        %dma_wait3A_249 = tpu.memref_slice %arg2[%dma_wait3A_247, %dma_wait3A_248] : memref<10000x64xf32, #tpu.memory_space<hbm>> -> memref<10000x64xf32, #tpu.memory_space<hbm>>
        %dma_wait3A_250 = tpu.memref_slice %arg10[%dma_wait3A_241] : memref<10x!tpu.dma_semaphore, #tpu.memory_space<semaphore_mem>> -> memref<1x!tpu.dma_semaphore, #tpu.memory_space<semaphore_mem>>
        %dma_wait3A_251 = tpu.memref_squeeze %dma_wait3A_250 : memref<1x!tpu.dma_semaphore, #tpu.memory_space<semaphore_mem>> -> memref<!tpu.dma_semaphore, #tpu.memory_space<semaphore_mem>>
        tpu.wait_indirect_dma semaphore(%dma_wait3A_251 : memref<!tpu.dma_semaphore, #tpu.memory_space<semaphore_mem>>) src(%dma_wait3A_249 : memref<10000x64xf32, #tpu.memory_space<hbm>>) dst(%dma_wait3A_245 : memref<80x64xf32, #tpu.memory_space<vmem>>)
        %mul3A_252 = arith.constant 80 : i32
        %mul3A_253 = arith.muli %add3A_204, %mul3A_252 : i32
        %multiple_of3A_254 = tpu.assume_multiple %mul3A_253, 8 : i32
        %run_scoped3A_255 = arith.constant 5 : i32
        "tpu.region"() ({
          %run_scoped3A_263 = tpu.sem_alloc : memref<!tpu.dma_semaphore, #tpu.memory_space<semaphore_mem>>
          %dma_start3A_264 = arith.constant 0 : i32
          %dma_start3A_265 = arith.constant 0 : i32
          %dma_start3A_266 = tpu.memref_slice %arg8[%run_scoped3A_255, %dma_start3A_264, %dma_start3A_265] : memref<10x80x64xf32, #tpu.memory_space<vmem>> -> memref<1x80x64xf32, #tpu.memory_space<vmem>>
          %dma_start3A_267 = tpu.memref_squeeze %dma_start3A_266 : memref<1x80x64xf32, #tpu.memory_space<vmem>> -> memref<80x64xf32, #tpu.memory_space<vmem>>
          %dma_start3A_268 = tpu.memref_slice %arg7[%multiple_of3A_254] : memref<10000xi32, #tpu.memory_space<vmem>> -> memref<80xi32, #tpu.memory_space<vmem>>
          %dma_start3A_269 = arith.constant 0 : i32
          %dma_start3A_270 = arith.constant 0 : i32
          %dma_start3A_271 = tpu.memref_slice %arg9[%dma_start3A_269, %dma_start3A_270] : memref<10000x64xf32, #tpu.memory_space<vmem_shared>> -> memref<10000x64xf32, #tpu.memory_space<vmem_shared>>
          tpu.enqueue_indirect_dma source(%dma_start3A_267 : memref<80x64xf32, #tpu.memory_space<vmem>>) target(%dma_start3A_271 : memref<10000x64xf32, #tpu.memory_space<vmem_shared>>) offsets(%dma_start3A_268 : memref<80xi32, #tpu.memory_space<vmem>>) semaphore(%run_scoped3A_263 : memref<!tpu.dma_semaphore, #tpu.memory_space<semaphore_mem>>) {add = true}
          %dma_wait3A_272 = arith.constant 0 : i32
          %dma_wait3A_273 = arith.constant 0 : i32
          %dma_wait3A_274 = tpu.memref_slice %arg8[%run_scoped3A_255, %dma_wait3A_272, %dma_wait3A_273] : memref<10x80x64xf32, #tpu.memory_space<vmem>> -> memref<1x80x64xf32, #tpu.memory_space<vmem>>
          %dma_wait3A_275 = tpu.memref_squeeze %dma_wait3A_274 : memref<1x80x64xf32, #tpu.memory_space<vmem>> -> memref<80x64xf32, #tpu.memory_space<vmem>>
          %dma_wait3A_276 = tpu.memref_slice %arg7[%multiple_of3A_254] : memref<10000xi32, #tpu.memory_space<vmem>> -> memref<80xi32, #tpu.memory_space<vmem>>
          %dma_wait3A_277 = arith.constant 0 : i32
          %dma_wait3A_278 = arith.constant 0 : i32
          %dma_wait3A_279 = tpu.memref_slice %arg9[%dma_wait3A_277, %dma_wait3A_278] : memref<10000x64xf32, #tpu.memory_space<vmem_shared>> -> memref<10000x64xf32, #tpu.memory_space<vmem_shared>>
          tpu.wait_indirect_dma semaphore(%run_scoped3A_263 : memref<!tpu.dma_semaphore, #tpu.memory_space<semaphore_mem>>) src(%dma_wait3A_275 : memref<80x64xf32, #tpu.memory_space<vmem>>) dst(%dma_wait3A_279 : memref<10000x64xf32, #tpu.memory_space<vmem_shared>>)
          tpu.yield
        }) : () -> ()
        %add3A_256 = arith.constant 10 : i32
        %add3A_257 = arith.addi %add3A_204, %add3A_256 : i32
        %lt3A_258 = arith.constant 125 : i32
        %lt3A_259 = arith.cmpi slt, %add3A_257, %lt3A_258 : i32
        %convert_element_type3A_260 = arith.extui %lt3A_259 : i1 to i32
        %cond3A_261 = arith.constant 0 : i32
        %cond3A_262 = arith.cmpi ne, %convert_element_type3A_260, %cond3A_261 : i32
        scf.if %cond3A_262 {
          %mul3A_263 = arith.constant 80 : i32
          %mul3A_264 = arith.muli %add3A_257, %mul3A_263 : i32
          %multiple_of3A_265 = tpu.assume_multiple %mul3A_264, 8 : i32
          %dma_start3A_266 = arith.constant 5 : i32
          %dma_start3A_267 = arith.constant 5 : i32
          %dma_start3A_268 = arith.constant 0 : i32
          %dma_start3A_269 = arith.constant 0 : i32
          %dma_start3A_270 = tpu.memref_slice %arg8[%dma_start3A_266, %dma_start3A_268, %dma_start3A_269] : memref<10x80x64xf32, #tpu.memory_space<vmem>> -> memref<1x80x64xf32, #tpu.memory_space<vmem>>
          %dma_start3A_271 = tpu.memref_squeeze %dma_start3A_270 : memref<1x80x64xf32, #tpu.memory_space<vmem>> -> memref<80x64xf32, #tpu.memory_space<vmem>>
          %dma_start3A_272 = tpu.memref_slice %arg6[%multiple_of3A_265] : memref<10000xi32, #tpu.memory_space<vmem>> -> memref<80xi32, #tpu.memory_space<vmem>>
          %dma_start3A_273 = arith.constant 0 : i32
          %dma_start3A_274 = arith.constant 0 : i32
          %dma_start3A_275 = tpu.memref_slice %arg2[%dma_start3A_273, %dma_start3A_274] : memref<10000x64xf32, #tpu.memory_space<hbm>> -> memref<10000x64xf32, #tpu.memory_space<hbm>>
          %dma_start3A_276 = tpu.memref_slice %arg10[%dma_start3A_267] : memref<10x!tpu.dma_semaphore, #tpu.memory_space<semaphore_mem>> -> memref<1x!tpu.dma_semaphore, #tpu.memory_space<semaphore_mem>>
          %dma_start3A_277 = tpu.memref_squeeze %dma_start3A_276 : memref<1x!tpu.dma_semaphore, #tpu.memory_space<semaphore_mem>> -> memref<!tpu.dma_semaphore, #tpu.memory_space<semaphore_mem>>
          tpu.enqueue_indirect_dma source(%dma_start3A_275 : memref<10000x64xf32, #tpu.memory_space<hbm>>) target(%dma_start3A_271 : memref<80x64xf32, #tpu.memory_space<vmem>>) offsets(%dma_start3A_272 : memref<80xi32, #tpu.memory_space<vmem>>) semaphore(%dma_start3A_277 : memref<!tpu.dma_semaphore, #tpu.memory_space<semaphore_mem>>)
        } else {
        }
      } else {
      }
      %add3A_210 = arith.constant 6 : i32
      %add3A_211 = arith.addi %add3A_168, %add3A_210 : i32
      %lt3A_212 = arith.constant 125 : i32
      %lt3A_213 = arith.cmpi slt, %add3A_211, %lt3A_212 : i32
      %convert_element_type3A_214 = arith.extui %lt3A_213 : i1 to i32
      %cond3A_215 = arith.constant 0 : i32
      %cond3A_216 = arith.cmpi ne, %convert_element_type3A_214, %cond3A_215 : i32
      scf.if %cond3A_216 {
        %mul3A_238 = arith.constant 80 : i32
        %mul3A_239 = arith.muli %add3A_211, %mul3A_238 : i32
        %multiple_of3A_240 = tpu.assume_multiple %mul3A_239, 8 : i32
        %dma_wait3A = arith.constant 6 : i32
        %dma_wait3A_241 = arith.constant 6 : i32
        %dma_wait3A_242 = arith.constant 0 : i32
        %dma_wait3A_243 = arith.constant 0 : i32
        %dma_wait3A_244 = tpu.memref_slice %arg8[%dma_wait3A, %dma_wait3A_242, %dma_wait3A_243] : memref<10x80x64xf32, #tpu.memory_space<vmem>> -> memref<1x80x64xf32, #tpu.memory_space<vmem>>
        %dma_wait3A_245 = tpu.memref_squeeze %dma_wait3A_244 : memref<1x80x64xf32, #tpu.memory_space<vmem>> -> memref<80x64xf32, #tpu.memory_space<vmem>>
        %dma_wait3A_246 = tpu.memref_slice %arg6[%multiple_of3A_240] : memref<10000xi32, #tpu.memory_space<vmem>> -> memref<80xi32, #tpu.memory_space<vmem>>
        %dma_wait3A_247 = arith.constant 0 : i32
        %dma_wait3A_248 = arith.constant 0 : i32
        %dma_wait3A_249 = tpu.memref_slice %arg2[%dma_wait3A_247, %dma_wait3A_248] : memref<10000x64xf32, #tpu.memory_space<hbm>> -> memref<10000x64xf32, #tpu.memory_space<hbm>>
        %dma_wait3A_250 = tpu.memref_slice %arg10[%dma_wait3A_241] : memref<10x!tpu.dma_semaphore, #tpu.memory_space<semaphore_mem>> -> memref<1x!tpu.dma_semaphore, #tpu.memory_space<semaphore_mem>>
        %dma_wait3A_251 = tpu.memref_squeeze %dma_wait3A_250 : memref<1x!tpu.dma_semaphore, #tpu.memory_space<semaphore_mem>> -> memref<!tpu.dma_semaphore, #tpu.memory_space<semaphore_mem>>
        tpu.wait_indirect_dma semaphore(%dma_wait3A_251 : memref<!tpu.dma_semaphore, #tpu.memory_space<semaphore_mem>>) src(%dma_wait3A_249 : memref<10000x64xf32, #tpu.memory_space<hbm>>) dst(%dma_wait3A_245 : memref<80x64xf32, #tpu.memory_space<vmem>>)
        %mul3A_252 = arith.constant 80 : i32
        %mul3A_253 = arith.muli %add3A_211, %mul3A_252 : i32
        %multiple_of3A_254 = tpu.assume_multiple %mul3A_253, 8 : i32
        %run_scoped3A_255 = arith.constant 6 : i32
        "tpu.region"() ({
          %run_scoped3A_263 = tpu.sem_alloc : memref<!tpu.dma_semaphore, #tpu.memory_space<semaphore_mem>>
          %dma_start3A_264 = arith.constant 0 : i32
          %dma_start3A_265 = arith.constant 0 : i32
          %dma_start3A_266 = tpu.memref_slice %arg8[%run_scoped3A_255, %dma_start3A_264, %dma_start3A_265] : memref<10x80x64xf32, #tpu.memory_space<vmem>> -> memref<1x80x64xf32, #tpu.memory_space<vmem>>
          %dma_start3A_267 = tpu.memref_squeeze %dma_start3A_266 : memref<1x80x64xf32, #tpu.memory_space<vmem>> -> memref<80x64xf32, #tpu.memory_space<vmem>>
          %dma_start3A_268 = tpu.memref_slice %arg7[%multiple_of3A_254] : memref<10000xi32, #tpu.memory_space<vmem>> -> memref<80xi32, #tpu.memory_space<vmem>>
          %dma_start3A_269 = arith.constant 0 : i32
          %dma_start3A_270 = arith.constant 0 : i32
          %dma_start3A_271 = tpu.memref_slice %arg9[%dma_start3A_269, %dma_start3A_270] : memref<10000x64xf32, #tpu.memory_space<vmem_shared>> -> memref<10000x64xf32, #tpu.memory_space<vmem_shared>>
          tpu.enqueue_indirect_dma source(%dma_start3A_267 : memref<80x64xf32, #tpu.memory_space<vmem>>) target(%dma_start3A_271 : memref<10000x64xf32, #tpu.memory_space<vmem_shared>>) offsets(%dma_start3A_268 : memref<80xi32, #tpu.memory_space<vmem>>) semaphore(%run_scoped3A_263 : memref<!tpu.dma_semaphore, #tpu.memory_space<semaphore_mem>>) {add = true}
          %dma_wait3A_272 = arith.constant 0 : i32
          %dma_wait3A_273 = arith.constant 0 : i32
          %dma_wait3A_274 = tpu.memref_slice %arg8[%run_scoped3A_255, %dma_wait3A_272, %dma_wait3A_273] : memref<10x80x64xf32, #tpu.memory_space<vmem>> -> memref<1x80x64xf32, #tpu.memory_space<vmem>>
          %dma_wait3A_275 = tpu.memref_squeeze %dma_wait3A_274 : memref<1x80x64xf32, #tpu.memory_space<vmem>> -> memref<80x64xf32, #tpu.memory_space<vmem>>
          %dma_wait3A_276 = tpu.memref_slice %arg7[%multiple_of3A_254] : memref<10000xi32, #tpu.memory_space<vmem>> -> memref<80xi32, #tpu.memory_space<vmem>>
          %dma_wait3A_277 = arith.constant 0 : i32
          %dma_wait3A_278 = arith.constant 0 : i32
          %dma_wait3A_279 = tpu.memref_slice %arg9[%dma_wait3A_277, %dma_wait3A_278] : memref<10000x64xf32, #tpu.memory_space<vmem_shared>> -> memref<10000x64xf32, #tpu.memory_space<vmem_shared>>
          tpu.wait_indirect_dma semaphore(%run_scoped3A_263 : memref<!tpu.dma_semaphore, #tpu.memory_space<semaphore_mem>>) src(%dma_wait3A_275 : memref<80x64xf32, #tpu.memory_space<vmem>>) dst(%dma_wait3A_279 : memref<10000x64xf32, #tpu.memory_space<vmem_shared>>)
          tpu.yield
        }) : () -> ()
        %add3A_256 = arith.constant 10 : i32
        %add3A_257 = arith.addi %add3A_211, %add3A_256 : i32
        %lt3A_258 = arith.constant 125 : i32
        %lt3A_259 = arith.cmpi slt, %add3A_257, %lt3A_258 : i32
        %convert_element_type3A_260 = arith.extui %lt3A_259 : i1 to i32
        %cond3A_261 = arith.constant 0 : i32
        %cond3A_262 = arith.cmpi ne, %convert_element_type3A_260, %cond3A_261 : i32
        scf.if %cond3A_262 {
          %mul3A_263 = arith.constant 80 : i32
          %mul3A_264 = arith.muli %add3A_257, %mul3A_263 : i32
          %multiple_of3A_265 = tpu.assume_multiple %mul3A_264, 8 : i32
          %dma_start3A_266 = arith.constant 6 : i32
          %dma_start3A_267 = arith.constant 6 : i32
          %dma_start3A_268 = arith.constant 0 : i32
          %dma_start3A_269 = arith.constant 0 : i32
          %dma_start3A_270 = tpu.memref_slice %arg8[%dma_start3A_266, %dma_start3A_268, %dma_start3A_269] : memref<10x80x64xf32, #tpu.memory_space<vmem>> -> memref<1x80x64xf32, #tpu.memory_space<vmem>>
          %dma_start3A_271 = tpu.memref_squeeze %dma_start3A_270 : memref<1x80x64xf32, #tpu.memory_space<vmem>> -> memref<80x64xf32, #tpu.memory_space<vmem>>
          %dma_start3A_272 = tpu.memref_slice %arg6[%multiple_of3A_265] : memref<10000xi32, #tpu.memory_space<vmem>> -> memref<80xi32, #tpu.memory_space<vmem>>
          %dma_start3A_273 = arith.constant 0 : i32
          %dma_start3A_274 = arith.constant 0 : i32
          %dma_start3A_275 = tpu.memref_slice %arg2[%dma_start3A_273, %dma_start3A_274] : memref<10000x64xf32, #tpu.memory_space<hbm>> -> memref<10000x64xf32, #tpu.memory_space<hbm>>
          %dma_start3A_276 = tpu.memref_slice %arg10[%dma_start3A_267] : memref<10x!tpu.dma_semaphore, #tpu.memory_space<semaphore_mem>> -> memref<1x!tpu.dma_semaphore, #tpu.memory_space<semaphore_mem>>
          %dma_start3A_277 = tpu.memref_squeeze %dma_start3A_276 : memref<1x!tpu.dma_semaphore, #tpu.memory_space<semaphore_mem>> -> memref<!tpu.dma_semaphore, #tpu.memory_space<semaphore_mem>>
          tpu.enqueue_indirect_dma source(%dma_start3A_275 : memref<10000x64xf32, #tpu.memory_space<hbm>>) target(%dma_start3A_271 : memref<80x64xf32, #tpu.memory_space<vmem>>) offsets(%dma_start3A_272 : memref<80xi32, #tpu.memory_space<vmem>>) semaphore(%dma_start3A_277 : memref<!tpu.dma_semaphore, #tpu.memory_space<semaphore_mem>>)
        } else {
        }
      } else {
      }
      %add3A_217 = arith.constant 7 : i32
      %add3A_218 = arith.addi %add3A_168, %add3A_217 : i32
      %lt3A_219 = arith.constant 125 : i32
      %lt3A_220 = arith.cmpi slt, %add3A_218, %lt3A_219 : i32
      %convert_element_type3A_221 = arith.extui %lt3A_220 : i1 to i32
      %cond3A_222 = arith.constant 0 : i32
      %cond3A_223 = arith.cmpi ne, %convert_element_type3A_221, %cond3A_222 : i32
      scf.if %cond3A_223 {
        %mul3A_238 = arith.constant 80 : i32
        %mul3A_239 = arith.muli %add3A_218, %mul3A_238 : i32
        %multiple_of3A_240 = tpu.assume_multiple %mul3A_239, 8 : i32
        %dma_wait3A = arith.constant 7 : i32
        %dma_wait3A_241 = arith.constant 7 : i32
        %dma_wait3A_242 = arith.constant 0 : i32
        %dma_wait3A_243 = arith.constant 0 : i32
        %dma_wait3A_244 = tpu.memref_slice %arg8[%dma_wait3A, %dma_wait3A_242, %dma_wait3A_243] : memref<10x80x64xf32, #tpu.memory_space<vmem>> -> memref<1x80x64xf32, #tpu.memory_space<vmem>>
        %dma_wait3A_245 = tpu.memref_squeeze %dma_wait3A_244 : memref<1x80x64xf32, #tpu.memory_space<vmem>> -> memref<80x64xf32, #tpu.memory_space<vmem>>
        %dma_wait3A_246 = tpu.memref_slice %arg6[%multiple_of3A_240] : memref<10000xi32, #tpu.memory_space<vmem>> -> memref<80xi32, #tpu.memory_space<vmem>>
        %dma_wait3A_247 = arith.constant 0 : i32
        %dma_wait3A_248 = arith.constant 0 : i32
        %dma_wait3A_249 = tpu.memref_slice %arg2[%dma_wait3A_247, %dma_wait3A_248] : memref<10000x64xf32, #tpu.memory_space<hbm>> -> memref<10000x64xf32, #tpu.memory_space<hbm>>
        %dma_wait3A_250 = tpu.memref_slice %arg10[%dma_wait3A_241] : memref<10x!tpu.dma_semaphore, #tpu.memory_space<semaphore_mem>> -> memref<1x!tpu.dma_semaphore, #tpu.memory_space<semaphore_mem>>
        %dma_wait3A_251 = tpu.memref_squeeze %dma_wait3A_250 : memref<1x!tpu.dma_semaphore, #tpu.memory_space<semaphore_mem>> -> memref<!tpu.dma_semaphore, #tpu.memory_space<semaphore_mem>>
        tpu.wait_indirect_dma semaphore(%dma_wait3A_251 : memref<!tpu.dma_semaphore, #tpu.memory_space<semaphore_mem>>) src(%dma_wait3A_249 : memref<10000x64xf32, #tpu.memory_space<hbm>>) dst(%dma_wait3A_245 : memref<80x64xf32, #tpu.memory_space<vmem>>)
        %mul3A_252 = arith.constant 80 : i32
        %mul3A_253 = arith.muli %add3A_218, %mul3A_252 : i32
        %multiple_of3A_254 = tpu.assume_multiple %mul3A_253, 8 : i32
        %run_scoped3A_255 = arith.constant 7 : i32
        "tpu.region"() ({
          %run_scoped3A_263 = tpu.sem_alloc : memref<!tpu.dma_semaphore, #tpu.memory_space<semaphore_mem>>
          %dma_start3A_264 = arith.constant 0 : i32
          %dma_start3A_265 = arith.constant 0 : i32
          %dma_start3A_266 = tpu.memref_slice %arg8[%run_scoped3A_255, %dma_start3A_264, %dma_start3A_265] : memref<10x80x64xf32, #tpu.memory_space<vmem>> -> memref<1x80x64xf32, #tpu.memory_space<vmem>>
          %dma_start3A_267 = tpu.memref_squeeze %dma_start3A_266 : memref<1x80x64xf32, #tpu.memory_space<vmem>> -> memref<80x64xf32, #tpu.memory_space<vmem>>
          %dma_start3A_268 = tpu.memref_slice %arg7[%multiple_of3A_254] : memref<10000xi32, #tpu.memory_space<vmem>> -> memref<80xi32, #tpu.memory_space<vmem>>
          %dma_start3A_269 = arith.constant 0 : i32
          %dma_start3A_270 = arith.constant 0 : i32
          %dma_start3A_271 = tpu.memref_slice %arg9[%dma_start3A_269, %dma_start3A_270] : memref<10000x64xf32, #tpu.memory_space<vmem_shared>> -> memref<10000x64xf32, #tpu.memory_space<vmem_shared>>
          tpu.enqueue_indirect_dma source(%dma_start3A_267 : memref<80x64xf32, #tpu.memory_space<vmem>>) target(%dma_start3A_271 : memref<10000x64xf32, #tpu.memory_space<vmem_shared>>) offsets(%dma_start3A_268 : memref<80xi32, #tpu.memory_space<vmem>>) semaphore(%run_scoped3A_263 : memref<!tpu.dma_semaphore, #tpu.memory_space<semaphore_mem>>) {add = true}
          %dma_wait3A_272 = arith.constant 0 : i32
          %dma_wait3A_273 = arith.constant 0 : i32
          %dma_wait3A_274 = tpu.memref_slice %arg8[%run_scoped3A_255, %dma_wait3A_272, %dma_wait3A_273] : memref<10x80x64xf32, #tpu.memory_space<vmem>> -> memref<1x80x64xf32, #tpu.memory_space<vmem>>
          %dma_wait3A_275 = tpu.memref_squeeze %dma_wait3A_274 : memref<1x80x64xf32, #tpu.memory_space<vmem>> -> memref<80x64xf32, #tpu.memory_space<vmem>>
          %dma_wait3A_276 = tpu.memref_slice %arg7[%multiple_of3A_254] : memref<10000xi32, #tpu.memory_space<vmem>> -> memref<80xi32, #tpu.memory_space<vmem>>
          %dma_wait3A_277 = arith.constant 0 : i32
          %dma_wait3A_278 = arith.constant 0 : i32
          %dma_wait3A_279 = tpu.memref_slice %arg9[%dma_wait3A_277, %dma_wait3A_278] : memref<10000x64xf32, #tpu.memory_space<vmem_shared>> -> memref<10000x64xf32, #tpu.memory_space<vmem_shared>>
          tpu.wait_indirect_dma semaphore(%run_scoped3A_263 : memref<!tpu.dma_semaphore, #tpu.memory_space<semaphore_mem>>) src(%dma_wait3A_275 : memref<80x64xf32, #tpu.memory_space<vmem>>) dst(%dma_wait3A_279 : memref<10000x64xf32, #tpu.memory_space<vmem_shared>>)
          tpu.yield
        }) : () -> ()
        %add3A_256 = arith.constant 10 : i32
        %add3A_257 = arith.addi %add3A_218, %add3A_256 : i32
        %lt3A_258 = arith.constant 125 : i32
        %lt3A_259 = arith.cmpi slt, %add3A_257, %lt3A_258 : i32
        %convert_element_type3A_260 = arith.extui %lt3A_259 : i1 to i32
        %cond3A_261 = arith.constant 0 : i32
        %cond3A_262 = arith.cmpi ne, %convert_element_type3A_260, %cond3A_261 : i32
        scf.if %cond3A_262 {
          %mul3A_263 = arith.constant 80 : i32
          %mul3A_264 = arith.muli %add3A_257, %mul3A_263 : i32
          %multiple_of3A_265 = tpu.assume_multiple %mul3A_264, 8 : i32
          %dma_start3A_266 = arith.constant 7 : i32
          %dma_start3A_267 = arith.constant 7 : i32
          %dma_start3A_268 = arith.constant 0 : i32
          %dma_start3A_269 = arith.constant 0 : i32
          %dma_start3A_270 = tpu.memref_slice %arg8[%dma_start3A_266, %dma_start3A_268, %dma_start3A_269] : memref<10x80x64xf32, #tpu.memory_space<vmem>> -> memref<1x80x64xf32, #tpu.memory_space<vmem>>
          %dma_start3A_271 = tpu.memref_squeeze %dma_start3A_270 : memref<1x80x64xf32, #tpu.memory_space<vmem>> -> memref<80x64xf32, #tpu.memory_space<vmem>>
          %dma_start3A_272 = tpu.memref_slice %arg6[%multiple_of3A_265] : memref<10000xi32, #tpu.memory_space<vmem>> -> memref<80xi32, #tpu.memory_space<vmem>>
          %dma_start3A_273 = arith.constant 0 : i32
          %dma_start3A_274 = arith.constant 0 : i32
          %dma_start3A_275 = tpu.memref_slice %arg2[%dma_start3A_273, %dma_start3A_274] : memref<10000x64xf32, #tpu.memory_space<hbm>> -> memref<10000x64xf32, #tpu.memory_space<hbm>>
          %dma_start3A_276 = tpu.memref_slice %arg10[%dma_start3A_267] : memref<10x!tpu.dma_semaphore, #tpu.memory_space<semaphore_mem>> -> memref<1x!tpu.dma_semaphore, #tpu.memory_space<semaphore_mem>>
          %dma_start3A_277 = tpu.memref_squeeze %dma_start3A_276 : memref<1x!tpu.dma_semaphore, #tpu.memory_space<semaphore_mem>> -> memref<!tpu.dma_semaphore, #tpu.memory_space<semaphore_mem>>
          tpu.enqueue_indirect_dma source(%dma_start3A_275 : memref<10000x64xf32, #tpu.memory_space<hbm>>) target(%dma_start3A_271 : memref<80x64xf32, #tpu.memory_space<vmem>>) offsets(%dma_start3A_272 : memref<80xi32, #tpu.memory_space<vmem>>) semaphore(%dma_start3A_277 : memref<!tpu.dma_semaphore, #tpu.memory_space<semaphore_mem>>)
        } else {
        }
      } else {
      }
      %add3A_224 = arith.constant 8 : i32
      %add3A_225 = arith.addi %add3A_168, %add3A_224 : i32
      %lt3A_226 = arith.constant 125 : i32
      %lt3A_227 = arith.cmpi slt, %add3A_225, %lt3A_226 : i32
      %convert_element_type3A_228 = arith.extui %lt3A_227 : i1 to i32
      %cond3A_229 = arith.constant 0 : i32
      %cond3A_230 = arith.cmpi ne, %convert_element_type3A_228, %cond3A_229 : i32
      scf.if %cond3A_230 {
        %mul3A_238 = arith.constant 80 : i32
        %mul3A_239 = arith.muli %add3A_225, %mul3A_238 : i32
        %multiple_of3A_240 = tpu.assume_multiple %mul3A_239, 8 : i32
        %dma_wait3A = arith.constant 8 : i32
        %dma_wait3A_241 = arith.constant 8 : i32
        %dma_wait3A_242 = arith.constant 0 : i32
        %dma_wait3A_243 = arith.constant 0 : i32
        %dma_wait3A_244 = tpu.memref_slice %arg8[%dma_wait3A, %dma_wait3A_242, %dma_wait3A_243] : memref<10x80x64xf32, #tpu.memory_space<vmem>> -> memref<1x80x64xf32, #tpu.memory_space<vmem>>
        %dma_wait3A_245 = tpu.memref_squeeze %dma_wait3A_244 : memref<1x80x64xf32, #tpu.memory_space<vmem>> -> memref<80x64xf32, #tpu.memory_space<vmem>>
        %dma_wait3A_246 = tpu.memref_slice %arg6[%multiple_of3A_240] : memref<10000xi32, #tpu.memory_space<vmem>> -> memref<80xi32, #tpu.memory_space<vmem>>
        %dma_wait3A_247 = arith.constant 0 : i32
        %dma_wait3A_248 = arith.constant 0 : i32
        %dma_wait3A_249 = tpu.memref_slice %arg2[%dma_wait3A_247, %dma_wait3A_248] : memref<10000x64xf32, #tpu.memory_space<hbm>> -> memref<10000x64xf32, #tpu.memory_space<hbm>>
        %dma_wait3A_250 = tpu.memref_slice %arg10[%dma_wait3A_241] : memref<10x!tpu.dma_semaphore, #tpu.memory_space<semaphore_mem>> -> memref<1x!tpu.dma_semaphore, #tpu.memory_space<semaphore_mem>>
        %dma_wait3A_251 = tpu.memref_squeeze %dma_wait3A_250 : memref<1x!tpu.dma_semaphore, #tpu.memory_space<semaphore_mem>> -> memref<!tpu.dma_semaphore, #tpu.memory_space<semaphore_mem>>
        tpu.wait_indirect_dma semaphore(%dma_wait3A_251 : memref<!tpu.dma_semaphore, #tpu.memory_space<semaphore_mem>>) src(%dma_wait3A_249 : memref<10000x64xf32, #tpu.memory_space<hbm>>) dst(%dma_wait3A_245 : memref<80x64xf32, #tpu.memory_space<vmem>>)
        %mul3A_252 = arith.constant 80 : i32
        %mul3A_253 = arith.muli %add3A_225, %mul3A_252 : i32
        %multiple_of3A_254 = tpu.assume_multiple %mul3A_253, 8 : i32
        %run_scoped3A_255 = arith.constant 8 : i32
        "tpu.region"() ({
          %run_scoped3A_263 = tpu.sem_alloc : memref<!tpu.dma_semaphore, #tpu.memory_space<semaphore_mem>>
          %dma_start3A_264 = arith.constant 0 : i32
          %dma_start3A_265 = arith.constant 0 : i32
          %dma_start3A_266 = tpu.memref_slice %arg8[%run_scoped3A_255, %dma_start3A_264, %dma_start3A_265] : memref<10x80x64xf32, #tpu.memory_space<vmem>> -> memref<1x80x64xf32, #tpu.memory_space<vmem>>
          %dma_start3A_267 = tpu.memref_squeeze %dma_start3A_266 : memref<1x80x64xf32, #tpu.memory_space<vmem>> -> memref<80x64xf32, #tpu.memory_space<vmem>>
          %dma_start3A_268 = tpu.memref_slice %arg7[%multiple_of3A_254] : memref<10000xi32, #tpu.memory_space<vmem>> -> memref<80xi32, #tpu.memory_space<vmem>>
          %dma_start3A_269 = arith.constant 0 : i32
          %dma_start3A_270 = arith.constant 0 : i32
          %dma_start3A_271 = tpu.memref_slice %arg9[%dma_start3A_269, %dma_start3A_270] : memref<10000x64xf32, #tpu.memory_space<vmem_shared>> -> memref<10000x64xf32, #tpu.memory_space<vmem_shared>>
          tpu.enqueue_indirect_dma source(%dma_start3A_267 : memref<80x64xf32, #tpu.memory_space<vmem>>) target(%dma_start3A_271 : memref<10000x64xf32, #tpu.memory_space<vmem_shared>>) offsets(%dma_start3A_268 : memref<80xi32, #tpu.memory_space<vmem>>) semaphore(%run_scoped3A_263 : memref<!tpu.dma_semaphore, #tpu.memory_space<semaphore_mem>>) {add = true}
          %dma_wait3A_272 = arith.constant 0 : i32
          %dma_wait3A_273 = arith.constant 0 : i32
          %dma_wait3A_274 = tpu.memref_slice %arg8[%run_scoped3A_255, %dma_wait3A_272, %dma_wait3A_273] : memref<10x80x64xf32, #tpu.memory_space<vmem>> -> memref<1x80x64xf32, #tpu.memory_space<vmem>>
          %dma_wait3A_275 = tpu.memref_squeeze %dma_wait3A_274 : memref<1x80x64xf32, #tpu.memory_space<vmem>> -> memref<80x64xf32, #tpu.memory_space<vmem>>
          %dma_wait3A_276 = tpu.memref_slice %arg7[%multiple_of3A_254] : memref<10000xi32, #tpu.memory_space<vmem>> -> memref<80xi32, #tpu.memory_space<vmem>>
          %dma_wait3A_277 = arith.constant 0 : i32
          %dma_wait3A_278 = arith.constant 0 : i32
          %dma_wait3A_279 = tpu.memref_slice %arg9[%dma_wait3A_277, %dma_wait3A_278] : memref<10000x64xf32, #tpu.memory_space<vmem_shared>> -> memref<10000x64xf32, #tpu.memory_space<vmem_shared>>
          tpu.wait_indirect_dma semaphore(%run_scoped3A_263 : memref<!tpu.dma_semaphore, #tpu.memory_space<semaphore_mem>>) src(%dma_wait3A_275 : memref<80x64xf32, #tpu.memory_space<vmem>>) dst(%dma_wait3A_279 : memref<10000x64xf32, #tpu.memory_space<vmem_shared>>)
          tpu.yield
        }) : () -> ()
        %add3A_256 = arith.constant 10 : i32
        %add3A_257 = arith.addi %add3A_225, %add3A_256 : i32
        %lt3A_258 = arith.constant 125 : i32
        %lt3A_259 = arith.cmpi slt, %add3A_257, %lt3A_258 : i32
        %convert_element_type3A_260 = arith.extui %lt3A_259 : i1 to i32
        %cond3A_261 = arith.constant 0 : i32
        %cond3A_262 = arith.cmpi ne, %convert_element_type3A_260, %cond3A_261 : i32
        scf.if %cond3A_262 {
          %mul3A_263 = arith.constant 80 : i32
          %mul3A_264 = arith.muli %add3A_257, %mul3A_263 : i32
          %multiple_of3A_265 = tpu.assume_multiple %mul3A_264, 8 : i32
          %dma_start3A_266 = arith.constant 8 : i32
          %dma_start3A_267 = arith.constant 8 : i32
          %dma_start3A_268 = arith.constant 0 : i32
          %dma_start3A_269 = arith.constant 0 : i32
          %dma_start3A_270 = tpu.memref_slice %arg8[%dma_start3A_266, %dma_start3A_268, %dma_start3A_269] : memref<10x80x64xf32, #tpu.memory_space<vmem>> -> memref<1x80x64xf32, #tpu.memory_space<vmem>>
          %dma_start3A_271 = tpu.memref_squeeze %dma_start3A_270 : memref<1x80x64xf32, #tpu.memory_space<vmem>> -> memref<80x64xf32, #tpu.memory_space<vmem>>
          %dma_start3A_272 = tpu.memref_slice %arg6[%multiple_of3A_265] : memref<10000xi32, #tpu.memory_space<vmem>> -> memref<80xi32, #tpu.memory_space<vmem>>
          %dma_start3A_273 = arith.constant 0 : i32
          %dma_start3A_274 = arith.constant 0 : i32
          %dma_start3A_275 = tpu.memref_slice %arg2[%dma_start3A_273, %dma_start3A_274] : memref<10000x64xf32, #tpu.memory_space<hbm>> -> memref<10000x64xf32, #tpu.memory_space<hbm>>
          %dma_start3A_276 = tpu.memref_slice %arg10[%dma_start3A_267] : memref<10x!tpu.dma_semaphore, #tpu.memory_space<semaphore_mem>> -> memref<1x!tpu.dma_semaphore, #tpu.memory_space<semaphore_mem>>
          %dma_start3A_277 = tpu.memref_squeeze %dma_start3A_276 : memref<1x!tpu.dma_semaphore, #tpu.memory_space<semaphore_mem>> -> memref<!tpu.dma_semaphore, #tpu.memory_space<semaphore_mem>>
          tpu.enqueue_indirect_dma source(%dma_start3A_275 : memref<10000x64xf32, #tpu.memory_space<hbm>>) target(%dma_start3A_271 : memref<80x64xf32, #tpu.memory_space<vmem>>) offsets(%dma_start3A_272 : memref<80xi32, #tpu.memory_space<vmem>>) semaphore(%dma_start3A_277 : memref<!tpu.dma_semaphore, #tpu.memory_space<semaphore_mem>>)
        } else {
        }
      } else {
      }
      %add3A_231 = arith.constant 9 : i32
      %add3A_232 = arith.addi %add3A_168, %add3A_231 : i32
      %lt3A_233 = arith.constant 125 : i32
      %lt3A_234 = arith.cmpi slt, %add3A_232, %lt3A_233 : i32
      %convert_element_type3A_235 = arith.extui %lt3A_234 : i1 to i32
      %cond3A_236 = arith.constant 0 : i32
      %cond3A_237 = arith.cmpi ne, %convert_element_type3A_235, %cond3A_236 : i32
      scf.if %cond3A_237 {
        %mul3A_238 = arith.constant 80 : i32
        %mul3A_239 = arith.muli %add3A_232, %mul3A_238 : i32
        %multiple_of3A_240 = tpu.assume_multiple %mul3A_239, 8 : i32
        %dma_wait3A = arith.constant 9 : i32
        %dma_wait3A_241 = arith.constant 9 : i32
        %dma_wait3A_242 = arith.constant 0 : i32
        %dma_wait3A_243 = arith.constant 0 : i32
        %dma_wait3A_244 = tpu.memref_slice %arg8[%dma_wait3A, %dma_wait3A_242, %dma_wait3A_243] : memref<10x80x64xf32, #tpu.memory_space<vmem>> -> memref<1x80x64xf32, #tpu.memory_space<vmem>>
        %dma_wait3A_245 = tpu.memref_squeeze %dma_wait3A_244 : memref<1x80x64xf32, #tpu.memory_space<vmem>> -> memref<80x64xf32, #tpu.memory_space<vmem>>
        %dma_wait3A_246 = tpu.memref_slice %arg6[%multiple_of3A_240] : memref<10000xi32, #tpu.memory_space<vmem>> -> memref<80xi32, #tpu.memory_space<vmem>>
        %dma_wait3A_247 = arith.constant 0 : i32
        %dma_wait3A_248 = arith.constant 0 : i32
        %dma_wait3A_249 = tpu.memref_slice %arg2[%dma_wait3A_247, %dma_wait3A_248] : memref<10000x64xf32, #tpu.memory_space<hbm>> -> memref<10000x64xf32, #tpu.memory_space<hbm>>
        %dma_wait3A_250 = tpu.memref_slice %arg10[%dma_wait3A_241] : memref<10x!tpu.dma_semaphore, #tpu.memory_space<semaphore_mem>> -> memref<1x!tpu.dma_semaphore, #tpu.memory_space<semaphore_mem>>
        %dma_wait3A_251 = tpu.memref_squeeze %dma_wait3A_250 : memref<1x!tpu.dma_semaphore, #tpu.memory_space<semaphore_mem>> -> memref<!tpu.dma_semaphore, #tpu.memory_space<semaphore_mem>>
        tpu.wait_indirect_dma semaphore(%dma_wait3A_251 : memref<!tpu.dma_semaphore, #tpu.memory_space<semaphore_mem>>) src(%dma_wait3A_249 : memref<10000x64xf32, #tpu.memory_space<hbm>>) dst(%dma_wait3A_245 : memref<80x64xf32, #tpu.memory_space<vmem>>)
        %mul3A_252 = arith.constant 80 : i32
        %mul3A_253 = arith.muli %add3A_232, %mul3A_252 : i32
        %multiple_of3A_254 = tpu.assume_multiple %mul3A_253, 8 : i32
        %run_scoped3A_255 = arith.constant 9 : i32
        "tpu.region"() ({
          %run_scoped3A_263 = tpu.sem_alloc : memref<!tpu.dma_semaphore, #tpu.memory_space<semaphore_mem>>
          %dma_start3A_264 = arith.constant 0 : i32
          %dma_start3A_265 = arith.constant 0 : i32
          %dma_start3A_266 = tpu.memref_slice %arg8[%run_scoped3A_255, %dma_start3A_264, %dma_start3A_265] : memref<10x80x64xf32, #tpu.memory_space<vmem>> -> memref<1x80x64xf32, #tpu.memory_space<vmem>>
          %dma_start3A_267 = tpu.memref_squeeze %dma_start3A_266 : memref<1x80x64xf32, #tpu.memory_space<vmem>> -> memref<80x64xf32, #tpu.memory_space<vmem>>
          %dma_start3A_268 = tpu.memref_slice %arg7[%multiple_of3A_254] : memref<10000xi32, #tpu.memory_space<vmem>> -> memref<80xi32, #tpu.memory_space<vmem>>
          %dma_start3A_269 = arith.constant 0 : i32
          %dma_start3A_270 = arith.constant 0 : i32
          %dma_start3A_271 = tpu.memref_slice %arg9[%dma_start3A_269, %dma_start3A_270] : memref<10000x64xf32, #tpu.memory_space<vmem_shared>> -> memref<10000x64xf32, #tpu.memory_space<vmem_shared>>
          tpu.enqueue_indirect_dma source(%dma_start3A_267 : memref<80x64xf32, #tpu.memory_space<vmem>>) target(%dma_start3A_271 : memref<10000x64xf32, #tpu.memory_space<vmem_shared>>) offsets(%dma_start3A_268 : memref<80xi32, #tpu.memory_space<vmem>>) semaphore(%run_scoped3A_263 : memref<!tpu.dma_semaphore, #tpu.memory_space<semaphore_mem>>) {add = true}
          %dma_wait3A_272 = arith.constant 0 : i32
          %dma_wait3A_273 = arith.constant 0 : i32
          %dma_wait3A_274 = tpu.memref_slice %arg8[%run_scoped3A_255, %dma_wait3A_272, %dma_wait3A_273] : memref<10x80x64xf32, #tpu.memory_space<vmem>> -> memref<1x80x64xf32, #tpu.memory_space<vmem>>
          %dma_wait3A_275 = tpu.memref_squeeze %dma_wait3A_274 : memref<1x80x64xf32, #tpu.memory_space<vmem>> -> memref<80x64xf32, #tpu.memory_space<vmem>>
          %dma_wait3A_276 = tpu.memref_slice %arg7[%multiple_of3A_254] : memref<10000xi32, #tpu.memory_space<vmem>> -> memref<80xi32, #tpu.memory_space<vmem>>
          %dma_wait3A_277 = arith.constant 0 : i32
          %dma_wait3A_278 = arith.constant 0 : i32
          %dma_wait3A_279 = tpu.memref_slice %arg9[%dma_wait3A_277, %dma_wait3A_278] : memref<10000x64xf32, #tpu.memory_space<vmem_shared>> -> memref<10000x64xf32, #tpu.memory_space<vmem_shared>>
          tpu.wait_indirect_dma semaphore(%run_scoped3A_263 : memref<!tpu.dma_semaphore, #tpu.memory_space<semaphore_mem>>) src(%dma_wait3A_275 : memref<80x64xf32, #tpu.memory_space<vmem>>) dst(%dma_wait3A_279 : memref<10000x64xf32, #tpu.memory_space<vmem_shared>>)
          tpu.yield
        }) : () -> ()
        %add3A_256 = arith.constant 10 : i32
        %add3A_257 = arith.addi %add3A_232, %add3A_256 : i32
        %lt3A_258 = arith.constant 125 : i32
        %lt3A_259 = arith.cmpi slt, %add3A_257, %lt3A_258 : i32
        %convert_element_type3A_260 = arith.extui %lt3A_259 : i1 to i32
        %cond3A_261 = arith.constant 0 : i32
        %cond3A_262 = arith.cmpi ne, %convert_element_type3A_260, %cond3A_261 : i32
        scf.if %cond3A_262 {
          %mul3A_263 = arith.constant 80 : i32
          %mul3A_264 = arith.muli %add3A_257, %mul3A_263 : i32
          %multiple_of3A_265 = tpu.assume_multiple %mul3A_264, 8 : i32
          %dma_start3A_266 = arith.constant 9 : i32
          %dma_start3A_267 = arith.constant 9 : i32
          %dma_start3A_268 = arith.constant 0 : i32
          %dma_start3A_269 = arith.constant 0 : i32
          %dma_start3A_270 = tpu.memref_slice %arg8[%dma_start3A_266, %dma_start3A_268, %dma_start3A_269] : memref<10x80x64xf32, #tpu.memory_space<vmem>> -> memref<1x80x64xf32, #tpu.memory_space<vmem>>
          %dma_start3A_271 = tpu.memref_squeeze %dma_start3A_270 : memref<1x80x64xf32, #tpu.memory_space<vmem>> -> memref<80x64xf32, #tpu.memory_space<vmem>>
          %dma_start3A_272 = tpu.memref_slice %arg6[%multiple_of3A_265] : memref<10000xi32, #tpu.memory_space<vmem>> -> memref<80xi32, #tpu.memory_space<vmem>>
          %dma_start3A_273 = arith.constant 0 : i32
          %dma_start3A_274 = arith.constant 0 : i32
          %dma_start3A_275 = tpu.memref_slice %arg2[%dma_start3A_273, %dma_start3A_274] : memref<10000x64xf32, #tpu.memory_space<hbm>> -> memref<10000x64xf32, #tpu.memory_space<hbm>>
          %dma_start3A_276 = tpu.memref_slice %arg10[%dma_start3A_267] : memref<10x!tpu.dma_semaphore, #tpu.memory_space<semaphore_mem>> -> memref<1x!tpu.dma_semaphore, #tpu.memory_space<semaphore_mem>>
          %dma_start3A_277 = tpu.memref_squeeze %dma_start3A_276 : memref<1x!tpu.dma_semaphore, #tpu.memory_space<semaphore_mem>> -> memref<!tpu.dma_semaphore, #tpu.memory_space<semaphore_mem>>
          tpu.enqueue_indirect_dma source(%dma_start3A_275 : memref<10000x64xf32, #tpu.memory_space<hbm>>) target(%dma_start3A_271 : memref<80x64xf32, #tpu.memory_space<vmem>>) offsets(%dma_start3A_272 : memref<80xi32, #tpu.memory_space<vmem>>) semaphore(%dma_start3A_277 : memref<!tpu.dma_semaphore, #tpu.memory_space<semaphore_mem>>)
        } else {
        }
      } else {
      }
    }
    %scan3A_150 = arith.constant 13 : i32
    %barrier3A_151 = arith.constant 0 : index
    tpu.barrier barrier_id(%barrier3A_151)
    %mul3A_152 = arith.constant 624 : i32
    %mul3A_153 = arith.muli %arg1, %mul3A_152 : i32
    %mul3A_154 = arith.constant 10000 : i32
    %mul3A_155 = arith.muli %arg0, %mul3A_154 : i32
    %mul3A_156 = arith.constant 624 : i32
    %mul3A_157 = arith.muli %arg1, %mul3A_156 : i32
    %add3A_158 = arith.addi %mul3A_155, %mul3A_157 : i32
    "tpu.region"() ({
      %run_scoped3A_164 = tpu.sem_alloc : memref<!tpu.dma_semaphore, #tpu.memory_space<semaphore_mem>>
      %dma_start3A_165 = arith.constant 0 : i32
      %dma_start3A_166 = tpu.memref_slice %arg5[%add3A_158, %dma_start3A_165] : memref<20000x64xf32, #tpu.memory_space<hbm>> -> memref<624x64xf32, #tpu.memory_space<hbm>>
      %dma_start3A_167 = arith.constant 0 : i32
      %dma_start3A_168 = tpu.memref_slice %arg9[%mul3A_153, %dma_start3A_167] : memref<10000x64xf32, #tpu.memory_space<vmem_shared>> -> memref<624x64xf32, #tpu.memory_space<vmem_shared>>
      tpu.enqueue_dma source(%dma_start3A_168 : memref<624x64xf32, #tpu.memory_space<vmem_shared>>) target(%dma_start3A_166 : memref<624x64xf32, #tpu.memory_space<hbm>>) target_semaphore(%run_scoped3A_164 : memref<!tpu.dma_semaphore, #tpu.memory_space<semaphore_mem>>)
      %dma_wait3A = arith.constant 0 : i32
      %dma_wait3A_169 = tpu.memref_slice %arg5[%add3A_158, %dma_wait3A] : memref<20000x64xf32, #tpu.memory_space<hbm>> -> memref<624x64xf32, #tpu.memory_space<hbm>>
      %dma_wait3A_170 = arith.constant 0 : i32
      %dma_wait3A_171 = tpu.memref_slice %arg9[%mul3A_153, %dma_wait3A_170] : memref<10000x64xf32, #tpu.memory_space<vmem_shared>> -> memref<624x64xf32, #tpu.memory_space<vmem_shared>>
      tpu.wait_dma2 semaphore(%run_scoped3A_164 : memref<!tpu.dma_semaphore, #tpu.memory_space<semaphore_mem>>) src(%dma_wait3A_171 : memref<624x64xf32, #tpu.memory_space<vmem_shared>>) dst(%dma_wait3A_169 : memref<624x64xf32, #tpu.memory_space<hbm>>)
      tpu.yield
    }) : () -> ()
    %eq3A_159 = arith.constant 0 : i32
    %eq3A_160 = arith.cmpi eq, %arg1, %eq3A_159 : i32
    %convert_element_type3A_161 = arith.extui %eq3A_160 : i1 to i32
    %cond3A_162 = arith.constant 0 : i32
    %cond3A_163 = arith.cmpi ne, %convert_element_type3A_161, %cond3A_162 : i32
    scf.if %cond3A_163 {
      %mul3A_164 = arith.constant 10000 : i32
      %mul3A_165 = arith.muli %arg0, %mul3A_164 : i32
      %add3A_166 = arith.constant 9984 : i32
      %add3A_167 = arith.addi %mul3A_165, %add3A_166 : i32
      "tpu.region"() ({
        %run_scoped3A_168 = tpu.sem_alloc : memref<!tpu.dma_semaphore, #tpu.memory_space<semaphore_mem>>
        %dma_start3A_169 = arith.constant 0 : i32
        %dma_start3A_170 = tpu.memref_slice %arg5[%add3A_167, %dma_start3A_169] : memref<20000x64xf32, #tpu.memory_space<hbm>> -> memref<16x64xf32, #tpu.memory_space<hbm>>
        %dma_start3A_171 = arith.constant 9984 : i32
        %dma_start3A_172 = arith.constant 0 : i32
        %dma_start3A_173 = tpu.memref_slice %arg9[%dma_start3A_171, %dma_start3A_172] : memref<10000x64xf32, #tpu.memory_space<vmem_shared>> -> memref<16x64xf32, #tpu.memory_space<vmem_shared>>
        tpu.enqueue_dma source(%dma_start3A_173 : memref<16x64xf32, #tpu.memory_space<vmem_shared>>) target(%dma_start3A_170 : memref<16x64xf32, #tpu.memory_space<hbm>>) target_semaphore(%run_scoped3A_168 : memref<!tpu.dma_semaphore, #tpu.memory_space<semaphore_mem>>)
        %dma_wait3A = arith.constant 0 : i32
        %dma_wait3A_174 = tpu.memref_slice %arg5[%add3A_167, %dma_wait3A] : memref<20000x64xf32, #tpu.memory_space<hbm>> -> memref<16x64xf32, #tpu.memory_space<hbm>>
        %dma_wait3A_175 = arith.constant 9984 : i32
        %dma_wait3A_176 = arith.constant 0 : i32
        %dma_wait3A_177 = tpu.memref_slice %arg9[%dma_wait3A_175, %dma_wait3A_176] : memref<10000x64xf32, #tpu.memory_space<vmem_shared>> -> memref<16x64xf32, #tpu.memory_space<vmem_shared>>
        tpu.wait_dma2 semaphore(%run_scoped3A_168 : memref<!tpu.dma_semaphore, #tpu.memory_space<semaphore_mem>>) src(%dma_wait3A_177 : memref<16x64xf32, #tpu.memory_space<vmem_shared>>) dst(%dma_wait3A_174 : memref<16x64xf32, #tpu.memory_space<hbm>>)
        tpu.yield
      }) : () -> ()
    } else {
    }
    return
  }
}

module attributes {stable_mosaic.version = 14 : i64} {
  func.func @_proj_body(%arg0: i32, %arg1: memref<2000x128xf32, #tpu.memory_space<vmem>>, %arg2: memref<128x64xf32, #tpu.memory_space<vmem>>, %arg3: memref<2000x64xf32, #tpu.memory_space<vmem>>) attributes {dimension_semantics = [#tpu.dimension_semantics<arbitrary>], iteration_bounds = array<i64: 5>, scalar_prefetch = 0 : i64, scratch_operands = 0 : i64, tpu.core_type = #tpu.core_type<tc>, window_params = [{transform_indices = @transform_0, window_bounds = array<i64: 2000, 128>}, {pipeline_mode = #tpu.pipeline_mode<synchronous>, transform_indices = @transform_1, window_bounds = array<i64: 128, 64>}, {transform_indices = @transform_2, window_bounds = array<i64: 2000, 64>}]} {
    %get3A = arith.constant 0 : index
    %get3A_0 = arith.constant 0 : index
    %get3A_1 = vector.load %arg1[%get3A, %get3A_0] : memref<2000x128xf32, #tpu.memory_space<vmem>>, vector<2000x128xf32>
    %get3A_2 = arith.constant 0 : index
    %get3A_3 = arith.constant 0 : index
    %get3A_4 = vector.load %arg2[%get3A_2, %get3A_3] : memref<128x64xf32, #tpu.memory_space<vmem>>, vector<128x64xf32>
    %dot_general3A = arith.constant dense<0.000000e+00> : vector<2000x64xf32>
    %dot_general3A_5 = tpu.matmul %get3A_1, %get3A_4, %dot_general3A {dimension_numbers = #tpu.dot_dimension_numbers<[1], [0], [0], [1], [0, 0, 1, 1], [], []>, transpose_lhs_hint = false} : vector<2000x128xf32>, vector<128x64xf32>, vector<2000x64xf32> -> vector<2000x64xf32>
    %swap3A = arith.constant 0 : index
    %swap3A_6 = arith.constant 0 : index
    %swap3A_7 = vector.load %arg3[%swap3A, %swap3A_6] : memref<2000x64xf32, #tpu.memory_space<vmem>>, vector<2000x64xf32>
    tpu.vector_store %arg3[%swap3A, %swap3A_6], %dot_general3A_5 {strides = array<i32>} : memref<2000x64xf32, #tpu.memory_space<vmem>>, vector<2000x64xf32>,
    return
  }
  func.func @transform_0(%arg0: i32) -> (i32, i32) {
    %c0_i32 = arith.constant 0 : i32
    %c0_i32_0 = arith.constant 0 : i32
    return %arg0, %c0_i32 : i32, i32
  }
  func.func @transform_1(%arg0: i32) -> (i32, i32) {
    %c0_i32 = arith.constant 0 : i32
    %c0_i32_0 = arith.constant 0 : i32
    %c0_i32_1 = arith.constant 0 : i32
    return %c0_i32, %c0_i32_0 : i32, i32
  }
  func.func @transform_2(%arg0: i32) -> (i32, i32) {
    %c0_i32 = arith.constant 0 : i32
    %c0_i32_0 = arith.constant 0 : i32
    return %arg0, %c0_i32 : i32, i32
  }
}

module attributes {stable_mosaic.version = 14 : i64} {
  func.func @_mid_body(%arg0: i32, %arg1: memref<1xf32, #tpu.memory_space<smem>>, %arg2: memref<2000x64xf32, #tpu.memory_space<vmem>>, %arg3: memref<2000x64xf32, #tpu.memory_space<vmem>>, %arg4: memref<2000x64xf32, #tpu.memory_space<vmem>>, %arg5: memref<1x64xf32, #tpu.memory_space<vmem>>, %arg6: memref<64x64xf32, #tpu.memory_space<vmem>>, %arg7: memref<1x64xf32, #tpu.memory_space<vmem>>, %arg8: memref<64x64xf32, #tpu.memory_space<vmem>>, %arg9: memref<2000x64xf32, #tpu.memory_space<vmem>>, %arg10: memref<2000x64xf32, #tpu.memory_space<vmem>>) attributes {dimension_semantics = [#tpu.dimension_semantics<arbitrary>], iteration_bounds = array<i64: 5>, scalar_prefetch = 0 : i64, scratch_operands = 0 : i64, tpu.core_type = #tpu.core_type<tc>, window_params = [{transform_indices = @transform_0, window_bounds = array<i64: 1>}, {transform_indices = @transform_1, window_bounds = array<i64: 2000, 64>}, {transform_indices = @transform_2, window_bounds = array<i64: 2000, 64>}, {transform_indices = @transform_3, window_bounds = array<i64: 2000, 64>}, {pipeline_mode = #tpu.pipeline_mode<synchronous>, transform_indices = @transform_4, window_bounds = array<i64: 1, 64>}, {pipeline_mode = #tpu.pipeline_mode<synchronous>, transform_indices = @transform_5, window_bounds = array<i64: 64, 64>}, {pipeline_mode = #tpu.pipeline_mode<synchronous>, transform_indices = @transform_6, window_bounds = array<i64: 1, 64>}, {pipeline_mode = #tpu.pipeline_mode<synchronous>, transform_indices = @transform_7, window_bounds = array<i64: 64, 64>}, {transform_indices = @transform_8, window_bounds = array<i64: 2000, 64>}, {transform_indices = @transform_9, window_bounds = array<i64: 2000, 64>}]} {
    %get3A = arith.constant 0 : index
    %get3A_0 = memref.load %arg1[%get3A] : memref<1xf32, #tpu.memory_space<smem>>
    %add3A = arith.constant 1.000000e+00 : f32
    %add3A_1 = arith.addf %add3A, %get3A_0 : f32
    %get3A_2 = arith.constant 0 : index
    %get3A_3 = arith.constant 0 : index
    %get3A_4 = vector.load %arg2[%get3A_2, %get3A_3] : memref<2000x64xf32, #tpu.memory_space<vmem>>, vector<2000x64xf32>
    %mul3A = vector.broadcast %add3A_1 : f32 to vector<2000x64xf32>
    %mul3A_5 = arith.mulf %mul3A, %get3A_4 : vector<2000x64xf32>
    %get3A_6 = arith.constant 0 : index
    %get3A_7 = arith.constant 0 : index
    %get3A_8 = vector.load %arg3[%get3A_6, %get3A_7] : memref<2000x64xf32, #tpu.memory_space<vmem>>, vector<2000x64xf32>
    %add3A_9 = arith.addf %mul3A_5, %get3A_8 : vector<2000x64xf32>
    %get3A_10 = arith.constant 0 : index
    %get3A_11 = arith.constant 0 : index
    %get3A_12 = vector.load %arg4[%get3A_10, %get3A_11] : memref<2000x64xf32, #tpu.memory_space<vmem>>, vector<2000x64xf32>
    %add3A_13 = arith.addf %add3A_9, %get3A_12 : vector<2000x64xf32>
    %get3A_14 = arith.constant 0 : index
    %get3A_15 = arith.constant 0 : index
    %get3A_16 = vector.load %arg5[%get3A_14, %get3A_15] : memref<1x64xf32, #tpu.memory_space<vmem>>, vector<1x64xf32>
    %add3A_17 = vector.broadcast %get3A_16 : vector<1x64xf32> to vector<2000x64xf32>
    %add3A_18 = arith.addf %add3A_13, %add3A_17 : vector<2000x64xf32>
    %max3A = arith.constant 0.000000e+00 : f32
    %max3A_19 = vector.broadcast %max3A : f32 to vector<2000x64xf32>
    %max3A_20 = arith.maximumf %add3A_18, %max3A_19 : vector<2000x64xf32>
    %get3A_21 = arith.constant 0 : index
    %get3A_22 = arith.constant 0 : index
    %get3A_23 = vector.load %arg6[%get3A_21, %get3A_22] : memref<64x64xf32, #tpu.memory_space<vmem>>, vector<64x64xf32>
    %dot_general3A = arith.constant dense<0.000000e+00> : vector<2000x64xf32>
    %dot_general3A_24 = tpu.matmul %max3A_20, %get3A_23, %dot_general3A {dimension_numbers = #tpu.dot_dimension_numbers<[1], [0], [0], [1], [0, 0, 1, 1], [], []>, transpose_lhs_hint = false} : vector<2000x64xf32>, vector<64x64xf32>, vector<2000x64xf32> -> vector<2000x64xf32>
    %get3A_25 = arith.constant 0 : index
    %get3A_26 = arith.constant 0 : index
    %get3A_27 = vector.load %arg7[%get3A_25, %get3A_26] : memref<1x64xf32, #tpu.memory_space<vmem>>, vector<1x64xf32>
    %add3A_28 = vector.broadcast %get3A_27 : vector<1x64xf32> to vector<2000x64xf32>
    %add3A_29 = arith.addf %dot_general3A_24, %add3A_28 : vector<2000x64xf32>
    %swap3A = arith.constant 0 : index
    %swap3A_30 = arith.constant 0 : index
    %swap3A_31 = vector.load %arg9[%swap3A, %swap3A_30] : memref<2000x64xf32, #tpu.memory_space<vmem>>, vector<2000x64xf32>
    tpu.vector_store %arg9[%swap3A, %swap3A_30], %add3A_29 {strides = array<i32>} : memref<2000x64xf32, #tpu.memory_space<vmem>>, vector<2000x64xf32>,
    %max3A_32 = arith.constant 0.000000e+00 : f32
    %max3A_33 = vector.broadcast %max3A_32 : f32 to vector<2000x64xf32>
    %max3A_34 = arith.maximumf %add3A_29, %max3A_33 : vector<2000x64xf32>
    %get3A_35 = arith.constant 0 : index
    %get3A_36 = arith.constant 0 : index
    %get3A_37 = vector.load %arg8[%get3A_35, %get3A_36] : memref<64x64xf32, #tpu.memory_space<vmem>>, vector<64x64xf32>
    %dot_general3A_38 = arith.constant dense<0.000000e+00> : vector<2000x64xf32>
    %dot_general3A_39 = tpu.matmul %max3A_34, %get3A_37, %dot_general3A_38 {dimension_numbers = #tpu.dot_dimension_numbers<[1], [0], [0], [1], [0, 0, 1, 1], [], []>, transpose_lhs_hint = false} : vector<2000x64xf32>, vector<64x64xf32>, vector<2000x64xf32> -> vector<2000x64xf32>
    %swap3A_40 = arith.constant 0 : index
    %swap3A_41 = arith.constant 0 : index
    %swap3A_42 = vector.load %arg10[%swap3A_40, %swap3A_41] : memref<2000x64xf32, #tpu.memory_space<vmem>>, vector<2000x64xf32>
    tpu.vector_store %arg10[%swap3A_40, %swap3A_41], %dot_general3A_39 {strides = array<i32>} : memref<2000x64xf32, #tpu.memory_space<vmem>>, vector<2000x64xf32>,
    return
  }
  func.func @transform_0(%arg0: i32) -> i32 {
    %c0_i32 = arith.constant 0 : i32
    %c0_i32_0 = arith.constant 0 : i32
    return %c0_i32 : i32
  }
  func.func @transform_1(%arg0: i32) -> (i32, i32) {
    %c0_i32 = arith.constant 0 : i32
    %c0_i32_0 = arith.constant 0 : i32
    return %arg0, %c0_i32 : i32, i32
  }
  func.func @transform_2(%arg0: i32) -> (i32, i32) {
    %add3A = arith.constant 0 : i32
    %add3A_0 = arith.addi %arg0, %add3A : i32
    %c0_i32 = arith.constant 0 : i32
    %c0_i32_1 = arith.constant 0 : i32
    return %add3A_0, %c0_i32 : i32, i32
  }
  func.func @transform_3(%arg0: i32) -> (i32, i32) {
    %add3A = arith.constant 5 : i32
    %add3A_0 = arith.addi %arg0, %add3A : i32
    %c0_i32 = arith.constant 0 : i32
    %c0_i32_1 = arith.constant 0 : i32
    return %add3A_0, %c0_i32 : i32, i32
  }
  func.func @transform_4(%arg0: i32) -> (i32, i32) {
    %c0_i32 = arith.constant 0 : i32
    %c0_i32_0 = arith.constant 0 : i32
    %c0_i32_1 = arith.constant 0 : i32
    return %c0_i32, %c0_i32_0 : i32, i32
  }
  func.func @transform_5(%arg0: i32) -> (i32, i32) {
    %c0_i32 = arith.constant 0 : i32
    %c0_i32_0 = arith.constant 0 : i32
    %c0_i32_1 = arith.constant 0 : i32
    return %c0_i32, %c0_i32_0 : i32, i32
  }
  func.func @transform_6(%arg0: i32) -> (i32, i32) {
    %c0_i32 = arith.constant 0 : i32
    %c0_i32_0 = arith.constant 0 : i32
    %c0_i32_1 = arith.constant 0 : i32
    return %c0_i32, %c0_i32_0 : i32, i32
  }
  func.func @transform_7(%arg0: i32) -> (i32, i32) {
    %c0_i32 = arith.constant 0 : i32
    %c0_i32_0 = arith.constant 0 : i32
    %c0_i32_1 = arith.constant 0 : i32
    return %c0_i32, %c0_i32_0 : i32, i32
  }
  func.func @transform_8(%arg0: i32) -> (i32, i32) {
    %c0_i32 = arith.constant 0 : i32
    %c0_i32_0 = arith.constant 0 : i32
    return %arg0, %c0_i32 : i32, i32
  }
  func.func @transform_9(%arg0: i32) -> (i32, i32) {
    %c0_i32 = arith.constant 0 : i32
    %c0_i32_0 = arith.constant 0 : i32
    return %arg0, %c0_i32 : i32, i32
  }
}

module attributes {stable_mosaic.version = 14 : i64} {
  func.func @_out_body(%arg0: i32, %arg1: memref<1xf32, #tpu.memory_space<smem>>, %arg2: memref<2000x64xf32, #tpu.memory_space<vmem>>, %arg3: memref<2000x64xf32, #tpu.memory_space<vmem>>, %arg4: memref<2000x64xf32, #tpu.memory_space<vmem>>, %arg5: memref<1x64xf32, #tpu.memory_space<vmem>>, %arg6: memref<64x64xf32, #tpu.memory_space<vmem>>, %arg7: memref<1x64xf32, #tpu.memory_space<vmem>>, %arg8: memref<2000x64xf32, #tpu.memory_space<vmem>>) attributes {dimension_semantics = [#tpu.dimension_semantics<arbitrary>], iteration_bounds = array<i64: 5>, scalar_prefetch = 0 : i64, scratch_operands = 0 : i64, tpu.core_type = #tpu.core_type<tc>, window_params = [{transform_indices = @transform_0, window_bounds = array<i64: 1>}, {transform_indices = @transform_1, window_bounds = array<i64: 2000, 64>}, {transform_indices = @transform_2, window_bounds = array<i64: 2000, 64>}, {transform_indices = @transform_3, window_bounds = array<i64: 2000, 64>}, {pipeline_mode = #tpu.pipeline_mode<synchronous>, transform_indices = @transform_4, window_bounds = array<i64: 1, 64>}, {pipeline_mode = #tpu.pipeline_mode<synchronous>, transform_indices = @transform_5, window_bounds = array<i64: 64, 64>}, {pipeline_mode = #tpu.pipeline_mode<synchronous>, transform_indices = @transform_6, window_bounds = array<i64: 1, 64>}, {transform_indices = @transform_7, window_bounds = array<i64: 2000, 64>}]} {
    %get3A = arith.constant 0 : index
    %get3A_0 = memref.load %arg1[%get3A] : memref<1xf32, #tpu.memory_space<smem>>
    %add3A = arith.constant 1.000000e+00 : f32
    %add3A_1 = arith.addf %add3A, %get3A_0 : f32
    %get3A_2 = arith.constant 0 : index
    %get3A_3 = arith.constant 0 : index
    %get3A_4 = vector.load %arg2[%get3A_2, %get3A_3] : memref<2000x64xf32, #tpu.memory_space<vmem>>, vector<2000x64xf32>
    %mul3A = vector.broadcast %add3A_1 : f32 to vector<2000x64xf32>
    %mul3A_5 = arith.mulf %mul3A, %get3A_4 : vector<2000x64xf32>
    %get3A_6 = arith.constant 0 : index
    %get3A_7 = arith.constant 0 : index
    %get3A_8 = vector.load %arg3[%get3A_6, %get3A_7] : memref<2000x64xf32, #tpu.memory_space<vmem>>, vector<2000x64xf32>
    %add3A_9 = arith.addf %mul3A_5, %get3A_8 : vector<2000x64xf32>
    %get3A_10 = arith.constant 0 : index
    %get3A_11 = arith.constant 0 : index
    %get3A_12 = vector.load %arg4[%get3A_10, %get3A_11] : memref<2000x64xf32, #tpu.memory_space<vmem>>, vector<2000x64xf32>
    %add3A_13 = arith.addf %add3A_9, %get3A_12 : vector<2000x64xf32>
    %get3A_14 = arith.constant 0 : index
    %get3A_15 = arith.constant 0 : index
    %get3A_16 = vector.load %arg5[%get3A_14, %get3A_15] : memref<1x64xf32, #tpu.memory_space<vmem>>, vector<1x64xf32>
    %add3A_17 = vector.broadcast %get3A_16 : vector<1x64xf32> to vector<2000x64xf32>
    %add3A_18 = arith.addf %add3A_13, %add3A_17 : vector<2000x64xf32>
    %max3A = arith.constant 0.000000e+00 : f32
    %max3A_19 = vector.broadcast %max3A : f32 to vector<2000x64xf32>
    %max3A_20 = arith.maximumf %add3A_18, %max3A_19 : vector<2000x64xf32>
    %get3A_21 = arith.constant 0 : index
    %get3A_22 = arith.constant 0 : index
    %get3A_23 = vector.load %arg6[%get3A_21, %get3A_22] : memref<64x64xf32, #tpu.memory_space<vmem>>, vector<64x64xf32>
    %dot_general3A = arith.constant dense<0.000000e+00> : vector<2000x64xf32>
    %dot_general3A_24 = tpu.matmul %max3A_20, %get3A_23, %dot_general3A {dimension_numbers = #tpu.dot_dimension_numbers<[1], [0], [0], [1], [0, 0, 1, 1], [], []>, transpose_lhs_hint = false} : vector<2000x64xf32>, vector<64x64xf32>, vector<2000x64xf32> -> vector<2000x64xf32>
    %get3A_25 = arith.constant 0 : index
    %get3A_26 = arith.constant 0 : index
    %get3A_27 = vector.load %arg7[%get3A_25, %get3A_26] : memref<1x64xf32, #tpu.memory_space<vmem>>, vector<1x64xf32>
    %add3A_28 = vector.broadcast %get3A_27 : vector<1x64xf32> to vector<2000x64xf32>
    %add3A_29 = arith.addf %dot_general3A_24, %add3A_28 : vector<2000x64xf32>
    %swap3A = arith.constant 0 : index
    %swap3A_30 = arith.constant 0 : index
    %swap3A_31 = vector.load %arg8[%swap3A, %swap3A_30] : memref<2000x64xf32, #tpu.memory_space<vmem>>, vector<2000x64xf32>
    tpu.vector_store %arg8[%swap3A, %swap3A_30], %add3A_29 {strides = array<i32>} : memref<2000x64xf32, #tpu.memory_space<vmem>>, vector<2000x64xf32>,
    return
  }
  func.func @transform_0(%arg0: i32) -> i32 {
    %c0_i32 = arith.constant 0 : i32
    %c0_i32_0 = arith.constant 0 : i32
    return %c0_i32 : i32
  }
  func.func @transform_1(%arg0: i32) -> (i32, i32) {
    %c0_i32 = arith.constant 0 : i32
    %c0_i32_0 = arith.constant 0 : i32
    return %arg0, %c0_i32 : i32, i32
  }
  func.func @transform_2(%arg0: i32) -> (i32, i32) {
    %add3A = arith.constant 0 : i32
    %add3A_0 = arith.addi %arg0, %add3A : i32
    %c0_i32 = arith.constant 0 : i32
    %c0_i32_1 = arith.constant 0 : i32
    return %add3A_0, %c0_i32 : i32, i32
  }
  func.func @transform_3(%arg0: i32) -> (i32, i32) {
    %add3A = arith.constant 5 : i32
    %add3A_0 = arith.addi %arg0, %add3A : i32
    %c0_i32 = arith.constant 0 : i32
    %c0_i32_1 = arith.constant 0 : i32
    return %add3A_0, %c0_i32 : i32, i32
  }
  func.func @transform_4(%arg0: i32) -> (i32, i32) {
    %c0_i32 = arith.constant 0 : i32
    %c0_i32_0 = arith.constant 0 : i32
    %c0_i32_1 = arith.constant 0 : i32
    return %c0_i32, %c0_i32_0 : i32, i32
  }
  func.func @transform_5(%arg0: i32) -> (i32, i32) {
    %c0_i32 = arith.constant 0 : i32
    %c0_i32_0 = arith.constant 0 : i32
    %c0_i32_1 = arith.constant 0 : i32
    return %c0_i32, %c0_i32_0 : i32, i32
  }
  func.func @transform_6(%arg0: i32) -> (i32, i32) {
    %c0_i32 = arith.constant 0 : i32
    %c0_i32_0 = arith.constant 0 : i32
    %c0_i32_1 = arith.constant 0 : i32
    return %c0_i32, %c0_i32_0 : i32, i32
  }
  func.func @transform_7(%arg0: i32) -> (i32, i32) {
    %c0_i32 = arith.constant 0 : i32
    %c0_i32_0 = arith.constant 0 : i32
    return %arg0, %c0_i32 : i32, i32
  }
}

</mosaic_0001>

<sc_bundles>
// kernel: kernel.10.cloned.1.call-start
scs
__scs_entry_jumppad:
0x0: {  	(pc) =	sbr.rel $0x88, $3  }
0x1: {  	(tag) =	ssettag $0x0;
	lr =	simm.s32 $0x1  }
0x2: {  	[smem:$0x3F95] =	sst lr;
	_ =	strace $0xD0000000  }
0x3: {  	_ = 	snop  }
0x4: {  	_ = 	snop  }
0x5: {  	_ = 	snop  }
0x6: {  	_ = 	snop  }
0x7: {  	_ = 	snop  }
__scs_overlays_trampoline_lowered:
0x8: {  	[smem:$0x3FA4] =	sst s0  }
0x9: {  	[smem:$0x3FA5] =	sst s1  }
0xa: {  	[smem:$0x3FA6] =	sst s2  }
0xb: {  	[smem:$0x3FA7] =	sst s3  }
0xc: {  	[smem:$0x3FA8] =	sst s4  }
0xd: {  	[smem:$0x3FA9] =	sst s5  }
0xe: {  	[smem:$0x3FAA] =	sst s6  }
0xf: {  	[smem:$0x3FAB] =	sst s7  }
0x10: {  	[smem:$0x3FAC] =	sst s8  }
0x11: {  	[smem:$0x3FAD] =	sst s9;
	s0 =	simm.s32 @!p0 $0x0  }
0x12: {  	s1 =	sld [smem:$0x3F93];
	s0 =	simm.s32 @p0 $0x1  }
0x13: {  	[smem:$0x3FAE] =	sst s0;
	s0 =	simm.s32 @!p1 $0x0  }
0x14: {  	s2 =	sld [smem:$0x3F92];
	s0 =	simm.s32 @p1 $0x1  }
0x15: {  	[smem:$0x3FAF] =	sst s0;
	s0 =	simm.s32 @!p2 $0x0  }
0x16: {  	s3 =	sld [smem:$0x3FDB];
	s0 =	simm.s32 @p2 $0x1  }
0x17: {  	s4 =	simm.s32 $0x1BF5;
	[smem:$0x3FB1] =	sst s0  }
0x18: {  	s0 =	sld [smem:$0x3F94];
	_ =	swait.ge [sflag:s4], $0x0  }
0x19: {  	s7 =	sld [smem:$0x3F95]  }
0x1a: {  	s8 =	sadd.s32 $0xFFFFE003, lr  }
0x1b: {  	s9 =	sadd.s32 $0xFFFFFEF7, lr;
	s5 =	simm.s32 $0xFFFFFFFF;
	p2 =	slt.u32 s8, $0xFFFFF086  }
0x1c: {  	p1 =	slt.u32 s9, $0xF7A;
	s5 =	simm.s32 @!p2 $0x0  }
0x1d: {  	s5 =	simm.s32 @p1 $0x1;
	p0 =	seq.s32 s7, s2  }
0x1e: {  	s7 =	smul.u32 @!p0 $0xF7A, s2;
	p2 =	seq.s32 @!p0 s5, $0x0  }
0x1f: {  	s9 =	smul.u32 $0xF7A, s1;
	s8 =	simm.s32 @!p0 $0x1BF5;
	p2 =	por !p2, p0  }
0x20: {  	[sflag:s8] =	ssyncset.s32 @!p0 $0xFFFFF086;
	s6 =	sadd.s32 @!p0 s3, s7;
	s7 =	simm.s32 @!p0 $0x108  }
0x21: {  	s3 =	sadd.s32 s3, s9;
	s6 =	sadd.s32 @!p0 $0x88, s6;
	s7 =	simm.s32 @p2 $0x1082  }
0x22: {  	[simem:s7], [sflag:s8] =	dma.local @!p0 [hbm:s6], $0xF7A  }
0x23: {  	s9 =	sor.u32 $0xD0000000, s2;
	s6 =	simm.s32 $0x108;
	_ =	swait.ge @!p0 [sflag:s8], $0x0  }
0x24: {  	s3 =	sadd.s32 $0x88, s3;
	s6 =	simm.s32 @!p1 $0x1082;
	[sflag:s4] =	ssyncset.s32 $0xFFFFF086  }
0x25: {  	[simem:s6], [sflag:s4] =	dma.local [hbm:s3], $0xF7A  }
0x26: {  	[smem:$0x3F95] =	sst s1;
	(tag) =	ssettag s2;
	_ =	strace s9  }
0x27: {  	s1 =	sld [smem:$0x3FA5]  }
0x28: {  	s2 =	sld [smem:$0x3FA6]  }
0x29: {  	s4 =	sld [smem:$0x3FA8]  }
0x2a: {  	p0 =	seq.s32 s5, $0x0;
	s5 =	sld [smem:$0x3FA9]  }
0x2b: {  	s6 =	sld [smem:$0x3FAA]  }
0x2c: {  	s7 =	sld [smem:$0x3FAB]  }
0x2d: {  	s3 =	simm.s32 $0x108;
	s8 =	sld [smem:$0x3FAC]  }
0x2e: {  	s3 =	simm.s32 @!p0 $0x1082;
	s9 =	sld [smem:$0x3FAD]  }
0x2f: {  	lr =	sadd.s32 s0, s3;
	s0 =	sld [smem:$0x3FA4]  }
0x30: {  	s3 =	sld [smem:$0x3FA7]  }
0x31: {  	[smem:$0x3FB0] =	sst s10  }
0x32: {  	s10 =	sld [smem:$0x3FAE];
	_ =	sdelay $0x3  }
0x33: {  	p0 =	seq.s32 s10, $0x1;
	s10 =	sld [smem:$0x3FB0];
	_ =	sdelay $0x3  }
0x34: {  	[smem:$0x3FB0] =	sst s10  }
0x35: {  	s10 =	sld [smem:$0x3FAF];
	_ =	sdelay $0x3  }
0x36: {  	p1 =	seq.s32 s10, $0x1;
	s10 =	sld [smem:$0x3FB0];
	_ =	sdelay $0x3  }
0x37: {  	[smem:$0x3FB0] =	sst s10  }
0x38: {  	s10 =	sld [smem:$0x3FB1]  }
0x39: {  	_ = 	snop;
	(pc) =	sbr.ind lr, $3  }
0x3a: {  	_ = 	snop  }
0x3b: {  	_ = 	snop  }
0x3c: {  	p2 =	seq.s32 s10, $0x1;
	s10 =	sld [smem:$0x3FB0]  }
0x3d: {  	_ =	shalt  }
0x3e: {  	_ =	shalt  }
0x3f: {  	_ =	shalt  }
0x40: {  	_ =	shalt  }
0x41: {  	_ =	shalt  }
0x42: {  	_ =	shalt  }
0x43: {  	_ =	shalt  }
0x44: {  	_ =	shalt  }
0x45: {  	_ =	shalt  }
0x46: {  	_ =	shalt  }
0x47: {  	_ =	shalt  }
0x48: {  	_ =	shalt  }
0x49: {  	_ =	shalt  }
0x4a: {  	_ =	shalt  }
0x4b: {  	_ =	shalt  }
0x4c: {  	_ =	shalt  }
0x4d: {  	_ =	shalt  }
0x4e: {  	_ =	shalt  }
0x4f: {  	_ =	shalt  }
0x50: {  	_ =	shalt  }
0x51: {  	_ =	shalt  }
0x52: {  	_ =	shalt  }
0x53: {  	_ =	shalt  }
0x54: {  	_ =	shalt  }
0x55: {  	_ =	shalt  }
0x56: {  	_ =	shalt  }
0x57: {  	_ =	shalt  }
0x58: {  	_ =	shalt  }
0x59: {  	_ =	shalt  }
0x5a: {  	_ =	shalt  }
0x5b: {  	_ =	shalt  }
0x5c: {  	_ =	shalt  }
0x5d: {  	_ =	shalt  }
0x5e: {  	_ =	shalt  }
0x5f: {  	_ =	shalt  }
0x60: {  	_ =	shalt  }
0x61: {  	_ =	shalt  }
0x62: {  	_ =	shalt  }
0x63: {  	_ =	shalt  }
0x64: {  	_ =	shalt  }
0x65: {  	_ =	shalt  }
0x66: {  	_ =	shalt  }
0x67: {  	_ =	shalt  }
0x68: {  	_ =	shalt  }
0x69: {  	_ =	shalt  }
0x6a: {  	_ =	shalt  }
0x6b: {  	_ =	shalt  }
0x6c: {  	_ =	shalt  }
0x6d: {  	_ =	shalt  }
0x6e: {  	_ =	shalt  }
0x6f: {  	_ =	shalt  }
0x70: {  	_ =	shalt  }
0x71: {  	_ =	shalt  }
0x72: {  	_ =	shalt  }
0x73: {  	_ =	shalt  }
0x74: {  	_ =	shalt  }
0x75: {  	_ =	shalt  }
0x76: {  	_ =	shalt  }
0x77: {  	_ =	shalt  }
0x78: {  	_ =	shalt  }
0x79: {  	_ =	shalt  }
0x7a: {  	_ =	shalt  }
0x7b: {  	_ =	shalt  }
0x7c: {  	_ =	shalt  }
0x7d: {  	_ =	shalt  }
0x7e: {  	_ =	shalt  }
0x7f: {  	_ =	shalt  }
0x80: {  	_ =	shalt  }
0x81: {  	_ =	shalt  }
0x82: {  	_ =	shalt  }
0x83: {  	_ =	shalt  }
0x84: {  	_ =	shalt  }
0x85: {  	_ =	shalt  }
0x86: {  	_ =	shalt  }
0x87: {  	_ =	shalt  }
.Lfunc_end0:
.L_simem_size_0:
called_computation.1_lowered:
.L_overlay_start_0:
0x88: {  	s2 =	sld [smem:$0x3FD9]  }
0x89: {  	s3 =	sld [smem:$0x3FFE];
	_ =	sdelay $0x1  }
0x8a: {  	s1 =	srdreg.scid  }
0x8b: {  	s0 =	sand.u32 $0x1, s1  }
0x8c: {  	s14 =	sshll.u32 s0, $0xA;
	s2 =	sadd.s32 s3, s2  }
0x8d: {  	s2 =	sadd.s32 s2, s14  }
0x8e: {  	[smem:$0x3FBC] =	sst s2  }
0x8f: {  	_ = 	snop  }
0x90: {  	s2 =	sld [smem:$0x3FD0];
	_ =	sdelay $0x2  }
0x91: {  	s15 =	simm.s32 $0xA;
	s4 =	simm.s32 $0x10  }
0x92: {  	[smem:s4], [sflag:s15] =	dma.local [hbm:s2], $0x1  }
0x93: {  	_ =	swait.eq [sflag:s15], $0x1  }
0x94: {  	[sflag:s15] =	ssyncset.done $0x0  }
0x95: {  	[sflag:s15] =	ssyncadd.s32 $0xFFFFFFFF  }
0x96: {  	s16 =	sld [smem:$0x10];
	(tm) =	ssettm $0x1  }
0x97: {  	s17 =	sld [smem:$0x3FFB];
	_ =	sdelay $0x3  }
0x98: {  	_ =	strace s17  }
0x99: {  	s3 =	sld [smem:$0x3FFC];
	_ =	sdelay $0x3  }
0x9a: {  	_ =	strace s3  }
0x9b: {  	s3 =	sld [smem:$0x3FFD];
	_ =	sdelay $0x3  }
0x9c: {  	_ =	strace s3  }
0x9d: {  	_ =	strace $0x8FFFFFFF  }
0x9e: {  	s18 =	sld [smem:$0x3FDB];
	_ =	sdelay $0x1  }
0x9f: {  	s19 =	simm.s32 $_scs_section_size  }
0xa0: {  	s5 =	simm.s32 $_size__tile_overlayer_lowered;
	s6 =	simm.s32 $_tile_overlayer_lowered  }
0xa1: {  	s22 =	simm.s32 $0x1BFF;
	s21 =	sshll.u32 s6, $0x1;
	s3 =	sadd.s32 s19, s18  }
0xa2: {  	s7 =	simm.s32 $0x0;
	s20 =	sshll.u32 s5, $0x1;
	s5 =	sadd.s32 s21, s3  }
0xa3: {  	[timem:s7], [sflag:s22] =	dma.local [hbm:s5], s20  }
0xa4: {  	_ =	swait.ge [sflag:s22], s20  }
0xa5: {  	s4 =	ssub.s32 $0x0, s20;
	[sflag:s22] =	ssyncset.done $0x0  }
0xa6: {  	[sflag:s22] =	ssyncadd.s32 s4;
	_ =	sdelay $0x1  }
0xa7: {  	s23 =	simm.s32 $0x1B8B  }
0xa8: {  	_ =	swait.ge [sflag:s23], $0x1  }
0xa9: {  	[sflag:s23] =	ssyncset.done $0x0  }
0xaa: {  	s25 =	simm.s32 $0x1B8E;
	s24 =	sld [smem:$0x3FFE];
	[sflag:s23] =	ssyncadd.s32 $0xFFFFFFFF  }
0xab: {  	s26 =	simm.s32 $execute0_lowered;
	[smem:$0x3FD2] =	sst s25  }
0xac: {  	s5 =	sshll.u32 s26, $0x1;
	_ =	strace $0x80000049;
	[dreg:$0x1] =	wrdreg $0xFFFFFFFF  }
0xad: {  	s28 =	simm.s32 $_size_execute0_lowered;
	s3 =	sadd.s32 s3, s5;
	[dreg:$0x0] =	wrdreg $0x0  }
0xae: {  	s5 =	sshll.u32 s28, $0x1;
	[dreg:$0x2] =	wrdreg s3  }
0xaf: {  	[dreg:$0x3] =	wrdreg s5  }
0xb0: {  	[dreg:$0x4] =	wrdreg $0xC0  }
0xb1: {  	_ =	task [dreg:s7], $0x5FFFF  }
0xb2: {  	[dreg:$0x1] =	wrdreg $0xFFFFFFFF  }
0xb3: {  	[dreg:$0x0] =	wrdreg $0x60  }
0xb4: {  	[dreg:$0x2] =	wrdreg s24  }
0xb5: {  	[dreg:$0x3] =	wrdreg s16  }
0xb6: {  	[dreg:$0x4] =	wrdreg $0x116200  }
0xb7: {  	[dreg:$0x5] =	wrdreg $0x9  }
0xb8: {  	_ =	task.clear_ibuf [dreg:s7], $0x6FFFF;
	_ =	strace $0x90000049  }
0xb9: {  	s29 =	simm.s32 $0x9;
	_ =	strace $0x8000004B  }
0xba: {  	_ =	swait.ge [sflag:s29], $0x1  }
0xbb: {  	[sflag:s29] =	ssyncadd.s32 $0xFFFFFFFF  }
0xbc: {  	_ =	strace $0x9000004B  }
0xbd: {  	_ =	sfence  }
0xbe: {  	s30 =	sld [smem:$0x0];
	_ =	sdelay $0x2  }
0xbf: {  	s31 =	sshll.u32 s1, $0xD;
	s1 =	sshrl.u32 s1, $0x2  }
0xc0: {  	s3 =	sand.u32 $0x4000, s31;
	s1 =	sadd.s32 s1, s30  }
0xc1: {  	s0 =	sor.u32 s3, s0;
	s1 =	sshll.u32 s1, $0x11  }
0xc2: {  	s0 =	sor.u32 s1, s0  }
0xc3: {  	s0 =	sadd.s32 $0x8F2B, s0  }
0xc4: {  	[sflag:s0] =	ssyncadd.remote.s32 $0x1  }
0xc5: {  	_ =	sfence.sel $0xFFFF  }
0xc6: {  	[dreg:$0x0] =	wrdreg $0xFFFFFFFF;
	(pc) =	sbr.abs _section_cstart, $3  }
0xc7: {  	[dreg:$0x1] =	wrdreg $0xFFFFFFFF  }
0xc8: {  	_ =	task.clear_ibuf [dreg:s7], $0x2FFFF;
	_ =	strace $0x9FFFFFFF  }
0xc9: {  	(tm) =	ssettm $0x7FFFFFFF  }
tec
execute0_lowered:
.L_overlay_start_1:
0x0: {  	(tag) =	ssettag $0x1  }
0x1: {  	s0 =	rddreg [dreg:$0x0]  }
0x2: {  	s6 =	rddreg [dreg:$0x1]  }
0x3: {  	s1 =	rddreg [dreg:$0x2];
	s2 =	simm.s32 $0x0  }
0x4: {  	s4 =	srdreg.scid;
	s11 =	stileid.u32;
	s16 =	simm.s32 $0x4E20  }
0x5: {  	s30 =	simm.s32 $0xDA20;
	s17 =	simm.s32 $0x10220;
	s18 =	simm.s32 $0x1  }
0x6: {  	s19 =	simm.s32 $0x4;
	s20 =	simm.s32 $0x5;
	s28 =	simm.s32 $0x0  }
0x7: {  	[smem:$0x7FF] =	sst s2;
	s3 =	sadd.s32 $0x3000, s0;
	s8 =	smul.u32 $0x1380, s11  }
0x8: {  	s5 =	sand.u32 $0x1, s4;
	s21 =	sadd.s32 $0x1C00, s0;
	s10 =	smul.u32 $0x27000, s11  }
0x9: {  	s0 =	sadd.s32 $0x16A00, s0;
	s24 =	sshll.u32 s11, $0x6;
	s15 =	sadd.s32 $0x9C000, s1  }
0xa: {  	p0 =	sne.s32 s11, $0x0;
	_ =	strace $0x8000004A;
	[dreg:$0x4] =	wrdreg s21  }
0xb: {  	s7 =	sshll.u32 s5, $0x4;
	s9 =	ssub.s32 $0x2, s5;
	s23 =	smul.u32 $0x13880, s5  }
0xc: {  	s14 =	smul.u32 $0x9C400, s5;
	s5 =	sor.u32 $0x1C0B, s24;
	s21 =	simm.s32 $0x8A20  }
0xd: {  	s24 =	simm.s32 $0x8;
	s7 =	sor.u32 s11, s7;
	s12 =	sshrl.u32 s9, $0x1  }
0xe: {  	s22 =	sshrl.u32 s10, $0x2;
	s7 =	smul.u32 $0x2710, s7;
	s12 =	ssub.s32 s9, s12  }
0xf: {  	s13 =	sadd.s32 s22, s1;
	s8 =	sadd.s32 s8, s23;
	s26 =	sshrl.u32 s14, $0x3  }
0x10: {  	s23 =	simm.s32 $0x9E20;
	s22 =	simm.s32 $0x6;
	s29 =	sadd.s32 s0, s8  }
0x11: {  	s0 =	sadd.s32 s0, s26;
	s31 =	smax.u32 s12, $0x1;
	s11 =	sshrl.u32 s13, $0x3  }
.Ltmp0:
0x12: {  	s12 =	simm.s32 $0xB;
	[dreg:$0x7] =	wrdreg s29;
	(pc) =	sbr.rel .LBB2_1-.Ltmp0, $4  }
0x13: {  	s7 =	sshrl.u32 s7, $0x3;
	s0 =	sadd.s32 $0x13800, s0;
	[dreg:$0x9] =	wrdreg s31  }
0x14: {  	s13 =	sshrl.u32 @!p0 s15, $0x3;
	s25 =	sadd.s32 s6, s7;
	[dreg:$0x8] =	wrdreg s0  }
0x15: {  	s15 =	simm.s32 $0x50;
	[dreg:$0x5] =	wrdreg s25;
	s2 =	sadd.s32 $0x9C40, s25  }
0x16: {  	s26 =	simm.s32 $0xA;
	s25 =	simm.s32 $0xB220;
	[dreg:$0x6] =	wrdreg s2  }
.LBB2_6:
0x17: {  	_ =	swait.ge [sflag:s20], $0x1400  }
0x18: {  	[sflag:s20] =	ssyncset.done $0x0  }
0x19: {  	s0 =	sadd.s32 $0x2850, s0;
	[sflag:s20] =	ssyncadd.s32 $0xFFFFEC00  }
0x1a: {  	[spmem:s1] =	stream.indirect.scatter.add.f32 [tilespmem:s23], [sflag:$0xB], $0x40, s0, s15, $0xb8;
	[tilespmem:$0x1B260] =	vst v63  }
0x1b: {  	_ =	swait.ge [sflag:s12], $0x1400  }
0x1c: {  	[sflag:s12] =	ssyncset.done $0x0  }
0x1d: {  	[sflag:s12] =	ssyncadd.s32 $0xFFFFEC00  }
.LBB2_4:
0x1e: {  	[bflag:$0x0] =	sbarrier.arrive $0xFFFF  }
0x1f: {  	s0 =	rddreg [dreg:$0x7]  }
0x20: {  	[hbm:s0], [sflag:s5] =	dma.local [spmem:s11], $0x1380  }
0x21: {  	_ =	swait.ge [sflag:s12], $0x1380  }
0x22: {  	[sflag:s12] =	ssyncset.done $0x0  }
0x23: {  	s0 =	rddreg [dreg:$0x8];
	[sflag:s12] =	ssyncadd.s32 $0xFFFFEC80  }
0x24: {  	[hbm:s0], [sflag:s5] =	dma.local @!p0 [spmem:s13], $0x80  }
0x25: {  	s0 =	simm.s32 @!p0 $0xB  }
0x26: {  	_ =	swait.ge @!p0 [sflag:s0], $0x80  }
0x27: {  	s28 =	sadd.s32 $0x1, s28;
	s2 =	rddreg [dreg:$0x9]  }
0x28: {  	p1 =	sne.s32 s28, s2  }
.Ltmp1:
0x29: {  	_ = 	snop;
	(pc) =	sbr.rel @!p1 .LBB2_5-.Ltmp1, $3  }
0x2a: {  	_ =	sdelay $0x1  }
0x2b: {  	[sflag:s0] =	ssyncset.done @!p0 $0x0  }
0x2c: {  	[sflag:s0] =	ssyncadd.s32 @!p0 $0xFFFFFF80  }
.LBB2_1:
0x2d: {  	s0 =	rddreg [dreg:$0x4]  }
0x2e: {  	[spmem:s11], [sflag:s5] =	dma.local [hbm:s0], $0x1380  }
0x2f: {  	_ =	swait.ge [sflag:s12], $0x1380  }
0x30: {  	[sflag:s12] =	ssyncset.done $0x0  }
0x31: {  	[sflag:s12] =	ssyncadd.s32 $0xFFFFEC80  }
0x32: {  	[spmem:s13], [sflag:s5] =	dma.local @!p0 [hbm:s0], $0x80  }
0x33: {  	s0 =	simm.s32 @!p0 $0xB  }
0x34: {  	_ =	swait.ge @!p0 [sflag:s0], $0x80  }
0x35: {  	[sflag:s0] =	ssyncset.done @!p0 $0x0  }
0x36: {  	s6 =	simm.s32 $0x0;
	s2 =	rddreg [dreg:$0x5];
	[sflag:s0] =	ssyncadd.s32 @!p0 $0xFFFFFF80  }
0x37: {  	[tilespmem:s6], [sflag:$0xB] =	stream.linear.gather [hbm4b:s2+s6], $0x2710, $0x38;
	[tilespmem:$0x1B260] =	vst v63  }
0x38: {  	_ =	swait.ge [sflag:s12], $0x2710  }
0x39: {  	[sflag:s12] =	ssyncset.done $0x0  }
0x3a: {  	s4 =	simm.s32 $0x2710;
	s7 =	rddreg [dreg:$0x6];
	[sflag:s12] =	ssyncadd.s32 $0xFFFFD8F0  }
0x3b: {  	[tilespmem:s4], [sflag:$0xB] =	stream.linear.gather [hbm4b:s7+s6], $0x2710, $0x38;
	[tilespmem:$0x1B260] =	vst v63  }
0x3c: {  	_ =	swait.ge [sflag:s12], $0x2710  }
0x3d: {  	[sflag:s12] =	ssyncset.done $0x0  }
0x3e: {  	[sflag:s12] =	ssyncadd.s32 $0xFFFFD8F0  }
0x3f: {  	[bflag:$0x0] =	sbarrier.arrive $0xFFFF  }
0x40: {  	[tilespmem:s16], [sflag:$0x1] =	stream.indirect.gather [hbm4b:s3+s15], $0x40, s6, s15, $0xb8;
	[tilespmem:$0x1B260] =	vst v63  }
0x41: {  	s8 =	simm.s32 $0x6220  }
0x42: {  	[tilespmem:s8], [sflag:$0x2] =	stream.indirect.gather [hbm4b:s3+s15], $0x40, s15, s15, $0xb8;
	[tilespmem:$0x1B260] =	vst v63  }
0x43: {  	s9 =	simm.s32 $0xA0;
	s10 =	simm.s32 $0x7620  }
0x44: {  	[tilespmem:s10], [sflag:$0x3] =	stream.indirect.gather [hbm4b:s3+s15], $0x40, s9, s15, $0xb8;
	[tilespmem:$0x1B260] =	vst v63  }
0x45: {  	s14 =	simm.s32 $0xF0  }
0x46: {  	[tilespmem:s21], [sflag:$0x4] =	stream.indirect.gather [hbm4b:s3+s15], $0x40, s14, s15, $0xb8;
	[tilespmem:$0x1B260] =	vst v63  }
0x47: {  	s2 =	simm.s32 $0x140  }
0x48: {  	[tilespmem:s23], [sflag:$0x5] =	stream.indirect.gather [hbm4b:s3+s15], $0x40, s2, s15, $0xb8;
	[tilespmem:$0x1B260] =	vst v63  }
0x49: {  	s4 =	simm.s32 $0x190  }
0x4a: {  	[tilespmem:s25], [sflag:$0x6] =	stream.indirect.gather [hbm4b:s3+s15], $0x40, s4, s15, $0xb8;
	[tilespmem:$0x1B260] =	vst v63  }
0x4b: {  	s7 =	simm.s32 $0xC620;
	s6 =	simm.s32 $0x1E0  }
0x4c: {  	[tilespmem:s7], [sflag:$0x7] =	stream.indirect.gather [hbm4b:s3+s15], $0x40, s6, s15, $0xb8;
	[tilespmem:$0x1B260] =	vst v63  }
0x4d: {  	s8 =	simm.s32 $0x230  }
0x4e: {  	[tilespmem:s30], [sflag:$0x8] =	stream.indirect.gather [hbm4b:s3+s15], $0x40, s8, s15, $0xb8;
	[tilespmem:$0x1B260] =	vst v63  }
0x4f: {  	s9 =	simm.s32 $0x280;
	s10 =	simm.s32 $0xEE20  }
0x50: {  	[tilespmem:s10], [sflag:$0x9] =	stream.indirect.gather [hbm4b:s3+s15], $0x40, s9, s15, $0xb8;
	[tilespmem:$0x1B260] =	vst v63  }
0x51: {  	s29 =	simm.s32 $0x0;
	s31 =	simm.s32 $0x0;
	s14 =	simm.s32 $0x2D0  }
0x52: {  	[tilespmem:s17], [sflag:$0xA] =	stream.indirect.gather [hbm4b:s3+s15], $0x40, s14, s15, $0xb8;
	[tilespmem:$0x1B260] =	vst v63  }
.LBB2_2:
0x53: {  	_ =	swait.ge [sflag:s18], $0x1400  }
0x54: {  	s0 =	sshra.s32 s29, $0x2;
	[sflag:s18] =	ssyncset.done $0x0  }
0x55: {  	s14 =	sadd.s32 $0x2710, s0;
	[sflag:s18] =	ssyncadd.s32 $0xFFFFEC00  }
0x56: {  	[spmem:s1] =	stream.indirect.scatter.add.f32 [tilespmem:s16], [sflag:$0xB], $0x40, s14, s15, $0xb8;
	[tilespmem:$0x1B260] =	vst v63  }
0x57: {  	_ =	swait.ge [sflag:s12], $0x1400  }
0x58: {  	p1 =	seq.s32 s29, $0x9600;
	[sflag:s12] =	ssyncset.done $0x0  }
0x59: {  	s14 =	simm.s32 @p1 $0x2;
	[sflag:s12] =	ssyncadd.s32 $0xFFFFEC00  }
0x5a: {  	_ =	swait.ge @p1 [sflag:s14], $0x1400  }
0x5b: {  	s7 =	simm.s32 @p1 $0x4CE0;
	[sflag:s14] =	ssyncset.done @p1 $0x0  }
0x5c: {  	s8 =	simm.s32 @p1 $0x6220;
	[sflag:s14] =	ssyncadd.s32 @p1 $0xFFFFEC00;
	s14 =	simm.s32 @p1 $0x50  }
0x5d: {  	[spmem:s1] =	stream.indirect.scatter.add.f32 @p1 [tilespmem:s8], [sflag:$0xB], $0x40, s7, s14, $0xb8;
	[tilespmem:$0x1B260] =	vst v63  }
0x5e: {  	s7 =	simm.s32 @p1 $0xB  }
0x5f: {  	_ =	swait.ge @p1 [sflag:s7], $0x1400  }
0x60: {  	[sflag:s7] =	ssyncset.done @p1 $0x0  }
0x61: {  	s8 =	simm.s32 @p1 $0x3;
	[sflag:s7] =	ssyncadd.s32 @p1 $0xFFFFEC00  }
0x62: {  	_ =	swait.ge @p1 [sflag:s8], $0x1400  }
0x63: {  	s9 =	sshra.s32 @p1 s29, $0x2;
	[sflag:s8] =	ssyncset.done @p1 $0x0  }
0x64: {  	[sflag:s8] =	ssyncadd.s32 @p1 $0xFFFFEC00;
	s8 =	sadd.s32 @p1 $0x27B0, s9;
	s9 =	simm.s32 @p1 $0x7620  }
0x65: {  	[spmem:s1] =	stream.indirect.scatter.add.f32 @p1 [tilespmem:s9], [sflag:$0xB], $0x40, s8, s14, $0xb8;
	[tilespmem:$0x1B260] =	vst v63  }
0x66: {  	_ =	swait.ge @p1 [sflag:s7], $0x1400  }
0x67: {  	[sflag:s7] =	ssyncset.done @p1 $0x0  }
0x68: {  	[sflag:s7] =	ssyncadd.s32 @p1 $0xFFFFEC00;
	s7 =	sshra.s32 @!p1 s29, $0x2  }
0x69: {  	s9 =	simm.s32 @!p1 $0x50;
	s14 =	simm.s32 @!p1 $0x4E20;
	s8 =	sadd.s32 @!p1 $0x320, s7  }
0x6a: {  	[tilespmem:s14], [sflag:$0x1] =	stream.indirect.gather @!p1 [hbm4b:s3+s9], $0x40, s8, s9, $0xb8;
	[tilespmem:$0x1B260] =	vst v63  }
0x6b: {  	s8 =	simm.s32 @!p1 $0x2  }
0x6c: {  	_ =	swait.ge @!p1 [sflag:s8], $0x1400  }
0x6d: {  	[sflag:s8] =	ssyncset.done @!p1 $0x0  }
0x6e: {  	s14 =	simm.s32 @!p1 $0x6220;
	[sflag:s8] =	ssyncadd.s32 @!p1 $0xFFFFEC00;
	s8 =	sadd.s32 @!p1 $0x2760, s7  }
0x6f: {  	[spmem:s1] =	stream.indirect.scatter.add.f32 @!p1 [tilespmem:s14], [sflag:$0xB], $0x40, s8, s9, $0xb8;
	[tilespmem:$0x1B260] =	vst v63  }
0x70: {  	s8 =	simm.s32 @!p1 $0xB  }
0x71: {  	_ =	swait.ge @!p1 [sflag:s8], $0x1400  }
0x72: {  	[sflag:s8] =	ssyncset.done @!p1 $0x0  }
0x73: {  	s10 =	sadd.s32 @!p1 $0x370, s7;
	[sflag:s8] =	ssyncadd.s32 @!p1 $0xFFFFEC00  }
0x74: {  	[tilespmem:s14], [sflag:$0x2] =	stream.indirect.gather @!p1 [hbm4b:s3+s9], $0x40, s10, s9, $0xb8;
	[tilespmem:$0x1B260] =	vst v63  }
0x75: {  	s10 =	simm.s32 @!p1 $0x3  }
0x76: {  	_ =	swait.ge @!p1 [sflag:s10], $0x1400  }
0x77: {  	[sflag:s10] =	ssyncset.done @!p1 $0x0  }
0x78: {  	s14 =	simm.s32 @!p1 $0x7620;
	[sflag:s10] =	ssyncadd.s32 @!p1 $0xFFFFEC00;
	s10 =	sadd.s32 @!p1 $0x27B0, s7  }
0x79: {  	[spmem:s1] =	stream.indirect.scatter.add.f32 @!p1 [tilespmem:s14], [sflag:$0xB], $0x40, s10, s9, $0xb8;
	[tilespmem:$0x1B260] =	vst v63  }
0x7a: {  	_ =	swait.ge @!p1 [sflag:s8], $0x1400  }
0x7b: {  	[sflag:s8] =	ssyncset.done @!p1 $0x0  }
0x7c: {  	s7 =	sadd.s32 @!p1 $0x3C0, s7;
	[sflag:s8] =	ssyncadd.s32 @!p1 $0xFFFFEC00  }
0x7d: {  	[tilespmem:s14], [sflag:$0x3] =	stream.indirect.gather @!p1 [hbm4b:s3+s9], $0x40, s7, s9, $0xb8;
	[tilespmem:$0x1B260] =	vst v63  }
0x7e: {  	_ =	swait.ge [sflag:s19], $0x1400  }
0x7f: {  	[sflag:s19] =	ssyncset.done $0x0  }
.Ltmp2:
0x80: {  	s14 =	sadd.s32 $0x2800, s0;
	[sflag:s19] =	ssyncadd.s32 $0xFFFFEC00;
	(pc) =	sbr.rel @p1 .LBB2_6-.Ltmp2, $4  }
0x81: {  	[spmem:s1] =	stream.indirect.scatter.add.f32 [tilespmem:s21], [sflag:$0xB], $0x40, s14, s15, $0xb8;
	[tilespmem:$0x1B260] =	vst v63  }
0x82: {  	_ =	swait.ge [sflag:s12], $0x1400  }
0x83: {  	[sflag:s12] =	ssyncset.done $0x0  }
0x84: {  	[sflag:s12] =	ssyncadd.s32 $0xFFFFEC00  }
0x85: {  	s7 =	sadd.s32 $0x410, s0  }
0x86: {  	[tilespmem:s21], [sflag:$0x4] =	stream.indirect.gather [hbm4b:s3+s15], $0x40, s7, s15, $0xb8;
	[tilespmem:$0x1B260] =	vst v63  }
0x87: {  	_ =	swait.ge [sflag:s20], $0x1400  }
0x88: {  	[sflag:s20] =	ssyncset.done $0x0  }
0x89: {  	s8 =	sadd.s32 $0x2850, s0;
	[sflag:s20] =	ssyncadd.s32 $0xFFFFEC00  }
0x8a: {  	[spmem:s1] =	stream.indirect.scatter.add.f32 [tilespmem:s23], [sflag:$0xB], $0x40, s8, s15, $0xb8;
	[tilespmem:$0x1B260] =	vst v63  }
0x8b: {  	_ =	swait.ge [sflag:s12], $0x1400  }
0x8c: {  	[sflag:s12] =	ssyncset.done $0x0  }
0x8d: {  	s9 =	sadd.s32 $0x460, s0;
	[sflag:s12] =	ssyncadd.s32 $0xFFFFEC00  }
0x8e: {  	[tilespmem:s23], [sflag:$0x5] =	stream.indirect.gather [hbm4b:s3+s15], $0x40, s9, s15, $0xb8;
	[tilespmem:$0x1B260] =	vst v63  }
0x8f: {  	_ =	swait.ge [sflag:s22], $0x1400  }
0x90: {  	[sflag:s22] =	ssyncset.done $0x0  }
0x91: {  	s10 =	sadd.s32 $0x28A0, s0;
	[sflag:s22] =	ssyncadd.s32 $0xFFFFEC00  }
0x92: {  	[spmem:s1] =	stream.indirect.scatter.add.f32 [tilespmem:s25], [sflag:$0xB], $0x40, s10, s15, $0xb8;
	[tilespmem:$0x1B260] =	vst v63  }
0x93: {  	_ =	swait.ge [sflag:s12], $0x1400  }
0x94: {  	p1 =	sgt.u32 s31, $0xA;
	[sflag:s12] =	ssyncset.done $0x0  }
0x95: {  	s7 =	simm.s32 @p1 $0x7;
	[sflag:s12] =	ssyncadd.s32 $0xFFFFEC00  }
0x96: {  	_ =	swait.ge @p1 [sflag:s7], $0x1400  }
0x97: {  	[sflag:s7] =	ssyncset.done @p1 $0x0  }
0x98: {  	[sflag:s7] =	ssyncadd.s32 @p1 $0xFFFFEC00;
	s7 =	sshra.s32 @p1 s29, $0x2  }
0x99: {  	s9 =	simm.s32 @p1 $0x50;
	s10 =	simm.s32 @p1 $0xC620;
	s8 =	sadd.s32 @p1 $0x28F0, s7  }
0x9a: {  	[spmem:s1] =	stream.indirect.scatter.add.f32 @p1 [tilespmem:s10], [sflag:$0xB], $0x40, s8, s9, $0xb8;
	[tilespmem:$0x1B260] =	vst v63  }
0x9b: {  	s8 =	simm.s32 @p1 $0xB  }
0x9c: {  	_ =	swait.ge @p1 [sflag:s8], $0x1400  }
0x9d: {  	s6 =	simm.s32 @!p1 $0x50;
	s10 =	sshra.s32 @!p1 s29, $0x2;
	[sflag:s8] =	ssyncset.done @p1 $0x0  }
0x9e: {  	s2 =	simm.s32 @!p1 $0xB220;
	s14 =	sadd.s32 @!p1 $0x4B0, s10;
	[sflag:s8] =	ssyncadd.s32 @p1 $0xFFFFEC00  }
0x9f: {  	[tilespmem:s2], [sflag:$0x6] =	stream.indirect.gather @!p1 [hbm4b:s3+s6], $0x40, s14, s6, $0xb8;
	[tilespmem:$0x1B260] =	vst v63  }
0xa0: {  	s2 =	simm.s32 @!p1 $0x7  }
0xa1: {  	_ =	swait.ge @!p1 [sflag:s2], $0x1400  }
0xa2: {  	[sflag:s2] =	ssyncset.done @!p1 $0x0  }
0xa3: {  	s14 =	simm.s32 @!p1 $0xC620;
	[sflag:s2] =	ssyncadd.s32 @!p1 $0xFFFFEC00;
	s2 =	sadd.s32 @!p1 $0x28F0, s10  }
0xa4: {  	[spmem:s1] =	stream.indirect.scatter.add.f32 @!p1 [tilespmem:s14], [sflag:$0xB], $0x40, s2, s6, $0xb8;
	[tilespmem:$0x1B260] =	vst v63  }
0xa5: {  	s2 =	simm.s32 @!p1 $0xB  }
0xa6: {  	_ =	swait.ge @!p1 [sflag:s2], $0x1400  }
0xa7: {  	[sflag:s2] =	ssyncset.done @!p1 $0x0  }
0xa8: {  	s4 =	sadd.s32 @!p1 $0x500, s10;
	[sflag:s2] =	ssyncadd.s32 @!p1 $0xFFFFEC00  }
0xa9: {  	[tilespmem:s14], [sflag:$0x7] =	stream.indirect.gather @!p1 [hbm4b:s3+s6], $0x40, s4, s6, $0xb8;
	[tilespmem:$0x1B260] =	vst v63  }
0xaa: {  	_ =	swait.ge [sflag:s24], $0x1400  }
0xab: {  	[sflag:s24] =	ssyncset.done $0x0  }
0xac: {  	s14 =	sadd.s32 $0x2940, s0;
	[sflag:s24] =	ssyncadd.s32 $0xFFFFEC00  }
0xad: {  	[spmem:s1] =	stream.indirect.scatter.add.f32 [tilespmem:s30], [sflag:$0xB], $0x40, s14, s15, $0xb8;
	[tilespmem:$0x1B260] =	vst v63  }
0xae: {  	_ =	swait.ge [sflag:s12], $0x1400  }
0xaf: {  	[sflag:s12] =	ssyncset.done $0x0  }
0xb0: {  	s4 =	simm.s32 @p1 $0x9;
	[sflag:s12] =	ssyncadd.s32 $0xFFFFEC00  }
0xb1: {  	_ =	swait.ge @p1 [sflag:s4], $0x1400  }
0xb2: {  	[sflag:s4] =	ssyncset.done @p1 $0x0  }
0xb3: {  	[sflag:s4] =	ssyncadd.s32 @p1 $0xFFFFEC00;
	s4 =	sadd.s32 @p1 $0x2990, s7;
	s7 =	simm.s32 @p1 $0xEE20  }
0xb4: {  	[spmem:s1] =	stream.indirect.scatter.add.f32 @p1 [tilespmem:s7], [sflag:$0xB], $0x40, s4, s9, $0xb8;
	[tilespmem:$0x1B260] =	vst v63  }
0xb5: {  	_ =	swait.ge @p1 [sflag:s8], $0x1400  }
0xb6: {  	[sflag:s8] =	ssyncset.done @p1 $0x0  }
0xb7: {  	s4 =	sadd.s32 @!p1 $0x550, s10;
	s7 =	simm.s32 @!p1 $0xDA20;
	[sflag:s8] =	ssyncadd.s32 @p1 $0xFFFFEC00  }
0xb8: {  	[tilespmem:s7], [sflag:$0x8] =	stream.indirect.gather @!p1 [hbm4b:s3+s6], $0x40, s4, s6, $0xb8;
	[tilespmem:$0x1B260] =	vst v63  }
0xb9: {  	s4 =	simm.s32 @!p1 $0x9  }
0xba: {  	_ =	swait.ge @!p1 [sflag:s4], $0x1400  }
0xbb: {  	[sflag:s4] =	ssyncset.done @!p1 $0x0  }
0xbc: {  	s7 =	simm.s32 @!p1 $0xEE20;
	[sflag:s4] =	ssyncadd.s32 @!p1 $0xFFFFEC00;
	s4 =	sadd.s32 @!p1 $0x2990, s10  }
0xbd: {  	[spmem:s1] =	stream.indirect.scatter.add.f32 @!p1 [tilespmem:s7], [sflag:$0xB], $0x40, s4, s6, $0xb8;
	[tilespmem:$0x1B260] =	vst v63  }
0xbe: {  	_ =	swait.ge @!p1 [sflag:s2], $0x1400  }
0xbf: {  	[sflag:s2] =	ssyncset.done @!p1 $0x0  }
0xc0: {  	[sflag:s2] =	ssyncadd.s32 @!p1 $0xFFFFEC00;
	s2 =	sadd.s32 @!p1 $0x5A0, s10  }
0xc1: {  	[tilespmem:s7], [sflag:$0x9] =	stream.indirect.gather @!p1 [hbm4b:s3+s6], $0x40, s2, s6, $0xb8;
	[tilespmem:$0x1B260] =	vst v63  }
0xc2: {  	_ =	swait.ge [sflag:s26], $0x1400  }
0xc3: {  	[sflag:s26] =	ssyncset.done $0x0  }
0xc4: {  	s14 =	sadd.s32 $0x29E0, s0;
	[sflag:s26] =	ssyncadd.s32 $0xFFFFEC00  }
0xc5: {  	[spmem:s1] =	stream.indirect.scatter.add.f32 [tilespmem:s17], [sflag:$0xB], $0x40, s14, s15, $0xb8;
	[tilespmem:$0x1B260] =	vst v63  }
0xc6: {  	_ =	swait.ge [sflag:s12], $0x1400  }
0xc7: {  	s29 =	sadd.s32 $0xC80, s29;
	[sflag:s12] =	ssyncset.done $0x0  }
0xc8: {  	s0 =	sadd.s32 @!p1 $0x5F0, s10;
	s2 =	simm.s32 @!p1 $0x10220;
	[sflag:s12] =	ssyncadd.s32 $0xFFFFEC00  }
0xc9: {  	[tilespmem:s2], [sflag:$0xA] =	stream.indirect.gather @!p1 [hbm4b:s3+s6], $0x40, s0, s6, $0xb8;
	[tilespmem:$0x1B260] =	vst v63  }
0xca: {  	p1 =	sne.s32 s29, $0xA280  }
.Ltmp3:
0xcb: {  	_ = 	snop;
	(pc) =	sbr.rel @p1 .LBB2_2-.Ltmp3, $4  }
.Ltmp4:
0xcc: {  	_ = 	snop;
	(pc) =	sbr.rel @!p1 .LBB2_4-.Ltmp4, $4  }
0xcd: {  	_ = 	snop  }
0xce: {  	_ = 	snop  }
0xcf: {  	s31 =	sadd.s32 $0x1, s31  }
0xd0: {  	_ = 	snop  }
.LBB2_5:
0xd1: {  	_ =	sfence.sel $0x180000  }
0xd2: {  	[bflag:$0x0] =	sbarrier.arrive $0xFFFF  }
0xd3: {  	_ =	strace $0x9000004A  }
0xd4: {  	[bflag:$0x2] =	sbarrier.arrive $0xFFFF  }
0xd5: {  	s0 =	rddreg [dreg:$0x3]  }
0xd6: {  	s0 =	sadd.s32 @!p0 $0x100000, s0  }
0xd7: {  	[sflag:s0] =	ssyncadd.tile.s32 @!p0 $0x1;
	_ =	shalt  }
.Lfunc_end2:
_tile_overlayer_lowered:
.L_overlay_start_2:
0xd8: {  	(tag) =	ssettag $0x2  }
0xd9: {  	s0 =	rddreg [dreg:$0x0];
	s2 =	stileid.u32  }
0xda: {  	s1 =	rddreg [dreg:$0x1];
	p0 =	sne.s32 s2, $0x0  }
0xdb: {  	s3 =	rddreg [dreg:$0x2];
	[bflag:$0x3] =	sbarrier.arrive $0xFFFF;
	s2 =	simm.s32 @!p0 $0x1C0B  }
0xdc: {  	[timem:s3], [sflag:s2] =	dma.local @!p0 [hbm:s0], s1  }
0xdd: {  	s0 =	simm.s32 @!p0 $0xB  }
0xde: {  	_ =	swait.ge @!p0 [sflag:s0], s1  }
0xdf: {  	s1 =	ssub.s32 @!p0 $0x0, s1;
	[sflag:s0] =	ssyncset.done @!p0 $0x0  }
0xe0: {  	[sflag:s0] =	ssyncadd.s32 @!p0 s1  }
0xe1: {  	[bflag:$0x3] =	sbarrier.arrive $0xFFFF  }
0xe2: {  	_ =	shalt  }

// kernel: kernel.7.cloned.1.call-start
scs
__scs_entry_jumppad:
0x0: {  	(pc) =	sbr.rel $0x88, $3  }
0x1: {  	(tag) =	ssettag $0x0;
	lr =	simm.s32 $0x1  }
0x2: {  	[smem:$0x3F95] =	sst lr;
	_ =	strace $0xD0000000  }
0x3: {  	_ = 	snop  }
0x4: {  	_ = 	snop  }
0x5: {  	_ = 	snop  }
0x6: {  	_ = 	snop  }
0x7: {  	_ = 	snop  }
__scs_overlays_trampoline_lowered:
0x8: {  	[smem:$0x3FA4] =	sst s0  }
0x9: {  	[smem:$0x3FA5] =	sst s1  }
0xa: {  	[smem:$0x3FA6] =	sst s2  }
0xb: {  	[smem:$0x3FA7] =	sst s3  }
0xc: {  	[smem:$0x3FA8] =	sst s4  }
0xd: {  	[smem:$0x3FA9] =	sst s5  }
0xe: {  	[smem:$0x3FAA] =	sst s6  }
0xf: {  	[smem:$0x3FAB] =	sst s7  }
0x10: {  	[smem:$0x3FAC] =	sst s8  }
0x11: {  	[smem:$0x3FAD] =	sst s9;
	s0 =	simm.s32 @!p0 $0x0  }
0x12: {  	s1 =	sld [smem:$0x3F93];
	s0 =	simm.s32 @p0 $0x1  }
0x13: {  	[smem:$0x3FAE] =	sst s0;
	s0 =	simm.s32 @!p1 $0x0  }
0x14: {  	s2 =	sld [smem:$0x3F92];
	s0 =	simm.s32 @p1 $0x1  }
0x15: {  	[smem:$0x3FAF] =	sst s0;
	s0 =	simm.s32 @!p2 $0x0  }
0x16: {  	s3 =	sld [smem:$0x3FDB];
	s0 =	simm.s32 @p2 $0x1  }
0x17: {  	s4 =	simm.s32 $0x1BF5;
	[smem:$0x3FB1] =	sst s0  }
0x18: {  	s0 =	sld [smem:$0x3F94];
	_ =	swait.ge [sflag:s4], $0x0  }
0x19: {  	s7 =	sld [smem:$0x3F95]  }
0x1a: {  	s8 =	sadd.s32 $0xFFFFE003, lr  }
0x1b: {  	s9 =	sadd.s32 $0xFFFFFEF7, lr;
	s5 =	simm.s32 $0xFFFFFFFF;
	p2 =	slt.u32 s8, $0xFFFFF086  }
0x1c: {  	p1 =	slt.u32 s9, $0xF7A;
	s5 =	simm.s32 @!p2 $0x0  }
0x1d: {  	s5 =	simm.s32 @p1 $0x1;
	p0 =	seq.s32 s7, s2  }
0x1e: {  	s7 =	smul.u32 @!p0 $0xF7A, s2;
	p2 =	seq.s32 @!p0 s5, $0x0  }
0x1f: {  	s9 =	smul.u32 $0xF7A, s1;
	s8 =	simm.s32 @!p0 $0x1BF5;
	p2 =	por !p2, p0  }
0x20: {  	[sflag:s8] =	ssyncset.s32 @!p0 $0xFFFFF086;
	s6 =	sadd.s32 @!p0 s3, s7;
	s7 =	simm.s32 @!p0 $0x108  }
0x21: {  	s3 =	sadd.s32 s3, s9;
	s6 =	sadd.s32 @!p0 $0x88, s6;
	s7 =	simm.s32 @p2 $0x1082  }
0x22: {  	[simem:s7], [sflag:s8] =	dma.local @!p0 [hbm:s6], $0xF7A  }
0x23: {  	s9 =	sor.u32 $0xD0000000, s2;
	s6 =	simm.s32 $0x108;
	_ =	swait.ge @!p0 [sflag:s8], $0x0  }
0x24: {  	s3 =	sadd.s32 $0x88, s3;
	s6 =	simm.s32 @!p1 $0x1082;
	[sflag:s4] =	ssyncset.s32 $0xFFFFF086  }
0x25: {  	[simem:s6], [sflag:s4] =	dma.local [hbm:s3], $0xF7A  }
0x26: {  	[smem:$0x3F95] =	sst s1;
	(tag) =	ssettag s2;
	_ =	strace s9  }
0x27: {  	s1 =	sld [smem:$0x3FA5]  }
0x28: {  	s2 =	sld [smem:$0x3FA6]  }
0x29: {  	s4 =	sld [smem:$0x3FA8]  }
0x2a: {  	p0 =	seq.s32 s5, $0x0;
	s5 =	sld [smem:$0x3FA9]  }
0x2b: {  	s6 =	sld [smem:$0x3FAA]  }
0x2c: {  	s7 =	sld [smem:$0x3FAB]  }
0x2d: {  	s3 =	simm.s32 $0x108;
	s8 =	sld [smem:$0x3FAC]  }
0x2e: {  	s3 =	simm.s32 @!p0 $0x1082;
	s9 =	sld [smem:$0x3FAD]  }
0x2f: {  	lr =	sadd.s32 s0, s3;
	s0 =	sld [smem:$0x3FA4]  }
0x30: {  	s3 =	sld [smem:$0x3FA7]  }
0x31: {  	[smem:$0x3FB0] =	sst s10  }
0x32: {  	s10 =	sld [smem:$0x3FAE];
	_ =	sdelay $0x3  }
0x33: {  	p0 =	seq.s32 s10, $0x1;
	s10 =	sld [smem:$0x3FB0];
	_ =	sdelay $0x3  }
0x34: {  	[smem:$0x3FB0] =	sst s10  }
0x35: {  	s10 =	sld [smem:$0x3FAF];
	_ =	sdelay $0x3  }
0x36: {  	p1 =	seq.s32 s10, $0x1;
	s10 =	sld [smem:$0x3FB0];
	_ =	sdelay $0x3  }
0x37: {  	[smem:$0x3FB0] =	sst s10  }
0x38: {  	s10 =	sld [smem:$0x3FB1]  }
0x39: {  	_ = 	snop;
	(pc) =	sbr.ind lr, $3  }
0x3a: {  	_ = 	snop  }
0x3b: {  	_ = 	snop  }
0x3c: {  	p2 =	seq.s32 s10, $0x1;
	s10 =	sld [smem:$0x3FB0]  }
0x3d: {  	_ =	shalt  }
0x3e: {  	_ =	shalt  }
0x3f: {  	_ =	shalt  }
0x40: {  	_ =	shalt  }
0x41: {  	_ =	shalt  }
0x42: {  	_ =	shalt  }
0x43: {  	_ =	shalt  }
0x44: {  	_ =	shalt  }
0x45: {  	_ =	shalt  }
0x46: {  	_ =	shalt  }
0x47: {  	_ =	shalt  }
0x48: {  	_ =	shalt  }
0x49: {  	_ =	shalt  }
0x4a: {  	_ =	shalt  }
0x4b: {  	_ =	shalt  }
0x4c: {  	_ =	shalt  }
0x4d: {  	_ =	shalt  }
0x4e: {  	_ =	shalt  }
0x4f: {  	_ =	shalt  }
0x50: {  	_ =	shalt  }
0x51: {  	_ =	shalt  }
0x52: {  	_ =	shalt  }
0x53: {  	_ =	shalt  }
0x54: {  	_ =	shalt  }
0x55: {  	_ =	shalt  }
0x56: {  	_ =	shalt  }
0x57: {  	_ =	shalt  }
0x58: {  	_ =	shalt  }
0x59: {  	_ =	shalt  }
0x5a: {  	_ =	shalt  }
0x5b: {  	_ =	shalt  }
0x5c: {  	_ =	shalt  }
0x5d: {  	_ =	shalt  }
0x5e: {  	_ =	shalt  }
0x5f: {  	_ =	shalt  }
0x60: {  	_ =	shalt  }
0x61: {  	_ =	shalt  }
0x62: {  	_ =	shalt  }
0x63: {  	_ =	shalt  }
0x64: {  	_ =	shalt  }
0x65: {  	_ =	shalt  }
0x66: {  	_ =	shalt  }
0x67: {  	_ =	shalt  }
0x68: {  	_ =	shalt  }
0x69: {  	_ =	shalt  }
0x6a: {  	_ =	shalt  }
0x6b: {  	_ =	shalt  }
0x6c: {  	_ =	shalt  }
0x6d: {  	_ =	shalt  }
0x6e: {  	_ =	shalt  }
0x6f: {  	_ =	shalt  }
0x70: {  	_ =	shalt  }
0x71: {  	_ =	shalt  }
0x72: {  	_ =	shalt  }
0x73: {  	_ =	shalt  }
0x74: {  	_ =	shalt  }
0x75: {  	_ =	shalt  }
0x76: {  	_ =	shalt  }
0x77: {  	_ =	shalt  }
0x78: {  	_ =	shalt  }
0x79: {  	_ =	shalt  }
0x7a: {  	_ =	shalt  }
0x7b: {  	_ =	shalt  }
0x7c: {  	_ =	shalt  }
0x7d: {  	_ =	shalt  }
0x7e: {  	_ =	shalt  }
0x7f: {  	_ =	shalt  }
0x80: {  	_ =	shalt  }
0x81: {  	_ =	shalt  }
0x82: {  	_ =	shalt  }
0x83: {  	_ =	shalt  }
0x84: {  	_ =	shalt  }
0x85: {  	_ =	shalt  }
0x86: {  	_ =	shalt  }
0x87: {  	_ =	shalt  }
.Lfunc_end0:
.L_simem_size_0:
called_computation_lowered:
.L_overlay_start_0:
0x88: {  	s2 =	sld [smem:$0x3FD9]  }
0x89: {  	s3 =	sld [smem:$0x3FFE];
	_ =	sdelay $0x1  }
0x8a: {  	s1 =	srdreg.scid  }
0x8b: {  	s0 =	sand.u32 $0x1, s1  }
0x8c: {  	s14 =	sshll.u32 s0, $0xA;
	s2 =	sadd.s32 s3, s2  }
0x8d: {  	s2 =	sadd.s32 s2, s14  }
0x8e: {  	[smem:$0x3FBC] =	sst s2  }
0x8f: {  	_ = 	snop  }
0x90: {  	s2 =	sld [smem:$0x3FD0];
	_ =	sdelay $0x2  }
0x91: {  	s15 =	simm.s32 $0xA;
	s4 =	simm.s32 $0x10  }
0x92: {  	[smem:s4], [sflag:s15] =	dma.local [hbm:s2], $0x1  }
0x93: {  	_ =	swait.eq [sflag:s15], $0x1  }
0x94: {  	[sflag:s15] =	ssyncset.done $0x0  }
0x95: {  	s16 =	sld [smem:$0x10];
	[sflag:s15] =	ssyncadd.s32 $0xFFFFFFFF  }
0x96: {  	s17 =	sld [smem:$0x11];
	(tm) =	ssettm $0x1  }
0x97: {  	s18 =	sld [smem:$0x3FFB];
	_ =	sdelay $0x3  }
0x98: {  	_ =	strace s18  }
0x99: {  	s4 =	sld [smem:$0x3FFC];
	_ =	sdelay $0x3  }
0x9a: {  	_ =	strace s4  }
0x9b: {  	s4 =	sld [smem:$0x3FFD];
	_ =	sdelay $0x3  }
0x9c: {  	_ =	strace s4  }
0x9d: {  	_ =	strace $0x8FFFFFFF  }
0x9e: {  	s19 =	sld [smem:$0x3FDB];
	_ =	sdelay $0x1  }
0x9f: {  	s5 =	simm.s32 $_scs_section_size  }
0xa0: {  	s6 =	simm.s32 $_size__tile_overlayer_lowered;
	s7 =	simm.s32 $_tile_overlayer_lowered  }
0xa1: {  	s22 =	simm.s32 $0x1BFF;
	s21 =	sshll.u32 s7, $0x1;
	s4 =	sadd.s32 s5, s19  }
0xa2: {  	s8 =	simm.s32 $0x0;
	s20 =	sshll.u32 s6, $0x1;
	s6 =	sadd.s32 s21, s4  }
0xa3: {  	[timem:s8], [sflag:s22] =	dma.local [hbm:s6], s20  }
0xa4: {  	_ =	swait.ge [sflag:s22], s20  }
0xa5: {  	s5 =	ssub.s32 $0x0, s20;
	[sflag:s22] =	ssyncset.done $0x0  }
0xa6: {  	[sflag:s22] =	ssyncadd.s32 s5;
	_ =	sdelay $0x1  }
0xa7: {  	s23 =	simm.s32 $0x1B8B  }
0xa8: {  	_ =	swait.ge [sflag:s23], $0x1  }
0xa9: {  	[sflag:s23] =	ssyncset.done $0x0  }
0xaa: {  	s25 =	simm.s32 $0x1B8E;
	s24 =	sld [smem:$0x3FFE];
	[sflag:s23] =	ssyncadd.s32 $0xFFFFFFFF  }
0xab: {  	s26 =	simm.s32 $execute0_lowered;
	[smem:$0x3FD2] =	sst s25  }
0xac: {  	s6 =	sshll.u32 s26, $0x1;
	_ =	strace $0x80000046;
	[dreg:$0x1] =	wrdreg $0xFFFFFFFF  }
0xad: {  	s28 =	simm.s32 $_size_execute0_lowered;
	s4 =	sadd.s32 s4, s6;
	[dreg:$0x0] =	wrdreg $0x0  }
0xae: {  	s6 =	sshll.u32 s28, $0x1;
	[dreg:$0x2] =	wrdreg s4  }
0xaf: {  	[dreg:$0x3] =	wrdreg s6  }
0xb0: {  	[dreg:$0x4] =	wrdreg $0xC0  }
0xb1: {  	_ =	task [dreg:s8], $0x5FFFF  }
0xb2: {  	[dreg:$0x1] =	wrdreg $0xFFFFFFFF  }
0xb3: {  	[dreg:$0x0] =	wrdreg $0x60  }
0xb4: {  	[dreg:$0x2] =	wrdreg s17  }
0xb5: {  	[dreg:$0x3] =	wrdreg s16  }
0xb6: {  	[dreg:$0x4] =	wrdreg s24  }
0xb7: {  	[dreg:$0x5] =	wrdreg $0x116200  }
0xb8: {  	[dreg:$0x6] =	wrdreg $0x9  }
0xb9: {  	_ =	task.clear_ibuf [dreg:s8], $0x7FFFF;
	_ =	strace $0x90000046  }
0xba: {  	s29 =	simm.s32 $0x9;
	_ =	strace $0x80000048  }
0xbb: {  	_ =	swait.ge [sflag:s29], $0x1  }
0xbc: {  	[sflag:s29] =	ssyncadd.s32 $0xFFFFFFFF  }
0xbd: {  	_ =	strace $0x90000048  }
0xbe: {  	_ =	sfence  }
0xbf: {  	s30 =	sld [smem:$0x0];
	_ =	sdelay $0x2  }
0xc0: {  	s31 =	sshll.u32 s1, $0xD;
	s1 =	sshrl.u32 s1, $0x2  }
0xc1: {  	s3 =	sand.u32 $0x4000, s31;
	s1 =	sadd.s32 s1, s30  }
0xc2: {  	s0 =	sor.u32 s3, s0;
	s1 =	sshll.u32 s1, $0x11  }
0xc3: {  	s0 =	sor.u32 s1, s0  }
0xc4: {  	s0 =	sadd.s32 $0x8F2B, s0  }
0xc5: {  	[sflag:s0] =	ssyncadd.remote.s32 $0x1  }
0xc6: {  	_ =	sfence.sel $0xFFFF  }
0xc7: {  	[dreg:$0x0] =	wrdreg $0xFFFFFFFF;
	(pc) =	sbr.abs _section_cstart, $3  }
0xc8: {  	[dreg:$0x1] =	wrdreg $0xFFFFFFFF  }
0xc9: {  	_ =	task.clear_ibuf [dreg:s8], $0x2FFFF;
	_ =	strace $0x9FFFFFFF  }
0xca: {  	(tm) =	ssettm $0x7FFFFFFF  }
0xcb: {  	_ =	shalt  }
tec
execute0_lowered:
.L_overlay_start_1:
0x0: {  	(tag) =	ssettag $0x1  }
0x1: {  	s1 =	rddreg [dreg:$0x0]  }
0x2: {  	s0 =	rddreg [dreg:$0x1]  }
0x3: {  	s5 =	rddreg [dreg:$0x2]  }
0x4: {  	s2 =	rddreg [dreg:$0x3]  }
0x5: {  	s3 =	simm.s32 $0x0;
	s4 =	srdreg.scid;
	s11 =	stileid.u32  }
0x6: {  	s16 =	simm.s32 $0x4E20;
	s30 =	simm.s32 $0xDA20;
	s28 =	simm.s32 $0x0  }
0x7: {  	[smem:$0x7FF] =	sst s3;
	s6 =	sand.u32 $0x1, s4;
	s8 =	smul.u32 $0x1380, s11  }
0x8: {  	s17 =	sadd.s32 $0x1C00, s5;
	s10 =	smul.u32 $0x27000, s11;
	s12 =	sadd.s32 $0x3000, s5  }
0x9: {  	s21 =	sshll.u32 s11, $0x6;
	s15 =	sadd.s32 $0x9C000, s2;
	p0 =	sne.s32 s11, $0x0  }
0xa: {  	_ =	strace $0x80000047;
	[dreg:$0x5] =	wrdreg s17;
	s20 =	smul.u32 $0x13880, s6  }
0xb: {  	s7 =	sshll.u32 s6, $0x4;
	s9 =	ssub.s32 $0x2, s6;
	s22 =	smul.u32 $0x9C400, s6  }
0xc: {  	s5 =	sor.u32 $0x1C0B, s21;
	s21 =	simm.s32 $0x8A20;
	s17 =	simm.s32 $0x10220  }
0xd: {  	s7 =	sor.u32 s11, s7;
	s18 =	sshrl.u32 s9, $0x1;
	s19 =	sshrl.u32 s10, $0x2  }
0xe: {  	s7 =	smul.u32 $0x2710, s7;
	s13 =	ssub.s32 s9, s18;
	s14 =	sadd.s32 s19, s2  }
0xf: {  	s25 =	sadd.s32 s8, s20;
	s26 =	sshrl.u32 s22, $0x3;
	s18 =	simm.s32 $0x1  }
0x10: {  	s19 =	simm.s32 $0x4;
	s20 =	simm.s32 $0x5;
	s22 =	simm.s32 $0x6  }
0x11: {  	s29 =	sadd.s32 s12, s26;
	s31 =	smax.u32 s13, $0x1;
	s11 =	sshrl.u32 s14, $0x3  }
0x12: {  	s13 =	sshrl.u32 @!p0 s15, $0x3;
	s15 =	simm.s32 $0x50;
	s23 =	sshrl.u32 s7, $0x3  }
.Ltmp0:
0x13: {  	[dreg:$0xa] =	wrdreg s31;
	s24 =	sadd.s32 s0, s23;
	(pc) =	sbr.rel .LBB2_1-.Ltmp0, $4  }
0x14: {  	s26 =	simm.s32 $0xA;
	s0 =	sadd.s32 s12, s25;
	[dreg:$0x6] =	wrdreg s24  }
0x15: {  	s12 =	simm.s32 $0xB;
	s3 =	sadd.s32 $0x9C40, s24;
	[dreg:$0x8] =	wrdreg s0  }
0x16: {  	s23 =	simm.s32 $0x9E20;
	s0 =	sadd.s32 $0x13800, s29;
	[dreg:$0x7] =	wrdreg s3  }
0x17: {  	s25 =	simm.s32 $0xB220;
	s24 =	simm.s32 $0x8;
	[dreg:$0x9] =	wrdreg s0  }
.LBB2_6:
0x18: {  	_ =	swait.ge [sflag:s20], $0x1400  }
0x19: {  	[sflag:s20] =	ssyncset.done $0x0  }
0x1a: {  	s0 =	sadd.s32 $0x2850, s0;
	[sflag:s20] =	ssyncadd.s32 $0xFFFFEC00  }
0x1b: {  	[spmem:s2] =	stream.indirect.scatter.add.f32 [tilespmem:s23], [sflag:$0xB], $0x40, s0, s15, $0xb8;
	[tilespmem:$0x1B260] =	vst v63  }
0x1c: {  	_ =	swait.ge [sflag:s12], $0x1400  }
0x1d: {  	[sflag:s12] =	ssyncset.done $0x0  }
0x1e: {  	[sflag:s12] =	ssyncadd.s32 $0xFFFFEC00  }
.LBB2_4:
0x1f: {  	[bflag:$0x0] =	sbarrier.arrive $0xFFFF  }
0x20: {  	s0 =	rddreg [dreg:$0x8]  }
0x21: {  	[hbm:s0], [sflag:s5] =	dma.local [spmem:s11], $0x1380  }
0x22: {  	_ =	swait.ge [sflag:s12], $0x1380  }
0x23: {  	[sflag:s12] =	ssyncset.done $0x0  }
0x24: {  	s0 =	rddreg [dreg:$0x9];
	[sflag:s12] =	ssyncadd.s32 $0xFFFFEC80  }
0x25: {  	[hbm:s0], [sflag:s5] =	dma.local @!p0 [spmem:s13], $0x80  }
0x26: {  	s0 =	simm.s32 @!p0 $0xB  }
0x27: {  	_ =	swait.ge @!p0 [sflag:s0], $0x80  }
0x28: {  	s28 =	sadd.s32 $0x1, s28;
	s3 =	rddreg [dreg:$0xa]  }
0x29: {  	p1 =	sne.s32 s28, s3  }
.Ltmp1:
0x2a: {  	_ = 	snop;
	(pc) =	sbr.rel @!p1 .LBB2_5-.Ltmp1, $3  }
0x2b: {  	_ =	sdelay $0x1  }
0x2c: {  	[sflag:s0] =	ssyncset.done @!p0 $0x0  }
0x2d: {  	[sflag:s0] =	ssyncadd.s32 @!p0 $0xFFFFFF80  }
.LBB2_1:
0x2e: {  	s0 =	rddreg [dreg:$0x5]  }
0x2f: {  	[spmem:s11], [sflag:s5] =	dma.local [hbm:s0], $0x1380  }
0x30: {  	_ =	swait.ge [sflag:s12], $0x1380  }
0x31: {  	[sflag:s12] =	ssyncset.done $0x0  }
0x32: {  	[sflag:s12] =	ssyncadd.s32 $0xFFFFEC80  }
0x33: {  	[spmem:s13], [sflag:s5] =	dma.local @!p0 [hbm:s0], $0x80  }
0x34: {  	s0 =	simm.s32 @!p0 $0xB  }
0x35: {  	_ =	swait.ge @!p0 [sflag:s0], $0x80  }
0x36: {  	[sflag:s0] =	ssyncset.done @!p0 $0x0  }
0x37: {  	s6 =	simm.s32 $0x0;
	s3 =	rddreg [dreg:$0x6];
	[sflag:s0] =	ssyncadd.s32 @!p0 $0xFFFFFF80  }
0x38: {  	[tilespmem:s6], [sflag:$0xB] =	stream.linear.gather [hbm4b:s3+s6], $0x2710, $0x38;
	[tilespmem:$0x1B260] =	vst v63  }
0x39: {  	_ =	swait.ge [sflag:s12], $0x2710  }
0x3a: {  	[sflag:s12] =	ssyncset.done $0x0  }
0x3b: {  	s4 =	simm.s32 $0x2710;
	s7 =	rddreg [dreg:$0x7];
	[sflag:s12] =	ssyncadd.s32 $0xFFFFD8F0  }
0x3c: {  	[tilespmem:s4], [sflag:$0xB] =	stream.linear.gather [hbm4b:s7+s6], $0x2710, $0x38;
	[tilespmem:$0x1B260] =	vst v63  }
0x3d: {  	_ =	swait.ge [sflag:s12], $0x2710  }
0x3e: {  	[sflag:s12] =	ssyncset.done $0x0  }
0x3f: {  	[sflag:s12] =	ssyncadd.s32 $0xFFFFD8F0  }
0x40: {  	[bflag:$0x0] =	sbarrier.arrive $0xFFFF  }
0x41: {  	[tilespmem:s16], [sflag:$0x1] =	stream.indirect.gather [hbm4b:s1+s15], $0x40, s6, s15, $0xb8;
	[tilespmem:$0x1B260] =	vst v63  }
0x42: {  	s8 =	simm.s32 $0x6220  }
0x43: {  	[tilespmem:s8], [sflag:$0x2] =	stream.indirect.gather [hbm4b:s1+s15], $0x40, s15, s15, $0xb8;
	[tilespmem:$0x1B260] =	vst v63  }
0x44: {  	s9 =	simm.s32 $0xA0;
	s10 =	simm.s32 $0x7620  }
0x45: {  	[tilespmem:s10], [sflag:$0x3] =	stream.indirect.gather [hbm4b:s1+s15], $0x40, s9, s15, $0xb8;
	[tilespmem:$0x1B260] =	vst v63  }
0x46: {  	s14 =	simm.s32 $0xF0  }
0x47: {  	[tilespmem:s21], [sflag:$0x4] =	stream.indirect.gather [hbm4b:s1+s15], $0x40, s14, s15, $0xb8;
	[tilespmem:$0x1B260] =	vst v63  }
0x48: {  	s3 =	simm.s32 $0x140  }
0x49: {  	[tilespmem:s23], [sflag:$0x5] =	stream.indirect.gather [hbm4b:s1+s15], $0x40, s3, s15, $0xb8;
	[tilespmem:$0x1B260] =	vst v63  }
0x4a: {  	s4 =	simm.s32 $0x190  }
0x4b: {  	[tilespmem:s25], [sflag:$0x6] =	stream.indirect.gather [hbm4b:s1+s15], $0x40, s4, s15, $0xb8;
	[tilespmem:$0x1B260] =	vst v63  }
0x4c: {  	s7 =	simm.s32 $0xC620;
	s6 =	simm.s32 $0x1E0  }
0x4d: {  	[tilespmem:s7], [sflag:$0x7] =	stream.indirect.gather [hbm4b:s1+s15], $0x40, s6, s15, $0xb8;
	[tilespmem:$0x1B260] =	vst v63  }
0x4e: {  	s8 =	simm.s32 $0x230  }
0x4f: {  	[tilespmem:s30], [sflag:$0x8] =	stream.indirect.gather [hbm4b:s1+s15], $0x40, s8, s15, $0xb8;
	[tilespmem:$0x1B260] =	vst v63  }
0x50: {  	s9 =	simm.s32 $0x280;
	s10 =	simm.s32 $0xEE20  }
0x51: {  	[tilespmem:s10], [sflag:$0x9] =	stream.indirect.gather [hbm4b:s1+s15], $0x40, s9, s15, $0xb8;
	[tilespmem:$0x1B260] =	vst v63  }
0x52: {  	s29 =	simm.s32 $0x0;
	s31 =	simm.s32 $0x0;
	s14 =	simm.s32 $0x2D0  }
0x53: {  	[tilespmem:s17], [sflag:$0xA] =	stream.indirect.gather [hbm4b:s1+s15], $0x40, s14, s15, $0xb8;
	[tilespmem:$0x1B260] =	vst v63  }
.LBB2_2:
0x54: {  	_ =	swait.ge [sflag:s18], $0x1400  }
0x55: {  	s0 =	sshra.s32 s29, $0x2;
	[sflag:s18] =	ssyncset.done $0x0  }
0x56: {  	s14 =	sadd.s32 $0x2710, s0;
	[sflag:s18] =	ssyncadd.s32 $0xFFFFEC00  }
0x57: {  	[spmem:s2] =	stream.indirect.scatter.add.f32 [tilespmem:s16], [sflag:$0xB], $0x40, s14, s15, $0xb8;
	[tilespmem:$0x1B260] =	vst v63  }
0x58: {  	_ =	swait.ge [sflag:s12], $0x1400  }
0x59: {  	p1 =	seq.s32 s29, $0x9600;
	[sflag:s12] =	ssyncset.done $0x0  }
0x5a: {  	s14 =	simm.s32 @p1 $0x2;
	[sflag:s12] =	ssyncadd.s32 $0xFFFFEC00  }
0x5b: {  	_ =	swait.ge @p1 [sflag:s14], $0x1400  }
0x5c: {  	s7 =	simm.s32 @p1 $0x4CE0;
	[sflag:s14] =	ssyncset.done @p1 $0x0  }
0x5d: {  	s8 =	simm.s32 @p1 $0x6220;
	[sflag:s14] =	ssyncadd.s32 @p1 $0xFFFFEC00;
	s14 =	simm.s32 @p1 $0x50  }
0x5e: {  	[spmem:s2] =	stream.indirect.scatter.add.f32 @p1 [tilespmem:s8], [sflag:$0xB], $0x40, s7, s14, $0xb8;
	[tilespmem:$0x1B260] =	vst v63  }
0x5f: {  	s7 =	simm.s32 @p1 $0xB  }
0x60: {  	_ =	swait.ge @p1 [sflag:s7], $0x1400  }
0x61: {  	[sflag:s7] =	ssyncset.done @p1 $0x0  }
0x62: {  	s8 =	simm.s32 @p1 $0x3;
	[sflag:s7] =	ssyncadd.s32 @p1 $0xFFFFEC00  }
0x63: {  	_ =	swait.ge @p1 [sflag:s8], $0x1400  }
0x64: {  	s9 =	sshra.s32 @p1 s29, $0x2;
	[sflag:s8] =	ssyncset.done @p1 $0x0  }
0x65: {  	[sflag:s8] =	ssyncadd.s32 @p1 $0xFFFFEC00;
	s8 =	sadd.s32 @p1 $0x27B0, s9;
	s9 =	simm.s32 @p1 $0x7620  }
0x66: {  	[spmem:s2] =	stream.indirect.scatter.add.f32 @p1 [tilespmem:s9], [sflag:$0xB], $0x40, s8, s14, $0xb8;
	[tilespmem:$0x1B260] =	vst v63  }
0x67: {  	_ =	swait.ge @p1 [sflag:s7], $0x1400  }
0x68: {  	[sflag:s7] =	ssyncset.done @p1 $0x0  }
0x69: {  	[sflag:s7] =	ssyncadd.s32 @p1 $0xFFFFEC00;
	s7 =	sshra.s32 @!p1 s29, $0x2  }
0x6a: {  	s9 =	simm.s32 @!p1 $0x50;
	s14 =	simm.s32 @!p1 $0x4E20;
	s8 =	sadd.s32 @!p1 $0x320, s7  }
0x6b: {  	[tilespmem:s14], [sflag:$0x1] =	stream.indirect.gather @!p1 [hbm4b:s1+s9], $0x40, s8, s9, $0xb8;
	[tilespmem:$0x1B260] =	vst v63  }
0x6c: {  	s8 =	simm.s32 @!p1 $0x2  }
0x6d: {  	_ =	swait.ge @!p1 [sflag:s8], $0x1400  }
0x6e: {  	[sflag:s8] =	ssyncset.done @!p1 $0x0  }
0x6f: {  	s14 =	simm.s32 @!p1 $0x6220;
	[sflag:s8] =	ssyncadd.s32 @!p1 $0xFFFFEC00;
	s8 =	sadd.s32 @!p1 $0x2760, s7  }
0x70: {  	[spmem:s2] =	stream.indirect.scatter.add.f32 @!p1 [tilespmem:s14], [sflag:$0xB], $0x40, s8, s9, $0xb8;
	[tilespmem:$0x1B260] =	vst v63  }
0x71: {  	s8 =	simm.s32 @!p1 $0xB  }
0x72: {  	_ =	swait.ge @!p1 [sflag:s8], $0x1400  }
0x73: {  	[sflag:s8] =	ssyncset.done @!p1 $0x0  }
0x74: {  	s10 =	sadd.s32 @!p1 $0x370, s7;
	[sflag:s8] =	ssyncadd.s32 @!p1 $0xFFFFEC00  }
0x75: {  	[tilespmem:s14], [sflag:$0x2] =	stream.indirect.gather @!p1 [hbm4b:s1+s9], $0x40, s10, s9, $0xb8;
	[tilespmem:$0x1B260] =	vst v63  }
0x76: {  	s10 =	simm.s32 @!p1 $0x3  }
0x77: {  	_ =	swait.ge @!p1 [sflag:s10], $0x1400  }
0x78: {  	[sflag:s10] =	ssyncset.done @!p1 $0x0  }
0x79: {  	s14 =	simm.s32 @!p1 $0x7620;
	[sflag:s10] =	ssyncadd.s32 @!p1 $0xFFFFEC00;
	s10 =	sadd.s32 @!p1 $0x27B0, s7  }
0x7a: {  	[spmem:s2] =	stream.indirect.scatter.add.f32 @!p1 [tilespmem:s14], [sflag:$0xB], $0x40, s10, s9, $0xb8;
	[tilespmem:$0x1B260] =	vst v63  }
0x7b: {  	_ =	swait.ge @!p1 [sflag:s8], $0x1400  }
0x7c: {  	[sflag:s8] =	ssyncset.done @!p1 $0x0  }
0x7d: {  	s7 =	sadd.s32 @!p1 $0x3C0, s7;
	[sflag:s8] =	ssyncadd.s32 @!p1 $0xFFFFEC00  }
0x7e: {  	[tilespmem:s14], [sflag:$0x3] =	stream.indirect.gather @!p1 [hbm4b:s1+s9], $0x40, s7, s9, $0xb8;
	[tilespmem:$0x1B260] =	vst v63  }
0x7f: {  	_ =	swait.ge [sflag:s19], $0x1400  }
0x80: {  	[sflag:s19] =	ssyncset.done $0x0  }
.Ltmp2:
0x81: {  	s14 =	sadd.s32 $0x2800, s0;
	[sflag:s19] =	ssyncadd.s32 $0xFFFFEC00;
	(pc) =	sbr.rel @p1 .LBB2_6-.Ltmp2, $4  }
0x82: {  	[spmem:s2] =	stream.indirect.scatter.add.f32 [tilespmem:s21], [sflag:$0xB], $0x40, s14, s15, $0xb8;
	[tilespmem:$0x1B260] =	vst v63  }
0x83: {  	_ =	swait.ge [sflag:s12], $0x1400  }
0x84: {  	[sflag:s12] =	ssyncset.done $0x0  }
0x85: {  	[sflag:s12] =	ssyncadd.s32 $0xFFFFEC00  }
0x86: {  	s7 =	sadd.s32 $0x410, s0  }
0x87: {  	[tilespmem:s21], [sflag:$0x4] =	stream.indirect.gather [hbm4b:s1+s15], $0x40, s7, s15, $0xb8;
	[tilespmem:$0x1B260] =	vst v63  }
0x88: {  	_ =	swait.ge [sflag:s20], $0x1400  }
0x89: {  	[sflag:s20] =	ssyncset.done $0x0  }
0x8a: {  	s8 =	sadd.s32 $0x2850, s0;
	[sflag:s20] =	ssyncadd.s32 $0xFFFFEC00  }
0x8b: {  	[spmem:s2] =	stream.indirect.scatter.add.f32 [tilespmem:s23], [sflag:$0xB], $0x40, s8, s15, $0xb8;
	[tilespmem:$0x1B260] =	vst v63  }
0x8c: {  	_ =	swait.ge [sflag:s12], $0x1400  }
0x8d: {  	[sflag:s12] =	ssyncset.done $0x0  }
0x8e: {  	s9 =	sadd.s32 $0x460, s0;
	[sflag:s12] =	ssyncadd.s32 $0xFFFFEC00  }
0x8f: {  	[tilespmem:s23], [sflag:$0x5] =	stream.indirect.gather [hbm4b:s1+s15], $0x40, s9, s15, $0xb8;
	[tilespmem:$0x1B260] =	vst v63  }
0x90: {  	_ =	swait.ge [sflag:s22], $0x1400  }
0x91: {  	[sflag:s22] =	ssyncset.done $0x0  }
0x92: {  	s10 =	sadd.s32 $0x28A0, s0;
	[sflag:s22] =	ssyncadd.s32 $0xFFFFEC00  }
0x93: {  	[spmem:s2] =	stream.indirect.scatter.add.f32 [tilespmem:s25], [sflag:$0xB], $0x40, s10, s15, $0xb8;
	[tilespmem:$0x1B260] =	vst v63  }
0x94: {  	_ =	swait.ge [sflag:s12], $0x1400  }
0x95: {  	p1 =	sgt.u32 s31, $0xA;
	[sflag:s12] =	ssyncset.done $0x0  }
0x96: {  	s7 =	simm.s32 @p1 $0x7;
	[sflag:s12] =	ssyncadd.s32 $0xFFFFEC00  }
0x97: {  	_ =	swait.ge @p1 [sflag:s7], $0x1400  }
0x98: {  	[sflag:s7] =	ssyncset.done @p1 $0x0  }
0x99: {  	[sflag:s7] =	ssyncadd.s32 @p1 $0xFFFFEC00;
	s7 =	sshra.s32 @p1 s29, $0x2  }
0x9a: {  	s9 =	simm.s32 @p1 $0x50;
	s10 =	simm.s32 @p1 $0xC620;
	s8 =	sadd.s32 @p1 $0x28F0, s7  }
0x9b: {  	[spmem:s2] =	stream.indirect.scatter.add.f32 @p1 [tilespmem:s10], [sflag:$0xB], $0x40, s8, s9, $0xb8;
	[tilespmem:$0x1B260] =	vst v63  }
0x9c: {  	s8 =	simm.s32 @p1 $0xB  }
0x9d: {  	_ =	swait.ge @p1 [sflag:s8], $0x1400  }
0x9e: {  	s6 =	simm.s32 @!p1 $0x50;
	s10 =	sshra.s32 @!p1 s29, $0x2;
	[sflag:s8] =	ssyncset.done @p1 $0x0  }
0x9f: {  	s3 =	simm.s32 @!p1 $0xB220;
	s14 =	sadd.s32 @!p1 $0x4B0, s10;
	[sflag:s8] =	ssyncadd.s32 @p1 $0xFFFFEC00  }
0xa0: {  	[tilespmem:s3], [sflag:$0x6] =	stream.indirect.gather @!p1 [hbm4b:s1+s6], $0x40, s14, s6, $0xb8;
	[tilespmem:$0x1B260] =	vst v63  }
0xa1: {  	s3 =	simm.s32 @!p1 $0x7  }
0xa2: {  	_ =	swait.ge @!p1 [sflag:s3], $0x1400  }
0xa3: {  	[sflag:s3] =	ssyncset.done @!p1 $0x0  }
0xa4: {  	s14 =	simm.s32 @!p1 $0xC620;
	[sflag:s3] =	ssyncadd.s32 @!p1 $0xFFFFEC00;
	s3 =	sadd.s32 @!p1 $0x28F0, s10  }
0xa5: {  	[spmem:s2] =	stream.indirect.scatter.add.f32 @!p1 [tilespmem:s14], [sflag:$0xB], $0x40, s3, s6, $0xb8;
	[tilespmem:$0x1B260] =	vst v63  }
0xa6: {  	s3 =	simm.s32 @!p1 $0xB  }
0xa7: {  	_ =	swait.ge @!p1 [sflag:s3], $0x1400  }
0xa8: {  	[sflag:s3] =	ssyncset.done @!p1 $0x0  }
0xa9: {  	s4 =	sadd.s32 @!p1 $0x500, s10;
	[sflag:s3] =	ssyncadd.s32 @!p1 $0xFFFFEC00  }
0xaa: {  	[tilespmem:s14], [sflag:$0x7] =	stream.indirect.gather @!p1 [hbm4b:s1+s6], $0x40, s4, s6, $0xb8;
	[tilespmem:$0x1B260] =	vst v63  }
0xab: {  	_ =	swait.ge [sflag:s24], $0x1400  }
0xac: {  	[sflag:s24] =	ssyncset.done $0x0  }
0xad: {  	s14 =	sadd.s32 $0x2940, s0;
	[sflag:s24] =	ssyncadd.s32 $0xFFFFEC00  }
0xae: {  	[spmem:s2] =	stream.indirect.scatter.add.f32 [tilespmem:s30], [sflag:$0xB], $0x40, s14, s15, $0xb8;
	[tilespmem:$0x1B260] =	vst v63  }
0xaf: {  	_ =	swait.ge [sflag:s12], $0x1400  }
0xb0: {  	[sflag:s12] =	ssyncset.done $0x0  }
0xb1: {  	s4 =	simm.s32 @p1 $0x9;
	[sflag:s12] =	ssyncadd.s32 $0xFFFFEC00  }
0xb2: {  	_ =	swait.ge @p1 [sflag:s4], $0x1400  }
0xb3: {  	[sflag:s4] =	ssyncset.done @p1 $0x0  }
0xb4: {  	[sflag:s4] =	ssyncadd.s32 @p1 $0xFFFFEC00;
	s4 =	sadd.s32 @p1 $0x2990, s7;
	s7 =	simm.s32 @p1 $0xEE20  }
0xb5: {  	[spmem:s2] =	stream.indirect.scatter.add.f32 @p1 [tilespmem:s7], [sflag:$0xB], $0x40, s4, s9, $0xb8;
	[tilespmem:$0x1B260] =	vst v63  }
0xb6: {  	_ =	swait.ge @p1 [sflag:s8], $0x1400  }
0xb7: {  	[sflag:s8] =	ssyncset.done @p1 $0x0  }
0xb8: {  	s4 =	sadd.s32 @!p1 $0x550, s10;
	s7 =	simm.s32 @!p1 $0xDA20;
	[sflag:s8] =	ssyncadd.s32 @p1 $0xFFFFEC00  }
0xb9: {  	[tilespmem:s7], [sflag:$0x8] =	stream.indirect.gather @!p1 [hbm4b:s1+s6], $0x40, s4, s6, $0xb8;
	[tilespmem:$0x1B260] =	vst v63  }
0xba: {  	s4 =	simm.s32 @!p1 $0x9  }
0xbb: {  	_ =	swait.ge @!p1 [sflag:s4], $0x1400  }
0xbc: {  	[sflag:s4] =	ssyncset.done @!p1 $0x0  }
0xbd: {  	s7 =	simm.s32 @!p1 $0xEE20;
	[sflag:s4] =	ssyncadd.s32 @!p1 $0xFFFFEC00;
	s4 =	sadd.s32 @!p1 $0x2990, s10  }
0xbe: {  	[spmem:s2] =	stream.indirect.scatter.add.f32 @!p1 [tilespmem:s7], [sflag:$0xB], $0x40, s4, s6, $0xb8;
	[tilespmem:$0x1B260] =	vst v63  }
0xbf: {  	_ =	swait.ge @!p1 [sflag:s3], $0x1400  }
0xc0: {  	[sflag:s3] =	ssyncset.done @!p1 $0x0  }
0xc1: {  	[sflag:s3] =	ssyncadd.s32 @!p1 $0xFFFFEC00;
	s3 =	sadd.s32 @!p1 $0x5A0, s10  }
0xc2: {  	[tilespmem:s7], [sflag:$0x9] =	stream.indirect.gather @!p1 [hbm4b:s1+s6], $0x40, s3, s6, $0xb8;
	[tilespmem:$0x1B260] =	vst v63  }
0xc3: {  	_ =	swait.ge [sflag:s26], $0x1400  }
0xc4: {  	[sflag:s26] =	ssyncset.done $0x0  }
0xc5: {  	s14 =	sadd.s32 $0x29E0, s0;
	[sflag:s26] =	ssyncadd.s32 $0xFFFFEC00  }
0xc6: {  	[spmem:s2] =	stream.indirect.scatter.add.f32 [tilespmem:s17], [sflag:$0xB], $0x40, s14, s15, $0xb8;
	[tilespmem:$0x1B260] =	vst v63  }
0xc7: {  	_ =	swait.ge [sflag:s12], $0x1400  }
0xc8: {  	s29 =	sadd.s32 $0xC80, s29;
	[sflag:s12] =	ssyncset.done $0x0  }
0xc9: {  	s0 =	sadd.s32 @!p1 $0x5F0, s10;
	s3 =	simm.s32 @!p1 $0x10220;
	[sflag:s12] =	ssyncadd.s32 $0xFFFFEC00  }
0xca: {  	[tilespmem:s3], [sflag:$0xA] =	stream.indirect.gather @!p1 [hbm4b:s1+s6], $0x40, s0, s6, $0xb8;
	[tilespmem:$0x1B260] =	vst v63  }
0xcb: {  	p1 =	sne.s32 s29, $0xA280  }
.Ltmp3:
0xcc: {  	_ = 	snop;
	(pc) =	sbr.rel @p1 .LBB2_2-.Ltmp3, $4  }
.Ltmp4:
0xcd: {  	_ = 	snop;
	(pc) =	sbr.rel @!p1 .LBB2_4-.Ltmp4, $4  }
0xce: {  	_ = 	snop  }
0xcf: {  	_ = 	snop  }
0xd0: {  	s31 =	sadd.s32 $0x1, s31  }
0xd1: {  	_ = 	snop  }
.LBB2_5:
0xd2: {  	_ =	sfence.sel $0x180000  }
0xd3: {  	[bflag:$0x0] =	sbarrier.arrive $0xFFFF  }
0xd4: {  	_ =	strace $0x90000047  }
0xd5: {  	[bflag:$0x2] =	sbarrier.arrive $0xFFFF  }
0xd6: {  	s0 =	rddreg [dreg:$0x4]  }
0xd7: {  	s0 =	sadd.s32 @!p0 $0x100000, s0  }
0xd8: {  	[sflag:s0] =	ssyncadd.tile.s32 @!p0 $0x1;
	_ =	shalt  }
.Lfunc_end2:
_tile_overlayer_lowered:
.L_overlay_start_2:
0xd9: {  	(tag) =	ssettag $0x2  }
0xda: {  	s0 =	rddreg [dreg:$0x0];
	s2 =	stileid.u32  }
0xdb: {  	s1 =	rddreg [dreg:$0x1];
	p0 =	sne.s32 s2, $0x0  }
0xdc: {  	s3 =	rddreg [dreg:$0x2];
	[bflag:$0x3] =	sbarrier.arrive $0xFFFF;
	s2 =	simm.s32 @!p0 $0x1C0B  }
0xdd: {  	[timem:s3], [sflag:s2] =	dma.local @!p0 [hbm:s0], s1  }
0xde: {  	s0 =	simm.s32 @!p0 $0xB  }
0xdf: {  	_ =	swait.ge @!p0 [sflag:s0], s1  }
0xe0: {  	s1 =	ssub.s32 @!p0 $0x0, s1;
	[sflag:s0] =	ssyncset.done @!p0 $0x0  }
0xe1: {  	[sflag:s0] =	ssyncadd.s32 @!p0 s1  }
0xe2: {  	[bflag:$0x3] =	sbarrier.arrive $0xFFFF  }
0xe3: {  	_ =	shalt  }

</sc_bundles>
